<compile_context>
chip_gen: v7x
topology: tpu7x:2x2x1
jax: 0.10.2.dev20260603
libtpu: 0.0.44.dev20260713+nightly
codegen_flags: <defaults>
</compile_context>

<pallas_src>
import jax
import jax.numpy as jnp
from jax import lax
from jax.experimental import pallas as pl
from jax.experimental.pallas import tpu as pltpu
from jax.experimental.pallas import tpu_sc as plsc

_BATCH = 4096
_FIELDS = 26
_LANES = 16
_NUM_CORES = 2
_NUM_SUBCORES = 16
_NUM_WORKERS = _NUM_CORES * _NUM_SUBCORES
_BPW = _BATCH // _NUM_WORKERS
_CHUNKS = _BPW // _LANES
_SLAB = _FIELDS * _BPW


def _wid():
    return lax.axis_index("s") * _NUM_CORES + lax.axis_index("c")


def _body_idx(xt_hbm, off_hbm, idx_hbm, xv, off_v, idx1d, sem_x):
    w = _wid()
    base = w * _BPW

    cpx = pltpu.make_async_copy(xt_hbm.at[:, pl.ds(base, _BPW)], xv, sem_x)
    cpx.start()
    pltpu.sync_copy(off_hbm, off_v)
    cpx.wait()

    for f in range(_FIELDS):
        off_b = off_v[f, :]
        for c in range(_CHUNKS):
            idx1d[pl.ds(f * _BPW + c * _LANES, _LANES)] = (
                xv[f, pl.ds(c * _LANES, _LANES)] + off_b)

    pltpu.sync_copy(idx1d, idx_hbm.at[w])


def _body_gather(idx_hbm, bias_hbm, table_hbm, out_hbm,
                 idx1d, val1d, bias_v, acc_v, sem_g):
    w = _wid()
    base = w * _BPW

    pltpu.sync_copy(idx_hbm.at[w], idx1d)
    pltpu.sync_copy(bias_hbm, bias_v)

    cp = pltpu.make_async_copy(table_hbm.at[idx1d], val1d, sem_g)
    cp.start()
    cp.wait()

    bias_vec = bias_v[...]
    accs = [bias_vec] * _CHUNKS
    for f in range(_FIELDS):
        for c in range(_CHUNKS):
            accs[c] = accs[c] + val1d[pl.ds(f * _BPW + c * _LANES, _LANES)]
    for c in range(_CHUNKS):
        acc_v[pl.ds(c * _LANES, _LANES)] = accs[c]

    pltpu.sync_copy(acc_v, out_hbm.at[pl.ds(base, _BPW)])


@jax.jit
def kernel(x, table, bias, offsets):
    bias_b = jnp.broadcast_to(bias.astype(jnp.float32), (_LANES,))
    off_b2d = jnp.broadcast_to(
        offsets.astype(jnp.int32)[:, None], (_FIELDS, _LANES))
    x_t = x.T
    table_flat = table.reshape(-1)
    mesh = plsc.VectorSubcoreMesh(core_axis_name="c", subcore_axis_name="s",
                                  num_cores=_NUM_CORES,
                                  num_subcores=_NUM_SUBCORES)
    params = pltpu.CompilerParams(needs_layout_passes=False)

    run_idx = pl.kernel(
        _body_idx,
        out_type=jax.ShapeDtypeStruct((_NUM_WORKERS, _SLAB), jnp.int32),
        mesh=mesh,
        compiler_params=params,
        scratch_types=[
            pltpu.VMEM((_FIELDS, _BPW), jnp.int32),
            pltpu.VMEM((_FIELDS, _LANES), jnp.int32),
            pltpu.VMEM((_SLAB,), jnp.int32),
            pltpu.SemaphoreType.DMA,
        ],
    )
    idx_all = run_idx(x_t, off_b2d)

    run_gather = pl.kernel(
        _body_gather,
        out_type=jax.ShapeDtypeStruct((_BATCH,), jnp.float32),
        mesh=mesh,
        compiler_params=params,
        scratch_types=[
            pltpu.VMEM((_SLAB,), jnp.int32),
            pltpu.VMEM((_SLAB,), jnp.float32),
            pltpu.VMEM((_LANES,), jnp.float32),
            pltpu.VMEM((_BPW,), jnp.float32),
            pltpu.SemaphoreType.DMA,
        ],
    )
    out = run_gather(idx_all, bias_b, table_flat)
    return out.reshape(_BATCH, 1)

# --- scband reference (transcript-rebuilt; emitter-appended) ---
"""Pipeline reference for scband-wide-model-58274116272321 (READ-ONLY COPY).

The authoritative reference and input builder live on the scoring server;
editing this copy changes nothing except your own understanding.
"""

import jax, jax.numpy as jnp
import numpy as np

BATCH = 4096
FIELDS = 26
PER_FIELD = 100000
OUTPUT_DIM = 1


def setup_inputs(seed: int = 0) -> dict:
    key = jax.random.key(seed)
    k1, k2 = jax.random.split(key, 2)
    x = jax.random.randint(k1, (BATCH, FIELDS), 0, PER_FIELD, dtype=jnp.int32)
    table = jax.random.normal(k2, (FIELDS * PER_FIELD, OUTPUT_DIM), dtype=jnp.float32) * 0.01
    bias = jnp.zeros((OUTPUT_DIM,), dtype=jnp.float32)
    offsets = (jnp.arange(FIELDS, dtype=jnp.int32) * PER_FIELD)
    return {"x": x, "table": table, "bias": bias, "offsets": offsets}


def reference(x, table, bias, offsets):
    # x = x + offsets (per-field cumulative offsets), then embedding lookup,
    # sum over fields, add bias -- faithful to WideModel.forward
    idx = x + offsets[None, :]
    emb = jnp.take(table, idx, axis=0)  # [B, F, output_dim]
    return jnp.sum(emb, axis=1) + bias  # [B, output_dim]

if __name__ == "__main__":
    import jax
    _d = setup_inputs()
    print(jax.jit(kernel)(*tuple(_d.values())))

</pallas_src>

<mosaic_0001>
#map = affine_map<(d0, d1) -> (0, 0)>
#map1 = affine_map<(d0, d1) -> (0)>
module attributes {stable_mosaic.version = 14 : i64} {
  func.func @_body_gather(%arg0: i32, %arg1: i32, %arg2: memref<32x3328xi32, #tpu.memory_space<hbm>>, %arg3: memref<16xf32, #tpu.memory_space<hbm>>, %arg4: memref<2600000xf32, #tpu.memory_space<hbm>>, %arg5: memref<4096xf32, #tpu.memory_space<hbm>>, %arg6: memref<3328xi32, #tpu.memory_space<vmem>>, %arg7: memref<3328xf32, #tpu.memory_space<vmem>>, %arg8: memref<16xf32, #tpu.memory_space<vmem>>, %arg9: memref<128xf32, #tpu.memory_space<vmem>>, %arg10: memref<!tpu.dma_semaphore, #tpu.memory_space<semaphore_mem>>) attributes {dimension_semantics = [#tpu.dimension_semantics<core_parallel>, #tpu.dimension_semantics<subcore_parallel>], iteration_bounds = array<i64: 2, 16>, scalar_prefetch = 0 : i64, scratch_operands = 5 : i64, tpu.core_type = #tpu.core_type<sc_vector_subcore>, window_params = [{transform_indices = #map}, {transform_indices = #map1}, {transform_indices = #map1}, {transform_indices = #map1}]} {
    %mul3A = arith.constant 2 : i32
    %mul3A_0 = arith.muli %arg1, %mul3A : i32
    %add3A = arith.addi %mul3A_0, %arg0 : i32
    %mul3A_1 = arith.constant 128 : i32
    %mul3A_2 = arith.muli %add3A, %mul3A_1 : i32
    "tpu.region"() ({
      %run_scoped3A = tpu.sem_alloc : memref<!tpu.dma_semaphore, #tpu.memory_space<semaphore_mem>>
      %dma_start3A_645 = arith.constant 0 : i32
      %dma_start3A_646 = tpu.memref_slice %arg2[%add3A, %dma_start3A_645] : memref<32x3328xi32, #tpu.memory_space<hbm>> -> memref<1x3328xi32, #tpu.memory_space<hbm>>
      %dma_start3A_647 = tpu.memref_squeeze %dma_start3A_646 : memref<1x3328xi32, #tpu.memory_space<hbm>> -> memref<3328xi32, #tpu.memory_space<hbm>>
      %dma_start3A_648 = arith.constant 0 : i32
      %dma_start3A_649 = tpu.memref_slice %arg2[%add3A, %dma_start3A_648] : memref<32x3328xi32, #tpu.memory_space<hbm>> -> memref<1x3328xi32, #tpu.memory_space<hbm>>
      %dma_start3A_650 = tpu.memref_squeeze %dma_start3A_649 : memref<1x3328xi32, #tpu.memory_space<hbm>> -> memref<3328xi32, #tpu.memory_space<hbm>>
      tpu.enqueue_dma source(%dma_start3A_650 : memref<3328xi32, #tpu.memory_space<hbm>>) target(%arg6 : memref<3328xi32, #tpu.memory_space<vmem>>) target_semaphore(%run_scoped3A : memref<!tpu.dma_semaphore, #tpu.memory_space<semaphore_mem>>)
      %dma_wait3A_651 = arith.constant 0 : i32
      %dma_wait3A_652 = tpu.memref_slice %arg2[%add3A, %dma_wait3A_651] : memref<32x3328xi32, #tpu.memory_space<hbm>> -> memref<1x3328xi32, #tpu.memory_space<hbm>>
      %dma_wait3A_653 = tpu.memref_squeeze %dma_wait3A_652 : memref<1x3328xi32, #tpu.memory_space<hbm>> -> memref<3328xi32, #tpu.memory_space<hbm>>
      %dma_wait3A_654 = arith.constant 0 : i32
      %dma_wait3A_655 = tpu.memref_slice %arg2[%add3A, %dma_wait3A_654] : memref<32x3328xi32, #tpu.memory_space<hbm>> -> memref<1x3328xi32, #tpu.memory_space<hbm>>
      %dma_wait3A_656 = tpu.memref_squeeze %dma_wait3A_655 : memref<1x3328xi32, #tpu.memory_space<hbm>> -> memref<3328xi32, #tpu.memory_space<hbm>>
      tpu.wait_dma2 semaphore(%run_scoped3A : memref<!tpu.dma_semaphore, #tpu.memory_space<semaphore_mem>>) src(%dma_wait3A_656 : memref<3328xi32, #tpu.memory_space<hbm>>) dst(%arg6 : memref<3328xi32, #tpu.memory_space<vmem>>)
      tpu.yield
    }) : () -> ()
    "tpu.region"() ({
      %run_scoped3A = tpu.sem_alloc : memref<!tpu.dma_semaphore, #tpu.memory_space<semaphore_mem>>
      tpu.enqueue_dma source(%arg3 : memref<16xf32, #tpu.memory_space<hbm>>) target(%arg8 : memref<16xf32, #tpu.memory_space<vmem>>) target_semaphore(%run_scoped3A : memref<!tpu.dma_semaphore, #tpu.memory_space<semaphore_mem>>)
      tpu.wait_dma2 semaphore(%run_scoped3A : memref<!tpu.dma_semaphore, #tpu.memory_space<semaphore_mem>>) src(%arg3 : memref<16xf32, #tpu.memory_space<hbm>>) dst(%arg8 : memref<16xf32, #tpu.memory_space<vmem>>)
      tpu.yield
    }) : () -> ()
    %dma_start3A = arith.constant 0 : i32
    %dma_start3A_3 = tpu.memref_slice %arg4[%dma_start3A] : memref<2600000xf32, #tpu.memory_space<hbm>> -> memref<2600000xf32, #tpu.memory_space<hbm>>
    tpu.enqueue_indirect_dma source(%dma_start3A_3 : memref<2600000xf32, #tpu.memory_space<hbm>>) target(%arg7 : memref<3328xf32, #tpu.memory_space<vmem>>) offsets(%arg6 : memref<3328xi32, #tpu.memory_space<vmem>>) semaphore(%arg10 : memref<!tpu.dma_semaphore, #tpu.memory_space<semaphore_mem>>)
    %dma_wait3A = arith.constant 0 : i32
    %dma_wait3A_4 = tpu.memref_slice %arg4[%dma_wait3A] : memref<2600000xf32, #tpu.memory_space<hbm>> -> memref<2600000xf32, #tpu.memory_space<hbm>>
    tpu.wait_indirect_dma semaphore(%arg10 : memref<!tpu.dma_semaphore, #tpu.memory_space<semaphore_mem>>) src(%dma_wait3A_4 : memref<2600000xf32, #tpu.memory_space<hbm>>) dst(%arg7 : memref<3328xf32, #tpu.memory_space<vmem>>)
    %get3A = arith.constant 0 : index
    %get3A_5 = tpu.vector_load %arg8[%get3A] {strides = array<i32>} : memref<16xf32, #tpu.memory_space<vmem>>, vector<16xf32>,
    %get3A_6 = arith.constant 0 : index
    %get3A_7 = tpu.vector_load %arg7[%get3A_6] {strides = array<i32>} : memref<3328xf32, #tpu.memory_space<vmem>>, vector<16xf32>,
    %add3A_8 = arith.addf %get3A_5, %get3A_7 : vector<16xf32>
    %get3A_9 = arith.constant 16 : index
    %get3A_10 = tpu.vector_load %arg7[%get3A_9] {strides = array<i32>} : memref<3328xf32, #tpu.memory_space<vmem>>, vector<16xf32>,
    %add3A_11 = arith.addf %get3A_5, %get3A_10 : vector<16xf32>
    %get3A_12 = arith.constant 32 : index
    %get3A_13 = tpu.vector_load %arg7[%get3A_12] {strides = array<i32>} : memref<3328xf32, #tpu.memory_space<vmem>>, vector<16xf32>,
    %add3A_14 = arith.addf %get3A_5, %get3A_13 : vector<16xf32>
    %get3A_15 = arith.constant 48 : index
    %get3A_16 = tpu.vector_load %arg7[%get3A_15] {strides = array<i32>} : memref<3328xf32, #tpu.memory_space<vmem>>, vector<16xf32>,
    %add3A_17 = arith.addf %get3A_5, %get3A_16 : vector<16xf32>
    %get3A_18 = arith.constant 64 : index
    %get3A_19 = tpu.vector_load %arg7[%get3A_18] {strides = array<i32>} : memref<3328xf32, #tpu.memory_space<vmem>>, vector<16xf32>,
    %add3A_20 = arith.addf %get3A_5, %get3A_19 : vector<16xf32>
    %get3A_21 = arith.constant 80 : index
    %get3A_22 = tpu.vector_load %arg7[%get3A_21] {strides = array<i32>} : memref<3328xf32, #tpu.memory_space<vmem>>, vector<16xf32>,
    %add3A_23 = arith.addf %get3A_5, %get3A_22 : vector<16xf32>
    %get3A_24 = arith.constant 96 : index
    %get3A_25 = tpu.vector_load %arg7[%get3A_24] {strides = array<i32>} : memref<3328xf32, #tpu.memory_space<vmem>>, vector<16xf32>,
    %add3A_26 = arith.addf %get3A_5, %get3A_25 : vector<16xf32>
    %get3A_27 = arith.constant 112 : index
    %get3A_28 = tpu.vector_load %arg7[%get3A_27] {strides = array<i32>} : memref<3328xf32, #tpu.memory_space<vmem>>, vector<16xf32>,
    %add3A_29 = arith.addf %get3A_5, %get3A_28 : vector<16xf32>
    %get3A_30 = arith.constant 128 : index
    %get3A_31 = tpu.vector_load %arg7[%get3A_30] {strides = array<i32>} : memref<3328xf32, #tpu.memory_space<vmem>>, vector<16xf32>,
    %add3A_32 = arith.addf %add3A_8, %get3A_31 : vector<16xf32>
    %get3A_33 = arith.constant 144 : index
    %get3A_34 = tpu.vector_load %arg7[%get3A_33] {strides = array<i32>} : memref<3328xf32, #tpu.memory_space<vmem>>, vector<16xf32>,
    %add3A_35 = arith.addf %add3A_11, %get3A_34 : vector<16xf32>
    %get3A_36 = arith.constant 160 : index
    %get3A_37 = tpu.vector_load %arg7[%get3A_36] {strides = array<i32>} : memref<3328xf32, #tpu.memory_space<vmem>>, vector<16xf32>,
    %add3A_38 = arith.addf %add3A_14, %get3A_37 : vector<16xf32>
    %get3A_39 = arith.constant 176 : index
    %get3A_40 = tpu.vector_load %arg7[%get3A_39] {strides = array<i32>} : memref<3328xf32, #tpu.memory_space<vmem>>, vector<16xf32>,
    %add3A_41 = arith.addf %add3A_17, %get3A_40 : vector<16xf32>
    %get3A_42 = arith.constant 192 : index
    %get3A_43 = tpu.vector_load %arg7[%get3A_42] {strides = array<i32>} : memref<3328xf32, #tpu.memory_space<vmem>>, vector<16xf32>,
    %add3A_44 = arith.addf %add3A_20, %get3A_43 : vector<16xf32>
    %get3A_45 = arith.constant 208 : index
    %get3A_46 = tpu.vector_load %arg7[%get3A_45] {strides = array<i32>} : memref<3328xf32, #tpu.memory_space<vmem>>, vector<16xf32>,
    %add3A_47 = arith.addf %add3A_23, %get3A_46 : vector<16xf32>
    %get3A_48 = arith.constant 224 : index
    %get3A_49 = tpu.vector_load %arg7[%get3A_48] {strides = array<i32>} : memref<3328xf32, #tpu.memory_space<vmem>>, vector<16xf32>,
    %add3A_50 = arith.addf %add3A_26, %get3A_49 : vector<16xf32>
    %get3A_51 = arith.constant 240 : index
    %get3A_52 = tpu.vector_load %arg7[%get3A_51] {strides = array<i32>} : memref<3328xf32, #tpu.memory_space<vmem>>, vector<16xf32>,
    %add3A_53 = arith.addf %add3A_29, %get3A_52 : vector<16xf32>
    %get3A_54 = arith.constant 256 : index
    %get3A_55 = tpu.vector_load %arg7[%get3A_54] {strides = array<i32>} : memref<3328xf32, #tpu.memory_space<vmem>>, vector<16xf32>,
    %add3A_56 = arith.addf %add3A_32, %get3A_55 : vector<16xf32>
    %get3A_57 = arith.constant 272 : index
    %get3A_58 = tpu.vector_load %arg7[%get3A_57] {strides = array<i32>} : memref<3328xf32, #tpu.memory_space<vmem>>, vector<16xf32>,
    %add3A_59 = arith.addf %add3A_35, %get3A_58 : vector<16xf32>
    %get3A_60 = arith.constant 288 : index
    %get3A_61 = tpu.vector_load %arg7[%get3A_60] {strides = array<i32>} : memref<3328xf32, #tpu.memory_space<vmem>>, vector<16xf32>,
    %add3A_62 = arith.addf %add3A_38, %get3A_61 : vector<16xf32>
    %get3A_63 = arith.constant 304 : index
    %get3A_64 = tpu.vector_load %arg7[%get3A_63] {strides = array<i32>} : memref<3328xf32, #tpu.memory_space<vmem>>, vector<16xf32>,
    %add3A_65 = arith.addf %add3A_41, %get3A_64 : vector<16xf32>
    %get3A_66 = arith.constant 320 : index
    %get3A_67 = tpu.vector_load %arg7[%get3A_66] {strides = array<i32>} : memref<3328xf32, #tpu.memory_space<vmem>>, vector<16xf32>,
    %add3A_68 = arith.addf %add3A_44, %get3A_67 : vector<16xf32>
    %get3A_69 = arith.constant 336 : index
    %get3A_70 = tpu.vector_load %arg7[%get3A_69] {strides = array<i32>} : memref<3328xf32, #tpu.memory_space<vmem>>, vector<16xf32>,
    %add3A_71 = arith.addf %add3A_47, %get3A_70 : vector<16xf32>
    %get3A_72 = arith.constant 352 : index
    %get3A_73 = tpu.vector_load %arg7[%get3A_72] {strides = array<i32>} : memref<3328xf32, #tpu.memory_space<vmem>>, vector<16xf32>,
    %add3A_74 = arith.addf %add3A_50, %get3A_73 : vector<16xf32>
    %get3A_75 = arith.constant 368 : index
    %get3A_76 = tpu.vector_load %arg7[%get3A_75] {strides = array<i32>} : memref<3328xf32, #tpu.memory_space<vmem>>, vector<16xf32>,
    %add3A_77 = arith.addf %add3A_53, %get3A_76 : vector<16xf32>
    %get3A_78 = arith.constant 384 : index
    %get3A_79 = tpu.vector_load %arg7[%get3A_78] {strides = array<i32>} : memref<3328xf32, #tpu.memory_space<vmem>>, vector<16xf32>,
    %add3A_80 = arith.addf %add3A_56, %get3A_79 : vector<16xf32>
    %get3A_81 = arith.constant 400 : index
    %get3A_82 = tpu.vector_load %arg7[%get3A_81] {strides = array<i32>} : memref<3328xf32, #tpu.memory_space<vmem>>, vector<16xf32>,
    %add3A_83 = arith.addf %add3A_59, %get3A_82 : vector<16xf32>
    %get3A_84 = arith.constant 416 : index
    %get3A_85 = tpu.vector_load %arg7[%get3A_84] {strides = array<i32>} : memref<3328xf32, #tpu.memory_space<vmem>>, vector<16xf32>,
    %add3A_86 = arith.addf %add3A_62, %get3A_85 : vector<16xf32>
    %get3A_87 = arith.constant 432 : index
    %get3A_88 = tpu.vector_load %arg7[%get3A_87] {strides = array<i32>} : memref<3328xf32, #tpu.memory_space<vmem>>, vector<16xf32>,
    %add3A_89 = arith.addf %add3A_65, %get3A_88 : vector<16xf32>
    %get3A_90 = arith.constant 448 : index
    %get3A_91 = tpu.vector_load %arg7[%get3A_90] {strides = array<i32>} : memref<3328xf32, #tpu.memory_space<vmem>>, vector<16xf32>,
    %add3A_92 = arith.addf %add3A_68, %get3A_91 : vector<16xf32>
    %get3A_93 = arith.constant 464 : index
    %get3A_94 = tpu.vector_load %arg7[%get3A_93] {strides = array<i32>} : memref<3328xf32, #tpu.memory_space<vmem>>, vector<16xf32>,
    %add3A_95 = arith.addf %add3A_71, %get3A_94 : vector<16xf32>
    %get3A_96 = arith.constant 480 : index
    %get3A_97 = tpu.vector_load %arg7[%get3A_96] {strides = array<i32>} : memref<3328xf32, #tpu.memory_space<vmem>>, vector<16xf32>,
    %add3A_98 = arith.addf %add3A_74, %get3A_97 : vector<16xf32>
    %get3A_99 = arith.constant 496 : index
    %get3A_100 = tpu.vector_load %arg7[%get3A_99] {strides = array<i32>} : memref<3328xf32, #tpu.memory_space<vmem>>, vector<16xf32>,
    %add3A_101 = arith.addf %add3A_77, %get3A_100 : vector<16xf32>
    %get3A_102 = arith.constant 512 : index
    %get3A_103 = tpu.vector_load %arg7[%get3A_102] {strides = array<i32>} : memref<3328xf32, #tpu.memory_space<vmem>>, vector<16xf32>,
    %add3A_104 = arith.addf %add3A_80, %get3A_103 : vector<16xf32>
    %get3A_105 = arith.constant 528 : index
    %get3A_106 = tpu.vector_load %arg7[%get3A_105] {strides = array<i32>} : memref<3328xf32, #tpu.memory_space<vmem>>, vector<16xf32>,
    %add3A_107 = arith.addf %add3A_83, %get3A_106 : vector<16xf32>
    %get3A_108 = arith.constant 544 : index
    %get3A_109 = tpu.vector_load %arg7[%get3A_108] {strides = array<i32>} : memref<3328xf32, #tpu.memory_space<vmem>>, vector<16xf32>,
    %add3A_110 = arith.addf %add3A_86, %get3A_109 : vector<16xf32>
    %get3A_111 = arith.constant 560 : index
    %get3A_112 = tpu.vector_load %arg7[%get3A_111] {strides = array<i32>} : memref<3328xf32, #tpu.memory_space<vmem>>, vector<16xf32>,
    %add3A_113 = arith.addf %add3A_89, %get3A_112 : vector<16xf32>
    %get3A_114 = arith.constant 576 : index
    %get3A_115 = tpu.vector_load %arg7[%get3A_114] {strides = array<i32>} : memref<3328xf32, #tpu.memory_space<vmem>>, vector<16xf32>,
    %add3A_116 = arith.addf %add3A_92, %get3A_115 : vector<16xf32>
    %get3A_117 = arith.constant 592 : index
    %get3A_118 = tpu.vector_load %arg7[%get3A_117] {strides = array<i32>} : memref<3328xf32, #tpu.memory_space<vmem>>, vector<16xf32>,
    %add3A_119 = arith.addf %add3A_95, %get3A_118 : vector<16xf32>
    %get3A_120 = arith.constant 608 : index
    %get3A_121 = tpu.vector_load %arg7[%get3A_120] {strides = array<i32>} : memref<3328xf32, #tpu.memory_space<vmem>>, vector<16xf32>,
    %add3A_122 = arith.addf %add3A_98, %get3A_121 : vector<16xf32>
    %get3A_123 = arith.constant 624 : index
    %get3A_124 = tpu.vector_load %arg7[%get3A_123] {strides = array<i32>} : memref<3328xf32, #tpu.memory_space<vmem>>, vector<16xf32>,
    %add3A_125 = arith.addf %add3A_101, %get3A_124 : vector<16xf32>
    %get3A_126 = arith.constant 640 : index
    %get3A_127 = tpu.vector_load %arg7[%get3A_126] {strides = array<i32>} : memref<3328xf32, #tpu.memory_space<vmem>>, vector<16xf32>,
    %add3A_128 = arith.addf %add3A_104, %get3A_127 : vector<16xf32>
    %get3A_129 = arith.constant 656 : index
    %get3A_130 = tpu.vector_load %arg7[%get3A_129] {strides = array<i32>} : memref<3328xf32, #tpu.memory_space<vmem>>, vector<16xf32>,
    %add3A_131 = arith.addf %add3A_107, %get3A_130 : vector<16xf32>
    %get3A_132 = arith.constant 672 : index
    %get3A_133 = tpu.vector_load %arg7[%get3A_132] {strides = array<i32>} : memref<3328xf32, #tpu.memory_space<vmem>>, vector<16xf32>,
    %add3A_134 = arith.addf %add3A_110, %get3A_133 : vector<16xf32>
    %get3A_135 = arith.constant 688 : index
    %get3A_136 = tpu.vector_load %arg7[%get3A_135] {strides = array<i32>} : memref<3328xf32, #tpu.memory_space<vmem>>, vector<16xf32>,
    %add3A_137 = arith.addf %add3A_113, %get3A_136 : vector<16xf32>
    %get3A_138 = arith.constant 704 : index
    %get3A_139 = tpu.vector_load %arg7[%get3A_138] {strides = array<i32>} : memref<3328xf32, #tpu.memory_space<vmem>>, vector<16xf32>,
    %add3A_140 = arith.addf %add3A_116, %get3A_139 : vector<16xf32>
    %get3A_141 = arith.constant 720 : index
    %get3A_142 = tpu.vector_load %arg7[%get3A_141] {strides = array<i32>} : memref<3328xf32, #tpu.memory_space<vmem>>, vector<16xf32>,
    %add3A_143 = arith.addf %add3A_119, %get3A_142 : vector<16xf32>
    %get3A_144 = arith.constant 736 : index
    %get3A_145 = tpu.vector_load %arg7[%get3A_144] {strides = array<i32>} : memref<3328xf32, #tpu.memory_space<vmem>>, vector<16xf32>,
    %add3A_146 = arith.addf %add3A_122, %get3A_145 : vector<16xf32>
    %get3A_147 = arith.constant 752 : index
    %get3A_148 = tpu.vector_load %arg7[%get3A_147] {strides = array<i32>} : memref<3328xf32, #tpu.memory_space<vmem>>, vector<16xf32>,
    %add3A_149 = arith.addf %add3A_125, %get3A_148 : vector<16xf32>
    %get3A_150 = arith.constant 768 : index
    %get3A_151 = tpu.vector_load %arg7[%get3A_150] {strides = array<i32>} : memref<3328xf32, #tpu.memory_space<vmem>>, vector<16xf32>,
    %add3A_152 = arith.addf %add3A_128, %get3A_151 : vector<16xf32>
    %get3A_153 = arith.constant 784 : index
    %get3A_154 = tpu.vector_load %arg7[%get3A_153] {strides = array<i32>} : memref<3328xf32, #tpu.memory_space<vmem>>, vector<16xf32>,
    %add3A_155 = arith.addf %add3A_131, %get3A_154 : vector<16xf32>
    %get3A_156 = arith.constant 800 : index
    %get3A_157 = tpu.vector_load %arg7[%get3A_156] {strides = array<i32>} : memref<3328xf32, #tpu.memory_space<vmem>>, vector<16xf32>,
    %add3A_158 = arith.addf %add3A_134, %get3A_157 : vector<16xf32>
    %get3A_159 = arith.constant 816 : index
    %get3A_160 = tpu.vector_load %arg7[%get3A_159] {strides = array<i32>} : memref<3328xf32, #tpu.memory_space<vmem>>, vector<16xf32>,
    %add3A_161 = arith.addf %add3A_137, %get3A_160 : vector<16xf32>
    %get3A_162 = arith.constant 832 : index
    %get3A_163 = tpu.vector_load %arg7[%get3A_162] {strides = array<i32>} : memref<3328xf32, #tpu.memory_space<vmem>>, vector<16xf32>,
    %add3A_164 = arith.addf %add3A_140, %get3A_163 : vector<16xf32>
    %get3A_165 = arith.constant 848 : index
    %get3A_166 = tpu.vector_load %arg7[%get3A_165] {strides = array<i32>} : memref<3328xf32, #tpu.memory_space<vmem>>, vector<16xf32>,
    %add3A_167 = arith.addf %add3A_143, %get3A_166 : vector<16xf32>
    %get3A_168 = arith.constant 864 : index
    %get3A_169 = tpu.vector_load %arg7[%get3A_168] {strides = array<i32>} : memref<3328xf32, #tpu.memory_space<vmem>>, vector<16xf32>,
    %add3A_170 = arith.addf %add3A_146, %get3A_169 : vector<16xf32>
    %get3A_171 = arith.constant 880 : index
    %get3A_172 = tpu.vector_load %arg7[%get3A_171] {strides = array<i32>} : memref<3328xf32, #tpu.memory_space<vmem>>, vector<16xf32>,
    %add3A_173 = arith.addf %add3A_149, %get3A_172 : vector<16xf32>
    %get3A_174 = arith.constant 896 : index
    %get3A_175 = tpu.vector_load %arg7[%get3A_174] {strides = array<i32>} : memref<3328xf32, #tpu.memory_space<vmem>>, vector<16xf32>,
    %add3A_176 = arith.addf %add3A_152, %get3A_175 : vector<16xf32>
    %get3A_177 = arith.constant 912 : index
    %get3A_178 = tpu.vector_load %arg7[%get3A_177] {strides = array<i32>} : memref<3328xf32, #tpu.memory_space<vmem>>, vector<16xf32>,
    %add3A_179 = arith.addf %add3A_155, %get3A_178 : vector<16xf32>
    %get3A_180 = arith.constant 928 : index
    %get3A_181 = tpu.vector_load %arg7[%get3A_180] {strides = array<i32>} : memref<3328xf32, #tpu.memory_space<vmem>>, vector<16xf32>,
    %add3A_182 = arith.addf %add3A_158, %get3A_181 : vector<16xf32>
    %get3A_183 = arith.constant 944 : index
    %get3A_184 = tpu.vector_load %arg7[%get3A_183] {strides = array<i32>} : memref<3328xf32, #tpu.memory_space<vmem>>, vector<16xf32>,
    %add3A_185 = arith.addf %add3A_161, %get3A_184 : vector<16xf32>
    %get3A_186 = arith.constant 960 : index
    %get3A_187 = tpu.vector_load %arg7[%get3A_186] {strides = array<i32>} : memref<3328xf32, #tpu.memory_space<vmem>>, vector<16xf32>,
    %add3A_188 = arith.addf %add3A_164, %get3A_187 : vector<16xf32>
    %get3A_189 = arith.constant 976 : index
    %get3A_190 = tpu.vector_load %arg7[%get3A_189] {strides = array<i32>} : memref<3328xf32, #tpu.memory_space<vmem>>, vector<16xf32>,
    %add3A_191 = arith.addf %add3A_167, %get3A_190 : vector<16xf32>
    %get3A_192 = arith.constant 992 : index
    %get3A_193 = tpu.vector_load %arg7[%get3A_192] {strides = array<i32>} : memref<3328xf32, #tpu.memory_space<vmem>>, vector<16xf32>,
    %add3A_194 = arith.addf %add3A_170, %get3A_193 : vector<16xf32>
    %get3A_195 = arith.constant 1008 : index
    %get3A_196 = tpu.vector_load %arg7[%get3A_195] {strides = array<i32>} : memref<3328xf32, #tpu.memory_space<vmem>>, vector<16xf32>,
    %add3A_197 = arith.addf %add3A_173, %get3A_196 : vector<16xf32>
    %get3A_198 = arith.constant 1024 : index
    %get3A_199 = tpu.vector_load %arg7[%get3A_198] {strides = array<i32>} : memref<3328xf32, #tpu.memory_space<vmem>>, vector<16xf32>,
    %add3A_200 = arith.addf %add3A_176, %get3A_199 : vector<16xf32>
    %get3A_201 = arith.constant 1040 : index
    %get3A_202 = tpu.vector_load %arg7[%get3A_201] {strides = array<i32>} : memref<3328xf32, #tpu.memory_space<vmem>>, vector<16xf32>,
    %add3A_203 = arith.addf %add3A_179, %get3A_202 : vector<16xf32>
    %get3A_204 = arith.constant 1056 : index
    %get3A_205 = tpu.vector_load %arg7[%get3A_204] {strides = array<i32>} : memref<3328xf32, #tpu.memory_space<vmem>>, vector<16xf32>,
    %add3A_206 = arith.addf %add3A_182, %get3A_205 : vector<16xf32>
    %get3A_207 = arith.constant 1072 : index
    %get3A_208 = tpu.vector_load %arg7[%get3A_207] {strides = array<i32>} : memref<3328xf32, #tpu.memory_space<vmem>>, vector<16xf32>,
    %add3A_209 = arith.addf %add3A_185, %get3A_208 : vector<16xf32>
    %get3A_210 = arith.constant 1088 : index
    %get3A_211 = tpu.vector_load %arg7[%get3A_210] {strides = array<i32>} : memref<3328xf32, #tpu.memory_space<vmem>>, vector<16xf32>,
    %add3A_212 = arith.addf %add3A_188, %get3A_211 : vector<16xf32>
    %get3A_213 = arith.constant 1104 : index
    %get3A_214 = tpu.vector_load %arg7[%get3A_213] {strides = array<i32>} : memref<3328xf32, #tpu.memory_space<vmem>>, vector<16xf32>,
    %add3A_215 = arith.addf %add3A_191, %get3A_214 : vector<16xf32>
    %get3A_216 = arith.constant 1120 : index
    %get3A_217 = tpu.vector_load %arg7[%get3A_216] {strides = array<i32>} : memref<3328xf32, #tpu.memory_space<vmem>>, vector<16xf32>,
    %add3A_218 = arith.addf %add3A_194, %get3A_217 : vector<16xf32>
    %get3A_219 = arith.constant 1136 : index
    %get3A_220 = tpu.vector_load %arg7[%get3A_219] {strides = array<i32>} : memref<3328xf32, #tpu.memory_space<vmem>>, vector<16xf32>,
    %add3A_221 = arith.addf %add3A_197, %get3A_220 : vector<16xf32>
    %get3A_222 = arith.constant 1152 : index
    %get3A_223 = tpu.vector_load %arg7[%get3A_222] {strides = array<i32>} : memref<3328xf32, #tpu.memory_space<vmem>>, vector<16xf32>,
    %add3A_224 = arith.addf %add3A_200, %get3A_223 : vector<16xf32>
    %get3A_225 = arith.constant 1168 : index
    %get3A_226 = tpu.vector_load %arg7[%get3A_225] {strides = array<i32>} : memref<3328xf32, #tpu.memory_space<vmem>>, vector<16xf32>,
    %add3A_227 = arith.addf %add3A_203, %get3A_226 : vector<16xf32>
    %get3A_228 = arith.constant 1184 : index
    %get3A_229 = tpu.vector_load %arg7[%get3A_228] {strides = array<i32>} : memref<3328xf32, #tpu.memory_space<vmem>>, vector<16xf32>,
    %add3A_230 = arith.addf %add3A_206, %get3A_229 : vector<16xf32>
    %get3A_231 = arith.constant 1200 : index
    %get3A_232 = tpu.vector_load %arg7[%get3A_231] {strides = array<i32>} : memref<3328xf32, #tpu.memory_space<vmem>>, vector<16xf32>,
    %add3A_233 = arith.addf %add3A_209, %get3A_232 : vector<16xf32>
    %get3A_234 = arith.constant 1216 : index
    %get3A_235 = tpu.vector_load %arg7[%get3A_234] {strides = array<i32>} : memref<3328xf32, #tpu.memory_space<vmem>>, vector<16xf32>,
    %add3A_236 = arith.addf %add3A_212, %get3A_235 : vector<16xf32>
    %get3A_237 = arith.constant 1232 : index
    %get3A_238 = tpu.vector_load %arg7[%get3A_237] {strides = array<i32>} : memref<3328xf32, #tpu.memory_space<vmem>>, vector<16xf32>,
    %add3A_239 = arith.addf %add3A_215, %get3A_238 : vector<16xf32>
    %get3A_240 = arith.constant 1248 : index
    %get3A_241 = tpu.vector_load %arg7[%get3A_240] {strides = array<i32>} : memref<3328xf32, #tpu.memory_space<vmem>>, vector<16xf32>,
    %add3A_242 = arith.addf %add3A_218, %get3A_241 : vector<16xf32>
    %get3A_243 = arith.constant 1264 : index
    %get3A_244 = tpu.vector_load %arg7[%get3A_243] {strides = array<i32>} : memref<3328xf32, #tpu.memory_space<vmem>>, vector<16xf32>,
    %add3A_245 = arith.addf %add3A_221, %get3A_244 : vector<16xf32>
    %get3A_246 = arith.constant 1280 : index
    %get3A_247 = tpu.vector_load %arg7[%get3A_246] {strides = array<i32>} : memref<3328xf32, #tpu.memory_space<vmem>>, vector<16xf32>,
    %add3A_248 = arith.addf %add3A_224, %get3A_247 : vector<16xf32>
    %get3A_249 = arith.constant 1296 : index
    %get3A_250 = tpu.vector_load %arg7[%get3A_249] {strides = array<i32>} : memref<3328xf32, #tpu.memory_space<vmem>>, vector<16xf32>,
    %add3A_251 = arith.addf %add3A_227, %get3A_250 : vector<16xf32>
    %get3A_252 = arith.constant 1312 : index
    %get3A_253 = tpu.vector_load %arg7[%get3A_252] {strides = array<i32>} : memref<3328xf32, #tpu.memory_space<vmem>>, vector<16xf32>,
    %add3A_254 = arith.addf %add3A_230, %get3A_253 : vector<16xf32>
    %get3A_255 = arith.constant 1328 : index
    %get3A_256 = tpu.vector_load %arg7[%get3A_255] {strides = array<i32>} : memref<3328xf32, #tpu.memory_space<vmem>>, vector<16xf32>,
    %add3A_257 = arith.addf %add3A_233, %get3A_256 : vector<16xf32>
    %get3A_258 = arith.constant 1344 : index
    %get3A_259 = tpu.vector_load %arg7[%get3A_258] {strides = array<i32>} : memref<3328xf32, #tpu.memory_space<vmem>>, vector<16xf32>,
    %add3A_260 = arith.addf %add3A_236, %get3A_259 : vector<16xf32>
    %get3A_261 = arith.constant 1360 : index
    %get3A_262 = tpu.vector_load %arg7[%get3A_261] {strides = array<i32>} : memref<3328xf32, #tpu.memory_space<vmem>>, vector<16xf32>,
    %add3A_263 = arith.addf %add3A_239, %get3A_262 : vector<16xf32>
    %get3A_264 = arith.constant 1376 : index
    %get3A_265 = tpu.vector_load %arg7[%get3A_264] {strides = array<i32>} : memref<3328xf32, #tpu.memory_space<vmem>>, vector<16xf32>,
    %add3A_266 = arith.addf %add3A_242, %get3A_265 : vector<16xf32>
    %get3A_267 = arith.constant 1392 : index
    %get3A_268 = tpu.vector_load %arg7[%get3A_267] {strides = array<i32>} : memref<3328xf32, #tpu.memory_space<vmem>>, vector<16xf32>,
    %add3A_269 = arith.addf %add3A_245, %get3A_268 : vector<16xf32>
    %get3A_270 = arith.constant 1408 : index
    %get3A_271 = tpu.vector_load %arg7[%get3A_270] {strides = array<i32>} : memref<3328xf32, #tpu.memory_space<vmem>>, vector<16xf32>,
    %add3A_272 = arith.addf %add3A_248, %get3A_271 : vector<16xf32>
    %get3A_273 = arith.constant 1424 : index
    %get3A_274 = tpu.vector_load %arg7[%get3A_273] {strides = array<i32>} : memref<3328xf32, #tpu.memory_space<vmem>>, vector<16xf32>,
    %add3A_275 = arith.addf %add3A_251, %get3A_274 : vector<16xf32>
    %get3A_276 = arith.constant 1440 : index
    %get3A_277 = tpu.vector_load %arg7[%get3A_276] {strides = array<i32>} : memref<3328xf32, #tpu.memory_space<vmem>>, vector<16xf32>,
    %add3A_278 = arith.addf %add3A_254, %get3A_277 : vector<16xf32>
    %get3A_279 = arith.constant 1456 : index
    %get3A_280 = tpu.vector_load %arg7[%get3A_279] {strides = array<i32>} : memref<3328xf32, #tpu.memory_space<vmem>>, vector<16xf32>,
    %add3A_281 = arith.addf %add3A_257, %get3A_280 : vector<16xf32>
    %get3A_282 = arith.constant 1472 : index
    %get3A_283 = tpu.vector_load %arg7[%get3A_282] {strides = array<i32>} : memref<3328xf32, #tpu.memory_space<vmem>>, vector<16xf32>,
    %add3A_284 = arith.addf %add3A_260, %get3A_283 : vector<16xf32>
    %get3A_285 = arith.constant 1488 : index
    %get3A_286 = tpu.vector_load %arg7[%get3A_285] {strides = array<i32>} : memref<3328xf32, #tpu.memory_space<vmem>>, vector<16xf32>,
    %add3A_287 = arith.addf %add3A_263, %get3A_286 : vector<16xf32>
    %get3A_288 = arith.constant 1504 : index
    %get3A_289 = tpu.vector_load %arg7[%get3A_288] {strides = array<i32>} : memref<3328xf32, #tpu.memory_space<vmem>>, vector<16xf32>,
    %add3A_290 = arith.addf %add3A_266, %get3A_289 : vector<16xf32>
    %get3A_291 = arith.constant 1520 : index
    %get3A_292 = tpu.vector_load %arg7[%get3A_291] {strides = array<i32>} : memref<3328xf32, #tpu.memory_space<vmem>>, vector<16xf32>,
    %add3A_293 = arith.addf %add3A_269, %get3A_292 : vector<16xf32>
    %get3A_294 = arith.constant 1536 : index
    %get3A_295 = tpu.vector_load %arg7[%get3A_294] {strides = array<i32>} : memref<3328xf32, #tpu.memory_space<vmem>>, vector<16xf32>,
    %add3A_296 = arith.addf %add3A_272, %get3A_295 : vector<16xf32>
    %get3A_297 = arith.constant 1552 : index
    %get3A_298 = tpu.vector_load %arg7[%get3A_297] {strides = array<i32>} : memref<3328xf32, #tpu.memory_space<vmem>>, vector<16xf32>,
    %add3A_299 = arith.addf %add3A_275, %get3A_298 : vector<16xf32>
    %get3A_300 = arith.constant 1568 : index
    %get3A_301 = tpu.vector_load %arg7[%get3A_300] {strides = array<i32>} : memref<3328xf32, #tpu.memory_space<vmem>>, vector<16xf32>,
    %add3A_302 = arith.addf %add3A_278, %get3A_301 : vector<16xf32>
    %get3A_303 = arith.constant 1584 : index
    %get3A_304 = tpu.vector_load %arg7[%get3A_303] {strides = array<i32>} : memref<3328xf32, #tpu.memory_space<vmem>>, vector<16xf32>,
    %add3A_305 = arith.addf %add3A_281, %get3A_304 : vector<16xf32>
    %get3A_306 = arith.constant 1600 : index
    %get3A_307 = tpu.vector_load %arg7[%get3A_306] {strides = array<i32>} : memref<3328xf32, #tpu.memory_space<vmem>>, vector<16xf32>,
    %add3A_308 = arith.addf %add3A_284, %get3A_307 : vector<16xf32>
    %get3A_309 = arith.constant 1616 : index
    %get3A_310 = tpu.vector_load %arg7[%get3A_309] {strides = array<i32>} : memref<3328xf32, #tpu.memory_space<vmem>>, vector<16xf32>,
    %add3A_311 = arith.addf %add3A_287, %get3A_310 : vector<16xf32>
    %get3A_312 = arith.constant 1632 : index
    %get3A_313 = tpu.vector_load %arg7[%get3A_312] {strides = array<i32>} : memref<3328xf32, #tpu.memory_space<vmem>>, vector<16xf32>,
    %add3A_314 = arith.addf %add3A_290, %get3A_313 : vector<16xf32>
    %get3A_315 = arith.constant 1648 : index
    %get3A_316 = tpu.vector_load %arg7[%get3A_315] {strides = array<i32>} : memref<3328xf32, #tpu.memory_space<vmem>>, vector<16xf32>,
    %add3A_317 = arith.addf %add3A_293, %get3A_316 : vector<16xf32>
    %get3A_318 = arith.constant 1664 : index
    %get3A_319 = tpu.vector_load %arg7[%get3A_318] {strides = array<i32>} : memref<3328xf32, #tpu.memory_space<vmem>>, vector<16xf32>,
    %add3A_320 = arith.addf %add3A_296, %get3A_319 : vector<16xf32>
    %get3A_321 = arith.constant 1680 : index
    %get3A_322 = tpu.vector_load %arg7[%get3A_321] {strides = array<i32>} : memref<3328xf32, #tpu.memory_space<vmem>>, vector<16xf32>,
    %add3A_323 = arith.addf %add3A_299, %get3A_322 : vector<16xf32>
    %get3A_324 = arith.constant 1696 : index
    %get3A_325 = tpu.vector_load %arg7[%get3A_324] {strides = array<i32>} : memref<3328xf32, #tpu.memory_space<vmem>>, vector<16xf32>,
    %add3A_326 = arith.addf %add3A_302, %get3A_325 : vector<16xf32>
    %get3A_327 = arith.constant 1712 : index
    %get3A_328 = tpu.vector_load %arg7[%get3A_327] {strides = array<i32>} : memref<3328xf32, #tpu.memory_space<vmem>>, vector<16xf32>,
    %add3A_329 = arith.addf %add3A_305, %get3A_328 : vector<16xf32>
    %get3A_330 = arith.constant 1728 : index
    %get3A_331 = tpu.vector_load %arg7[%get3A_330] {strides = array<i32>} : memref<3328xf32, #tpu.memory_space<vmem>>, vector<16xf32>,
    %add3A_332 = arith.addf %add3A_308, %get3A_331 : vector<16xf32>
    %get3A_333 = arith.constant 1744 : index
    %get3A_334 = tpu.vector_load %arg7[%get3A_333] {strides = array<i32>} : memref<3328xf32, #tpu.memory_space<vmem>>, vector<16xf32>,
    %add3A_335 = arith.addf %add3A_311, %get3A_334 : vector<16xf32>
    %get3A_336 = arith.constant 1760 : index
    %get3A_337 = tpu.vector_load %arg7[%get3A_336] {strides = array<i32>} : memref<3328xf32, #tpu.memory_space<vmem>>, vector<16xf32>,
    %add3A_338 = arith.addf %add3A_314, %get3A_337 : vector<16xf32>
    %get3A_339 = arith.constant 1776 : index
    %get3A_340 = tpu.vector_load %arg7[%get3A_339] {strides = array<i32>} : memref<3328xf32, #tpu.memory_space<vmem>>, vector<16xf32>,
    %add3A_341 = arith.addf %add3A_317, %get3A_340 : vector<16xf32>
    %get3A_342 = arith.constant 1792 : index
    %get3A_343 = tpu.vector_load %arg7[%get3A_342] {strides = array<i32>} : memref<3328xf32, #tpu.memory_space<vmem>>, vector<16xf32>,
    %add3A_344 = arith.addf %add3A_320, %get3A_343 : vector<16xf32>
    %get3A_345 = arith.constant 1808 : index
    %get3A_346 = tpu.vector_load %arg7[%get3A_345] {strides = array<i32>} : memref<3328xf32, #tpu.memory_space<vmem>>, vector<16xf32>,
    %add3A_347 = arith.addf %add3A_323, %get3A_346 : vector<16xf32>
    %get3A_348 = arith.constant 1824 : index
    %get3A_349 = tpu.vector_load %arg7[%get3A_348] {strides = array<i32>} : memref<3328xf32, #tpu.memory_space<vmem>>, vector<16xf32>,
    %add3A_350 = arith.addf %add3A_326, %get3A_349 : vector<16xf32>
    %get3A_351 = arith.constant 1840 : index
    %get3A_352 = tpu.vector_load %arg7[%get3A_351] {strides = array<i32>} : memref<3328xf32, #tpu.memory_space<vmem>>, vector<16xf32>,
    %add3A_353 = arith.addf %add3A_329, %get3A_352 : vector<16xf32>
    %get3A_354 = arith.constant 1856 : index
    %get3A_355 = tpu.vector_load %arg7[%get3A_354] {strides = array<i32>} : memref<3328xf32, #tpu.memory_space<vmem>>, vector<16xf32>,
    %add3A_356 = arith.addf %add3A_332, %get3A_355 : vector<16xf32>
    %get3A_357 = arith.constant 1872 : index
    %get3A_358 = tpu.vector_load %arg7[%get3A_357] {strides = array<i32>} : memref<3328xf32, #tpu.memory_space<vmem>>, vector<16xf32>,
    %add3A_359 = arith.addf %add3A_335, %get3A_358 : vector<16xf32>
    %get3A_360 = arith.constant 1888 : index
    %get3A_361 = tpu.vector_load %arg7[%get3A_360] {strides = array<i32>} : memref<3328xf32, #tpu.memory_space<vmem>>, vector<16xf32>,
    %add3A_362 = arith.addf %add3A_338, %get3A_361 : vector<16xf32>
    %get3A_363 = arith.constant 1904 : index
    %get3A_364 = tpu.vector_load %arg7[%get3A_363] {strides = array<i32>} : memref<3328xf32, #tpu.memory_space<vmem>>, vector<16xf32>,
    %add3A_365 = arith.addf %add3A_341, %get3A_364 : vector<16xf32>
    %get3A_366 = arith.constant 1920 : index
    %get3A_367 = tpu.vector_load %arg7[%get3A_366] {strides = array<i32>} : memref<3328xf32, #tpu.memory_space<vmem>>, vector<16xf32>,
    %add3A_368 = arith.addf %add3A_344, %get3A_367 : vector<16xf32>
    %get3A_369 = arith.constant 1936 : index
    %get3A_370 = tpu.vector_load %arg7[%get3A_369] {strides = array<i32>} : memref<3328xf32, #tpu.memory_space<vmem>>, vector<16xf32>,
    %add3A_371 = arith.addf %add3A_347, %get3A_370 : vector<16xf32>
    %get3A_372 = arith.constant 1952 : index
    %get3A_373 = tpu.vector_load %arg7[%get3A_372] {strides = array<i32>} : memref<3328xf32, #tpu.memory_space<vmem>>, vector<16xf32>,
    %add3A_374 = arith.addf %add3A_350, %get3A_373 : vector<16xf32>
    %get3A_375 = arith.constant 1968 : index
    %get3A_376 = tpu.vector_load %arg7[%get3A_375] {strides = array<i32>} : memref<3328xf32, #tpu.memory_space<vmem>>, vector<16xf32>,
    %add3A_377 = arith.addf %add3A_353, %get3A_376 : vector<16xf32>
    %get3A_378 = arith.constant 1984 : index
    %get3A_379 = tpu.vector_load %arg7[%get3A_378] {strides = array<i32>} : memref<3328xf32, #tpu.memory_space<vmem>>, vector<16xf32>,
    %add3A_380 = arith.addf %add3A_356, %get3A_379 : vector<16xf32>
    %get3A_381 = arith.constant 2000 : index
    %get3A_382 = tpu.vector_load %arg7[%get3A_381] {strides = array<i32>} : memref<3328xf32, #tpu.memory_space<vmem>>, vector<16xf32>,
    %add3A_383 = arith.addf %add3A_359, %get3A_382 : vector<16xf32>
    %get3A_384 = arith.constant 2016 : index
    %get3A_385 = tpu.vector_load %arg7[%get3A_384] {strides = array<i32>} : memref<3328xf32, #tpu.memory_space<vmem>>, vector<16xf32>,
    %add3A_386 = arith.addf %add3A_362, %get3A_385 : vector<16xf32>
    %get3A_387 = arith.constant 2032 : index
    %get3A_388 = tpu.vector_load %arg7[%get3A_387] {strides = array<i32>} : memref<3328xf32, #tpu.memory_space<vmem>>, vector<16xf32>,
    %add3A_389 = arith.addf %add3A_365, %get3A_388 : vector<16xf32>
    %get3A_390 = arith.constant 2048 : index
    %get3A_391 = tpu.vector_load %arg7[%get3A_390] {strides = array<i32>} : memref<3328xf32, #tpu.memory_space<vmem>>, vector<16xf32>,
    %add3A_392 = arith.addf %add3A_368, %get3A_391 : vector<16xf32>
    %get3A_393 = arith.constant 2064 : index
    %get3A_394 = tpu.vector_load %arg7[%get3A_393] {strides = array<i32>} : memref<3328xf32, #tpu.memory_space<vmem>>, vector<16xf32>,
    %add3A_395 = arith.addf %add3A_371, %get3A_394 : vector<16xf32>
    %get3A_396 = arith.constant 2080 : index
    %get3A_397 = tpu.vector_load %arg7[%get3A_396] {strides = array<i32>} : memref<3328xf32, #tpu.memory_space<vmem>>, vector<16xf32>,
    %add3A_398 = arith.addf %add3A_374, %get3A_397 : vector<16xf32>
    %get3A_399 = arith.constant 2096 : index
    %get3A_400 = tpu.vector_load %arg7[%get3A_399] {strides = array<i32>} : memref<3328xf32, #tpu.memory_space<vmem>>, vector<16xf32>,
    %add3A_401 = arith.addf %add3A_377, %get3A_400 : vector<16xf32>
    %get3A_402 = arith.constant 2112 : index
    %get3A_403 = tpu.vector_load %arg7[%get3A_402] {strides = array<i32>} : memref<3328xf32, #tpu.memory_space<vmem>>, vector<16xf32>,
    %add3A_404 = arith.addf %add3A_380, %get3A_403 : vector<16xf32>
    %get3A_405 = arith.constant 2128 : index
    %get3A_406 = tpu.vector_load %arg7[%get3A_405] {strides = array<i32>} : memref<3328xf32, #tpu.memory_space<vmem>>, vector<16xf32>,
    %add3A_407 = arith.addf %add3A_383, %get3A_406 : vector<16xf32>
    %get3A_408 = arith.constant 2144 : index
    %get3A_409 = tpu.vector_load %arg7[%get3A_408] {strides = array<i32>} : memref<3328xf32, #tpu.memory_space<vmem>>, vector<16xf32>,
    %add3A_410 = arith.addf %add3A_386, %get3A_409 : vector<16xf32>
    %get3A_411 = arith.constant 2160 : index
    %get3A_412 = tpu.vector_load %arg7[%get3A_411] {strides = array<i32>} : memref<3328xf32, #tpu.memory_space<vmem>>, vector<16xf32>,
    %add3A_413 = arith.addf %add3A_389, %get3A_412 : vector<16xf32>
    %get3A_414 = arith.constant 2176 : index
    %get3A_415 = tpu.vector_load %arg7[%get3A_414] {strides = array<i32>} : memref<3328xf32, #tpu.memory_space<vmem>>, vector<16xf32>,
    %add3A_416 = arith.addf %add3A_392, %get3A_415 : vector<16xf32>
    %get3A_417 = arith.constant 2192 : index
    %get3A_418 = tpu.vector_load %arg7[%get3A_417] {strides = array<i32>} : memref<3328xf32, #tpu.memory_space<vmem>>, vector<16xf32>,
    %add3A_419 = arith.addf %add3A_395, %get3A_418 : vector<16xf32>
    %get3A_420 = arith.constant 2208 : index
    %get3A_421 = tpu.vector_load %arg7[%get3A_420] {strides = array<i32>} : memref<3328xf32, #tpu.memory_space<vmem>>, vector<16xf32>,
    %add3A_422 = arith.addf %add3A_398, %get3A_421 : vector<16xf32>
    %get3A_423 = arith.constant 2224 : index
    %get3A_424 = tpu.vector_load %arg7[%get3A_423] {strides = array<i32>} : memref<3328xf32, #tpu.memory_space<vmem>>, vector<16xf32>,
    %add3A_425 = arith.addf %add3A_401, %get3A_424 : vector<16xf32>
    %get3A_426 = arith.constant 2240 : index
    %get3A_427 = tpu.vector_load %arg7[%get3A_426] {strides = array<i32>} : memref<3328xf32, #tpu.memory_space<vmem>>, vector<16xf32>,
    %add3A_428 = arith.addf %add3A_404, %get3A_427 : vector<16xf32>
    %get3A_429 = arith.constant 2256 : index
    %get3A_430 = tpu.vector_load %arg7[%get3A_429] {strides = array<i32>} : memref<3328xf32, #tpu.memory_space<vmem>>, vector<16xf32>,
    %add3A_431 = arith.addf %add3A_407, %get3A_430 : vector<16xf32>
    %get3A_432 = arith.constant 2272 : index
    %get3A_433 = tpu.vector_load %arg7[%get3A_432] {strides = array<i32>} : memref<3328xf32, #tpu.memory_space<vmem>>, vector<16xf32>,
    %add3A_434 = arith.addf %add3A_410, %get3A_433 : vector<16xf32>
    %get3A_435 = arith.constant 2288 : index
    %get3A_436 = tpu.vector_load %arg7[%get3A_435] {strides = array<i32>} : memref<3328xf32, #tpu.memory_space<vmem>>, vector<16xf32>,
    %add3A_437 = arith.addf %add3A_413, %get3A_436 : vector<16xf32>
    %get3A_438 = arith.constant 2304 : index
    %get3A_439 = tpu.vector_load %arg7[%get3A_438] {strides = array<i32>} : memref<3328xf32, #tpu.memory_space<vmem>>, vector<16xf32>,
    %add3A_440 = arith.addf %add3A_416, %get3A_439 : vector<16xf32>
    %get3A_441 = arith.constant 2320 : index
    %get3A_442 = tpu.vector_load %arg7[%get3A_441] {strides = array<i32>} : memref<3328xf32, #tpu.memory_space<vmem>>, vector<16xf32>,
    %add3A_443 = arith.addf %add3A_419, %get3A_442 : vector<16xf32>
    %get3A_444 = arith.constant 2336 : index
    %get3A_445 = tpu.vector_load %arg7[%get3A_444] {strides = array<i32>} : memref<3328xf32, #tpu.memory_space<vmem>>, vector<16xf32>,
    %add3A_446 = arith.addf %add3A_422, %get3A_445 : vector<16xf32>
    %get3A_447 = arith.constant 2352 : index
    %get3A_448 = tpu.vector_load %arg7[%get3A_447] {strides = array<i32>} : memref<3328xf32, #tpu.memory_space<vmem>>, vector<16xf32>,
    %add3A_449 = arith.addf %add3A_425, %get3A_448 : vector<16xf32>
    %get3A_450 = arith.constant 2368 : index
    %get3A_451 = tpu.vector_load %arg7[%get3A_450] {strides = array<i32>} : memref<3328xf32, #tpu.memory_space<vmem>>, vector<16xf32>,
    %add3A_452 = arith.addf %add3A_428, %get3A_451 : vector<16xf32>
    %get3A_453 = arith.constant 2384 : index
    %get3A_454 = tpu.vector_load %arg7[%get3A_453] {strides = array<i32>} : memref<3328xf32, #tpu.memory_space<vmem>>, vector<16xf32>,
    %add3A_455 = arith.addf %add3A_431, %get3A_454 : vector<16xf32>
    %get3A_456 = arith.constant 2400 : index
    %get3A_457 = tpu.vector_load %arg7[%get3A_456] {strides = array<i32>} : memref<3328xf32, #tpu.memory_space<vmem>>, vector<16xf32>,
    %add3A_458 = arith.addf %add3A_434, %get3A_457 : vector<16xf32>
    %get3A_459 = arith.constant 2416 : index
    %get3A_460 = tpu.vector_load %arg7[%get3A_459] {strides = array<i32>} : memref<3328xf32, #tpu.memory_space<vmem>>, vector<16xf32>,
    %add3A_461 = arith.addf %add3A_437, %get3A_460 : vector<16xf32>
    %get3A_462 = arith.constant 2432 : index
    %get3A_463 = tpu.vector_load %arg7[%get3A_462] {strides = array<i32>} : memref<3328xf32, #tpu.memory_space<vmem>>, vector<16xf32>,
    %add3A_464 = arith.addf %add3A_440, %get3A_463 : vector<16xf32>
    %get3A_465 = arith.constant 2448 : index
    %get3A_466 = tpu.vector_load %arg7[%get3A_465] {strides = array<i32>} : memref<3328xf32, #tpu.memory_space<vmem>>, vector<16xf32>,
    %add3A_467 = arith.addf %add3A_443, %get3A_466 : vector<16xf32>
    %get3A_468 = arith.constant 2464 : index
    %get3A_469 = tpu.vector_load %arg7[%get3A_468] {strides = array<i32>} : memref<3328xf32, #tpu.memory_space<vmem>>, vector<16xf32>,
    %add3A_470 = arith.addf %add3A_446, %get3A_469 : vector<16xf32>
    %get3A_471 = arith.constant 2480 : index
    %get3A_472 = tpu.vector_load %arg7[%get3A_471] {strides = array<i32>} : memref<3328xf32, #tpu.memory_space<vmem>>, vector<16xf32>,
    %add3A_473 = arith.addf %add3A_449, %get3A_472 : vector<16xf32>
    %get3A_474 = arith.constant 2496 : index
    %get3A_475 = tpu.vector_load %arg7[%get3A_474] {strides = array<i32>} : memref<3328xf32, #tpu.memory_space<vmem>>, vector<16xf32>,
    %add3A_476 = arith.addf %add3A_452, %get3A_475 : vector<16xf32>
    %get3A_477 = arith.constant 2512 : index
    %get3A_478 = tpu.vector_load %arg7[%get3A_477] {strides = array<i32>} : memref<3328xf32, #tpu.memory_space<vmem>>, vector<16xf32>,
    %add3A_479 = arith.addf %add3A_455, %get3A_478 : vector<16xf32>
    %get3A_480 = arith.constant 2528 : index
    %get3A_481 = tpu.vector_load %arg7[%get3A_480] {strides = array<i32>} : memref<3328xf32, #tpu.memory_space<vmem>>, vector<16xf32>,
    %add3A_482 = arith.addf %add3A_458, %get3A_481 : vector<16xf32>
    %get3A_483 = arith.constant 2544 : index
    %get3A_484 = tpu.vector_load %arg7[%get3A_483] {strides = array<i32>} : memref<3328xf32, #tpu.memory_space<vmem>>, vector<16xf32>,
    %add3A_485 = arith.addf %add3A_461, %get3A_484 : vector<16xf32>
    %get3A_486 = arith.constant 2560 : index
    %get3A_487 = tpu.vector_load %arg7[%get3A_486] {strides = array<i32>} : memref<3328xf32, #tpu.memory_space<vmem>>, vector<16xf32>,
    %add3A_488 = arith.addf %add3A_464, %get3A_487 : vector<16xf32>
    %get3A_489 = arith.constant 2576 : index
    %get3A_490 = tpu.vector_load %arg7[%get3A_489] {strides = array<i32>} : memref<3328xf32, #tpu.memory_space<vmem>>, vector<16xf32>,
    %add3A_491 = arith.addf %add3A_467, %get3A_490 : vector<16xf32>
    %get3A_492 = arith.constant 2592 : index
    %get3A_493 = tpu.vector_load %arg7[%get3A_492] {strides = array<i32>} : memref<3328xf32, #tpu.memory_space<vmem>>, vector<16xf32>,
    %add3A_494 = arith.addf %add3A_470, %get3A_493 : vector<16xf32>
    %get3A_495 = arith.constant 2608 : index
    %get3A_496 = tpu.vector_load %arg7[%get3A_495] {strides = array<i32>} : memref<3328xf32, #tpu.memory_space<vmem>>, vector<16xf32>,
    %add3A_497 = arith.addf %add3A_473, %get3A_496 : vector<16xf32>
    %get3A_498 = arith.constant 2624 : index
    %get3A_499 = tpu.vector_load %arg7[%get3A_498] {strides = array<i32>} : memref<3328xf32, #tpu.memory_space<vmem>>, vector<16xf32>,
    %add3A_500 = arith.addf %add3A_476, %get3A_499 : vector<16xf32>
    %get3A_501 = arith.constant 2640 : index
    %get3A_502 = tpu.vector_load %arg7[%get3A_501] {strides = array<i32>} : memref<3328xf32, #tpu.memory_space<vmem>>, vector<16xf32>,
    %add3A_503 = arith.addf %add3A_479, %get3A_502 : vector<16xf32>
    %get3A_504 = arith.constant 2656 : index
    %get3A_505 = tpu.vector_load %arg7[%get3A_504] {strides = array<i32>} : memref<3328xf32, #tpu.memory_space<vmem>>, vector<16xf32>,
    %add3A_506 = arith.addf %add3A_482, %get3A_505 : vector<16xf32>
    %get3A_507 = arith.constant 2672 : index
    %get3A_508 = tpu.vector_load %arg7[%get3A_507] {strides = array<i32>} : memref<3328xf32, #tpu.memory_space<vmem>>, vector<16xf32>,
    %add3A_509 = arith.addf %add3A_485, %get3A_508 : vector<16xf32>
    %get3A_510 = arith.constant 2688 : index
    %get3A_511 = tpu.vector_load %arg7[%get3A_510] {strides = array<i32>} : memref<3328xf32, #tpu.memory_space<vmem>>, vector<16xf32>,
    %add3A_512 = arith.addf %add3A_488, %get3A_511 : vector<16xf32>
    %get3A_513 = arith.constant 2704 : index
    %get3A_514 = tpu.vector_load %arg7[%get3A_513] {strides = array<i32>} : memref<3328xf32, #tpu.memory_space<vmem>>, vector<16xf32>,
    %add3A_515 = arith.addf %add3A_491, %get3A_514 : vector<16xf32>
    %get3A_516 = arith.constant 2720 : index
    %get3A_517 = tpu.vector_load %arg7[%get3A_516] {strides = array<i32>} : memref<3328xf32, #tpu.memory_space<vmem>>, vector<16xf32>,
    %add3A_518 = arith.addf %add3A_494, %get3A_517 : vector<16xf32>
    %get3A_519 = arith.constant 2736 : index
    %get3A_520 = tpu.vector_load %arg7[%get3A_519] {strides = array<i32>} : memref<3328xf32, #tpu.memory_space<vmem>>, vector<16xf32>,
    %add3A_521 = arith.addf %add3A_497, %get3A_520 : vector<16xf32>
    %get3A_522 = arith.constant 2752 : index
    %get3A_523 = tpu.vector_load %arg7[%get3A_522] {strides = array<i32>} : memref<3328xf32, #tpu.memory_space<vmem>>, vector<16xf32>,
    %add3A_524 = arith.addf %add3A_500, %get3A_523 : vector<16xf32>
    %get3A_525 = arith.constant 2768 : index
    %get3A_526 = tpu.vector_load %arg7[%get3A_525] {strides = array<i32>} : memref<3328xf32, #tpu.memory_space<vmem>>, vector<16xf32>,
    %add3A_527 = arith.addf %add3A_503, %get3A_526 : vector<16xf32>
    %get3A_528 = arith.constant 2784 : index
    %get3A_529 = tpu.vector_load %arg7[%get3A_528] {strides = array<i32>} : memref<3328xf32, #tpu.memory_space<vmem>>, vector<16xf32>,
    %add3A_530 = arith.addf %add3A_506, %get3A_529 : vector<16xf32>
    %get3A_531 = arith.constant 2800 : index
    %get3A_532 = tpu.vector_load %arg7[%get3A_531] {strides = array<i32>} : memref<3328xf32, #tpu.memory_space<vmem>>, vector<16xf32>,
    %add3A_533 = arith.addf %add3A_509, %get3A_532 : vector<16xf32>
    %get3A_534 = arith.constant 2816 : index
    %get3A_535 = tpu.vector_load %arg7[%get3A_534] {strides = array<i32>} : memref<3328xf32, #tpu.memory_space<vmem>>, vector<16xf32>,
    %add3A_536 = arith.addf %add3A_512, %get3A_535 : vector<16xf32>
    %get3A_537 = arith.constant 2832 : index
    %get3A_538 = tpu.vector_load %arg7[%get3A_537] {strides = array<i32>} : memref<3328xf32, #tpu.memory_space<vmem>>, vector<16xf32>,
    %add3A_539 = arith.addf %add3A_515, %get3A_538 : vector<16xf32>
    %get3A_540 = arith.constant 2848 : index
    %get3A_541 = tpu.vector_load %arg7[%get3A_540] {strides = array<i32>} : memref<3328xf32, #tpu.memory_space<vmem>>, vector<16xf32>,
    %add3A_542 = arith.addf %add3A_518, %get3A_541 : vector<16xf32>
    %get3A_543 = arith.constant 2864 : index
    %get3A_544 = tpu.vector_load %arg7[%get3A_543] {strides = array<i32>} : memref<3328xf32, #tpu.memory_space<vmem>>, vector<16xf32>,
    %add3A_545 = arith.addf %add3A_521, %get3A_544 : vector<16xf32>
    %get3A_546 = arith.constant 2880 : index
    %get3A_547 = tpu.vector_load %arg7[%get3A_546] {strides = array<i32>} : memref<3328xf32, #tpu.memory_space<vmem>>, vector<16xf32>,
    %add3A_548 = arith.addf %add3A_524, %get3A_547 : vector<16xf32>
    %get3A_549 = arith.constant 2896 : index
    %get3A_550 = tpu.vector_load %arg7[%get3A_549] {strides = array<i32>} : memref<3328xf32, #tpu.memory_space<vmem>>, vector<16xf32>,
    %add3A_551 = arith.addf %add3A_527, %get3A_550 : vector<16xf32>
    %get3A_552 = arith.constant 2912 : index
    %get3A_553 = tpu.vector_load %arg7[%get3A_552] {strides = array<i32>} : memref<3328xf32, #tpu.memory_space<vmem>>, vector<16xf32>,
    %add3A_554 = arith.addf %add3A_530, %get3A_553 : vector<16xf32>
    %get3A_555 = arith.constant 2928 : index
    %get3A_556 = tpu.vector_load %arg7[%get3A_555] {strides = array<i32>} : memref<3328xf32, #tpu.memory_space<vmem>>, vector<16xf32>,
    %add3A_557 = arith.addf %add3A_533, %get3A_556 : vector<16xf32>
    %get3A_558 = arith.constant 2944 : index
    %get3A_559 = tpu.vector_load %arg7[%get3A_558] {strides = array<i32>} : memref<3328xf32, #tpu.memory_space<vmem>>, vector<16xf32>,
    %add3A_560 = arith.addf %add3A_536, %get3A_559 : vector<16xf32>
    %get3A_561 = arith.constant 2960 : index
    %get3A_562 = tpu.vector_load %arg7[%get3A_561] {strides = array<i32>} : memref<3328xf32, #tpu.memory_space<vmem>>, vector<16xf32>,
    %add3A_563 = arith.addf %add3A_539, %get3A_562 : vector<16xf32>
    %get3A_564 = arith.constant 2976 : index
    %get3A_565 = tpu.vector_load %arg7[%get3A_564] {strides = array<i32>} : memref<3328xf32, #tpu.memory_space<vmem>>, vector<16xf32>,
    %add3A_566 = arith.addf %add3A_542, %get3A_565 : vector<16xf32>
    %get3A_567 = arith.constant 2992 : index
    %get3A_568 = tpu.vector_load %arg7[%get3A_567] {strides = array<i32>} : memref<3328xf32, #tpu.memory_space<vmem>>, vector<16xf32>,
    %add3A_569 = arith.addf %add3A_545, %get3A_568 : vector<16xf32>
    %get3A_570 = arith.constant 3008 : index
    %get3A_571 = tpu.vector_load %arg7[%get3A_570] {strides = array<i32>} : memref<3328xf32, #tpu.memory_space<vmem>>, vector<16xf32>,
    %add3A_572 = arith.addf %add3A_548, %get3A_571 : vector<16xf32>
    %get3A_573 = arith.constant 3024 : index
    %get3A_574 = tpu.vector_load %arg7[%get3A_573] {strides = array<i32>} : memref<3328xf32, #tpu.memory_space<vmem>>, vector<16xf32>,
    %add3A_575 = arith.addf %add3A_551, %get3A_574 : vector<16xf32>
    %get3A_576 = arith.constant 3040 : index
    %get3A_577 = tpu.vector_load %arg7[%get3A_576] {strides = array<i32>} : memref<3328xf32, #tpu.memory_space<vmem>>, vector<16xf32>,
    %add3A_578 = arith.addf %add3A_554, %get3A_577 : vector<16xf32>
    %get3A_579 = arith.constant 3056 : index
    %get3A_580 = tpu.vector_load %arg7[%get3A_579] {strides = array<i32>} : memref<3328xf32, #tpu.memory_space<vmem>>, vector<16xf32>,
    %add3A_581 = arith.addf %add3A_557, %get3A_580 : vector<16xf32>
    %get3A_582 = arith.constant 3072 : index
    %get3A_583 = tpu.vector_load %arg7[%get3A_582] {strides = array<i32>} : memref<3328xf32, #tpu.memory_space<vmem>>, vector<16xf32>,
    %add3A_584 = arith.addf %add3A_560, %get3A_583 : vector<16xf32>
    %get3A_585 = arith.constant 3088 : index
    %get3A_586 = tpu.vector_load %arg7[%get3A_585] {strides = array<i32>} : memref<3328xf32, #tpu.memory_space<vmem>>, vector<16xf32>,
    %add3A_587 = arith.addf %add3A_563, %get3A_586 : vector<16xf32>
    %get3A_588 = arith.constant 3104 : index
    %get3A_589 = tpu.vector_load %arg7[%get3A_588] {strides = array<i32>} : memref<3328xf32, #tpu.memory_space<vmem>>, vector<16xf32>,
    %add3A_590 = arith.addf %add3A_566, %get3A_589 : vector<16xf32>
    %get3A_591 = arith.constant 3120 : index
    %get3A_592 = tpu.vector_load %arg7[%get3A_591] {strides = array<i32>} : memref<3328xf32, #tpu.memory_space<vmem>>, vector<16xf32>,
    %add3A_593 = arith.addf %add3A_569, %get3A_592 : vector<16xf32>
    %get3A_594 = arith.constant 3136 : index
    %get3A_595 = tpu.vector_load %arg7[%get3A_594] {strides = array<i32>} : memref<3328xf32, #tpu.memory_space<vmem>>, vector<16xf32>,
    %add3A_596 = arith.addf %add3A_572, %get3A_595 : vector<16xf32>
    %get3A_597 = arith.constant 3152 : index
    %get3A_598 = tpu.vector_load %arg7[%get3A_597] {strides = array<i32>} : memref<3328xf32, #tpu.memory_space<vmem>>, vector<16xf32>,
    %add3A_599 = arith.addf %add3A_575, %get3A_598 : vector<16xf32>
    %get3A_600 = arith.constant 3168 : index
    %get3A_601 = tpu.vector_load %arg7[%get3A_600] {strides = array<i32>} : memref<3328xf32, #tpu.memory_space<vmem>>, vector<16xf32>,
    %add3A_602 = arith.addf %add3A_578, %get3A_601 : vector<16xf32>
    %get3A_603 = arith.constant 3184 : index
    %get3A_604 = tpu.vector_load %arg7[%get3A_603] {strides = array<i32>} : memref<3328xf32, #tpu.memory_space<vmem>>, vector<16xf32>,
    %add3A_605 = arith.addf %add3A_581, %get3A_604 : vector<16xf32>
    %get3A_606 = arith.constant 3200 : index
    %get3A_607 = tpu.vector_load %arg7[%get3A_606] {strides = array<i32>} : memref<3328xf32, #tpu.memory_space<vmem>>, vector<16xf32>,
    %add3A_608 = arith.addf %add3A_584, %get3A_607 : vector<16xf32>
    %get3A_609 = arith.constant 3216 : index
    %get3A_610 = tpu.vector_load %arg7[%get3A_609] {strides = array<i32>} : memref<3328xf32, #tpu.memory_space<vmem>>, vector<16xf32>,
    %add3A_611 = arith.addf %add3A_587, %get3A_610 : vector<16xf32>
    %get3A_612 = arith.constant 3232 : index
    %get3A_613 = tpu.vector_load %arg7[%get3A_612] {strides = array<i32>} : memref<3328xf32, #tpu.memory_space<vmem>>, vector<16xf32>,
    %add3A_614 = arith.addf %add3A_590, %get3A_613 : vector<16xf32>
    %get3A_615 = arith.constant 3248 : index
    %get3A_616 = tpu.vector_load %arg7[%get3A_615] {strides = array<i32>} : memref<3328xf32, #tpu.memory_space<vmem>>, vector<16xf32>,
    %add3A_617 = arith.addf %add3A_593, %get3A_616 : vector<16xf32>
    %get3A_618 = arith.constant 3264 : index
    %get3A_619 = tpu.vector_load %arg7[%get3A_618] {strides = array<i32>} : memref<3328xf32, #tpu.memory_space<vmem>>, vector<16xf32>,
    %add3A_620 = arith.addf %add3A_596, %get3A_619 : vector<16xf32>
    %get3A_621 = arith.constant 3280 : index
    %get3A_622 = tpu.vector_load %arg7[%get3A_621] {strides = array<i32>} : memref<3328xf32, #tpu.memory_space<vmem>>, vector<16xf32>,
    %add3A_623 = arith.addf %add3A_599, %get3A_622 : vector<16xf32>
    %get3A_624 = arith.constant 3296 : index
    %get3A_625 = tpu.vector_load %arg7[%get3A_624] {strides = array<i32>} : memref<3328xf32, #tpu.memory_space<vmem>>, vector<16xf32>,
    %add3A_626 = arith.addf %add3A_602, %get3A_625 : vector<16xf32>
    %get3A_627 = arith.constant 3312 : index
    %get3A_628 = tpu.vector_load %arg7[%get3A_627] {strides = array<i32>} : memref<3328xf32, #tpu.memory_space<vmem>>, vector<16xf32>,
    %add3A_629 = arith.addf %add3A_605, %get3A_628 : vector<16xf32>
    %swap3A = arith.constant 0 : index
    %swap3A_630 = tpu.vector_load %arg9[%swap3A] {strides = array<i32>} : memref<128xf32, #tpu.memory_space<vmem>>, vector<16xf32>,
    tpu.vector_store %arg9[%swap3A], %add3A_608 {strides = array<i32>} : memref<128xf32, #tpu.memory_space<vmem>>, vector<16xf32>,
    %swap3A_631 = arith.constant 16 : index
    %swap3A_632 = tpu.vector_load %arg9[%swap3A_631] {strides = array<i32>} : memref<128xf32, #tpu.memory_space<vmem>>, vector<16xf32>,
    tpu.vector_store %arg9[%swap3A_631], %add3A_611 {strides = array<i32>} : memref<128xf32, #tpu.memory_space<vmem>>, vector<16xf32>,
    %swap3A_633 = arith.constant 32 : index
    %swap3A_634 = tpu.vector_load %arg9[%swap3A_633] {strides = array<i32>} : memref<128xf32, #tpu.memory_space<vmem>>, vector<16xf32>,
    tpu.vector_store %arg9[%swap3A_633], %add3A_614 {strides = array<i32>} : memref<128xf32, #tpu.memory_space<vmem>>, vector<16xf32>,
    %swap3A_635 = arith.constant 48 : index
    %swap3A_636 = tpu.vector_load %arg9[%swap3A_635] {strides = array<i32>} : memref<128xf32, #tpu.memory_space<vmem>>, vector<16xf32>,
    tpu.vector_store %arg9[%swap3A_635], %add3A_617 {strides = array<i32>} : memref<128xf32, #tpu.memory_space<vmem>>, vector<16xf32>,
    %swap3A_637 = arith.constant 64 : index
    %swap3A_638 = tpu.vector_load %arg9[%swap3A_637] {strides = array<i32>} : memref<128xf32, #tpu.memory_space<vmem>>, vector<16xf32>,
    tpu.vector_store %arg9[%swap3A_637], %add3A_620 {strides = array<i32>} : memref<128xf32, #tpu.memory_space<vmem>>, vector<16xf32>,
    %swap3A_639 = arith.constant 80 : index
    %swap3A_640 = tpu.vector_load %arg9[%swap3A_639] {strides = array<i32>} : memref<128xf32, #tpu.memory_space<vmem>>, vector<16xf32>,
    tpu.vector_store %arg9[%swap3A_639], %add3A_623 {strides = array<i32>} : memref<128xf32, #tpu.memory_space<vmem>>, vector<16xf32>,
    %swap3A_641 = arith.constant 96 : index
    %swap3A_642 = tpu.vector_load %arg9[%swap3A_641] {strides = array<i32>} : memref<128xf32, #tpu.memory_space<vmem>>, vector<16xf32>,
    tpu.vector_store %arg9[%swap3A_641], %add3A_626 {strides = array<i32>} : memref<128xf32, #tpu.memory_space<vmem>>, vector<16xf32>,
    %swap3A_643 = arith.constant 112 : index
    %swap3A_644 = tpu.vector_load %arg9[%swap3A_643] {strides = array<i32>} : memref<128xf32, #tpu.memory_space<vmem>>, vector<16xf32>,
    tpu.vector_store %arg9[%swap3A_643], %add3A_629 {strides = array<i32>} : memref<128xf32, #tpu.memory_space<vmem>>, vector<16xf32>,
    "tpu.region"() ({
      %run_scoped3A = tpu.sem_alloc : memref<!tpu.dma_semaphore, #tpu.memory_space<semaphore_mem>>
      %dma_start3A_645 = tpu.memref_slice %arg5[%mul3A_2] : memref<4096xf32, #tpu.memory_space<hbm>> -> memref<128xf32, #tpu.memory_space<hbm>>
      %dma_start3A_646 = tpu.memref_slice %arg5[%mul3A_2] : memref<4096xf32, #tpu.memory_space<hbm>> -> memref<128xf32, #tpu.memory_space<hbm>>
      tpu.enqueue_dma source(%arg9 : memref<128xf32, #tpu.memory_space<vmem>>) target(%dma_start3A_646 : memref<128xf32, #tpu.memory_space<hbm>>) target_semaphore(%run_scoped3A : memref<!tpu.dma_semaphore, #tpu.memory_space<semaphore_mem>>)
      %dma_wait3A_647 = tpu.memref_slice %arg5[%mul3A_2] : memref<4096xf32, #tpu.memory_space<hbm>> -> memref<128xf32, #tpu.memory_space<hbm>>
      %dma_wait3A_648 = tpu.memref_slice %arg5[%mul3A_2] : memref<4096xf32, #tpu.memory_space<hbm>> -> memref<128xf32, #tpu.memory_space<hbm>>
      tpu.wait_dma2 semaphore(%run_scoped3A : memref<!tpu.dma_semaphore, #tpu.memory_space<semaphore_mem>>) src(%arg9 : memref<128xf32, #tpu.memory_space<vmem>>) dst(%dma_wait3A_648 : memref<128xf32, #tpu.memory_space<hbm>>)
      tpu.yield
    }) : () -> ()
    return
  }
}

#map = affine_map<(d0, d1) -> (0, 0)>
module attributes {stable_mosaic.version = 14 : i64} {
  func.func @_body_idx(%arg0: i32, %arg1: i32, %arg2: memref<26x4096xi32, #tpu.memory_space<hbm>>, %arg3: memref<26x16xi32, #tpu.memory_space<hbm>>, %arg4: memref<32x3328xi32, #tpu.memory_space<hbm>>, %arg5: memref<26x128xi32, #tpu.memory_space<vmem>>, %arg6: memref<26x16xi32, #tpu.memory_space<vmem>>, %arg7: memref<3328xi32, #tpu.memory_space<vmem>>, %arg8: memref<!tpu.dma_semaphore, #tpu.memory_space<semaphore_mem>>) attributes {dimension_semantics = [#tpu.dimension_semantics<core_parallel>, #tpu.dimension_semantics<subcore_parallel>], iteration_bounds = array<i64: 2, 16>, scalar_prefetch = 0 : i64, scratch_operands = 4 : i64, tpu.core_type = #tpu.core_type<sc_vector_subcore>, window_params = [{transform_indices = #map}, {transform_indices = #map}, {transform_indices = #map}]} {
    %mul3A = arith.constant 2 : i32
    %mul3A_0 = arith.muli %arg1, %mul3A : i32
    %add3A = arith.addi %mul3A_0, %arg0 : i32
    %mul3A_1 = arith.constant 128 : i32
    %mul3A_2 = arith.muli %add3A, %mul3A_1 : i32
    %dma_start3A = arith.constant 0 : i32
    %dma_start3A_3 = tpu.memref_slice %arg2[%dma_start3A, %mul3A_2] : memref<26x4096xi32, #tpu.memory_space<hbm>> -> memref<26x128xi32, #tpu.memory_space<hbm>>
    %dma_start3A_4 = arith.constant 0 : i32
    %dma_start3A_5 = tpu.memref_slice %arg2[%dma_start3A_4, %mul3A_2] : memref<26x4096xi32, #tpu.memory_space<hbm>> -> memref<26x128xi32, #tpu.memory_space<hbm>>
    tpu.enqueue_dma source(%dma_start3A_5 : memref<26x128xi32, #tpu.memory_space<hbm>>) target(%arg5 : memref<26x128xi32, #tpu.memory_space<vmem>>) target_semaphore(%arg8 : memref<!tpu.dma_semaphore, #tpu.memory_space<semaphore_mem>>)
    "tpu.region"() ({
      %run_scoped3A = tpu.sem_alloc : memref<!tpu.dma_semaphore, #tpu.memory_space<semaphore_mem>>
      tpu.enqueue_dma source(%arg3 : memref<26x16xi32, #tpu.memory_space<hbm>>) target(%arg6 : memref<26x16xi32, #tpu.memory_space<vmem>>) target_semaphore(%run_scoped3A : memref<!tpu.dma_semaphore, #tpu.memory_space<semaphore_mem>>)
      tpu.wait_dma2 semaphore(%run_scoped3A : memref<!tpu.dma_semaphore, #tpu.memory_space<semaphore_mem>>) src(%arg3 : memref<26x16xi32, #tpu.memory_space<hbm>>) dst(%arg6 : memref<26x16xi32, #tpu.memory_space<vmem>>)
      tpu.yield
    }) : () -> ()
    %dma_wait3A = arith.constant 0 : i32
    %dma_wait3A_6 = tpu.memref_slice %arg2[%dma_wait3A, %mul3A_2] : memref<26x4096xi32, #tpu.memory_space<hbm>> -> memref<26x128xi32, #tpu.memory_space<hbm>>
    %dma_wait3A_7 = arith.constant 0 : i32
    %dma_wait3A_8 = tpu.memref_slice %arg2[%dma_wait3A_7, %mul3A_2] : memref<26x4096xi32, #tpu.memory_space<hbm>> -> memref<26x128xi32, #tpu.memory_space<hbm>>
    tpu.wait_dma2 semaphore(%arg8 : memref<!tpu.dma_semaphore, #tpu.memory_space<semaphore_mem>>) src(%dma_wait3A_8 : memref<26x128xi32, #tpu.memory_space<hbm>>) dst(%arg5 : memref<26x128xi32, #tpu.memory_space<vmem>>)
    %get3A = arith.constant 0 : i32
    %get3A_9 = arith.index_cast %get3A : i32 to index
    %get3A_10 = arith.constant 0 : index
    %get3A_11 = tpu.vector_load %arg6[%get3A_9, %get3A_10] {strides = array<i32>} : memref<26x16xi32, #tpu.memory_space<vmem>>, vector<16xi32>,
    %get3A_12 = arith.constant 0 : i32
    %get3A_13 = arith.index_cast %get3A_12 : i32 to index
    %get3A_14 = arith.constant 0 : index
    %get3A_15 = tpu.vector_load %arg5[%get3A_13, %get3A_14] {strides = array<i32>} : memref<26x128xi32, #tpu.memory_space<vmem>>, vector<16xi32>,
    %add3A_16 = arith.addi %get3A_15, %get3A_11 : vector<16xi32>
    %swap3A = arith.constant 0 : index
    %swap3A_17 = tpu.vector_load %arg7[%swap3A] {strides = array<i32>} : memref<3328xi32, #tpu.memory_space<vmem>>, vector<16xi32>,
    tpu.vector_store %arg7[%swap3A], %add3A_16 {strides = array<i32>} : memref<3328xi32, #tpu.memory_space<vmem>>, vector<16xi32>,
    %get3A_18 = arith.constant 0 : i32
    %get3A_19 = arith.index_cast %get3A_18 : i32 to index
    %get3A_20 = arith.constant 16 : index
    %get3A_21 = tpu.vector_load %arg5[%get3A_19, %get3A_20] {strides = array<i32>} : memref<26x128xi32, #tpu.memory_space<vmem>>, vector<16xi32>,
    %add3A_22 = arith.addi %get3A_21, %get3A_11 : vector<16xi32>
    %swap3A_23 = arith.constant 16 : index
    %swap3A_24 = tpu.vector_load %arg7[%swap3A_23] {strides = array<i32>} : memref<3328xi32, #tpu.memory_space<vmem>>, vector<16xi32>,
    tpu.vector_store %arg7[%swap3A_23], %add3A_22 {strides = array<i32>} : memref<3328xi32, #tpu.memory_space<vmem>>, vector<16xi32>,
    %get3A_25 = arith.constant 0 : i32
    %get3A_26 = arith.index_cast %get3A_25 : i32 to index
    %get3A_27 = arith.constant 32 : index
    %get3A_28 = tpu.vector_load %arg5[%get3A_26, %get3A_27] {strides = array<i32>} : memref<26x128xi32, #tpu.memory_space<vmem>>, vector<16xi32>,
    %add3A_29 = arith.addi %get3A_28, %get3A_11 : vector<16xi32>
    %swap3A_30 = arith.constant 32 : index
    %swap3A_31 = tpu.vector_load %arg7[%swap3A_30] {strides = array<i32>} : memref<3328xi32, #tpu.memory_space<vmem>>, vector<16xi32>,
    tpu.vector_store %arg7[%swap3A_30], %add3A_29 {strides = array<i32>} : memref<3328xi32, #tpu.memory_space<vmem>>, vector<16xi32>,
    %get3A_32 = arith.constant 0 : i32
    %get3A_33 = arith.index_cast %get3A_32 : i32 to index
    %get3A_34 = arith.constant 48 : index
    %get3A_35 = tpu.vector_load %arg5[%get3A_33, %get3A_34] {strides = array<i32>} : memref<26x128xi32, #tpu.memory_space<vmem>>, vector<16xi32>,
    %add3A_36 = arith.addi %get3A_35, %get3A_11 : vector<16xi32>
    %swap3A_37 = arith.constant 48 : index
    %swap3A_38 = tpu.vector_load %arg7[%swap3A_37] {strides = array<i32>} : memref<3328xi32, #tpu.memory_space<vmem>>, vector<16xi32>,
    tpu.vector_store %arg7[%swap3A_37], %add3A_36 {strides = array<i32>} : memref<3328xi32, #tpu.memory_space<vmem>>, vector<16xi32>,
    %get3A_39 = arith.constant 0 : i32
    %get3A_40 = arith.index_cast %get3A_39 : i32 to index
    %get3A_41 = arith.constant 64 : index
    %get3A_42 = tpu.vector_load %arg5[%get3A_40, %get3A_41] {strides = array<i32>} : memref<26x128xi32, #tpu.memory_space<vmem>>, vector<16xi32>,
    %add3A_43 = arith.addi %get3A_42, %get3A_11 : vector<16xi32>
    %swap3A_44 = arith.constant 64 : index
    %swap3A_45 = tpu.vector_load %arg7[%swap3A_44] {strides = array<i32>} : memref<3328xi32, #tpu.memory_space<vmem>>, vector<16xi32>,
    tpu.vector_store %arg7[%swap3A_44], %add3A_43 {strides = array<i32>} : memref<3328xi32, #tpu.memory_space<vmem>>, vector<16xi32>,
    %get3A_46 = arith.constant 0 : i32
    %get3A_47 = arith.index_cast %get3A_46 : i32 to index
    %get3A_48 = arith.constant 80 : index
    %get3A_49 = tpu.vector_load %arg5[%get3A_47, %get3A_48] {strides = array<i32>} : memref<26x128xi32, #tpu.memory_space<vmem>>, vector<16xi32>,
    %add3A_50 = arith.addi %get3A_49, %get3A_11 : vector<16xi32>
    %swap3A_51 = arith.constant 80 : index
    %swap3A_52 = tpu.vector_load %arg7[%swap3A_51] {strides = array<i32>} : memref<3328xi32, #tpu.memory_space<vmem>>, vector<16xi32>,
    tpu.vector_store %arg7[%swap3A_51], %add3A_50 {strides = array<i32>} : memref<3328xi32, #tpu.memory_space<vmem>>, vector<16xi32>,
    %get3A_53 = arith.constant 0 : i32
    %get3A_54 = arith.index_cast %get3A_53 : i32 to index
    %get3A_55 = arith.constant 96 : index
    %get3A_56 = tpu.vector_load %arg5[%get3A_54, %get3A_55] {strides = array<i32>} : memref<26x128xi32, #tpu.memory_space<vmem>>, vector<16xi32>,
    %add3A_57 = arith.addi %get3A_56, %get3A_11 : vector<16xi32>
    %swap3A_58 = arith.constant 96 : index
    %swap3A_59 = tpu.vector_load %arg7[%swap3A_58] {strides = array<i32>} : memref<3328xi32, #tpu.memory_space<vmem>>, vector<16xi32>,
    tpu.vector_store %arg7[%swap3A_58], %add3A_57 {strides = array<i32>} : memref<3328xi32, #tpu.memory_space<vmem>>, vector<16xi32>,
    %get3A_60 = arith.constant 0 : i32
    %get3A_61 = arith.index_cast %get3A_60 : i32 to index
    %get3A_62 = arith.constant 112 : index
    %get3A_63 = tpu.vector_load %arg5[%get3A_61, %get3A_62] {strides = array<i32>} : memref<26x128xi32, #tpu.memory_space<vmem>>, vector<16xi32>,
    %add3A_64 = arith.addi %get3A_63, %get3A_11 : vector<16xi32>
    %swap3A_65 = arith.constant 112 : index
    %swap3A_66 = tpu.vector_load %arg7[%swap3A_65] {strides = array<i32>} : memref<3328xi32, #tpu.memory_space<vmem>>, vector<16xi32>,
    tpu.vector_store %arg7[%swap3A_65], %add3A_64 {strides = array<i32>} : memref<3328xi32, #tpu.memory_space<vmem>>, vector<16xi32>,
    %get3A_67 = arith.constant 1 : i32
    %get3A_68 = arith.index_cast %get3A_67 : i32 to index
    %get3A_69 = arith.constant 0 : index
    %get3A_70 = tpu.vector_load %arg6[%get3A_68, %get3A_69] {strides = array<i32>} : memref<26x16xi32, #tpu.memory_space<vmem>>, vector<16xi32>,
    %get3A_71 = arith.constant 1 : i32
    %get3A_72 = arith.index_cast %get3A_71 : i32 to index
    %get3A_73 = arith.constant 0 : index
    %get3A_74 = tpu.vector_load %arg5[%get3A_72, %get3A_73] {strides = array<i32>} : memref<26x128xi32, #tpu.memory_space<vmem>>, vector<16xi32>,
    %add3A_75 = arith.addi %get3A_74, %get3A_70 : vector<16xi32>
    %swap3A_76 = arith.constant 128 : index
    %swap3A_77 = tpu.vector_load %arg7[%swap3A_76] {strides = array<i32>} : memref<3328xi32, #tpu.memory_space<vmem>>, vector<16xi32>,
    tpu.vector_store %arg7[%swap3A_76], %add3A_75 {strides = array<i32>} : memref<3328xi32, #tpu.memory_space<vmem>>, vector<16xi32>,
    %get3A_78 = arith.constant 1 : i32
    %get3A_79 = arith.index_cast %get3A_78 : i32 to index
    %get3A_80 = arith.constant 16 : index
    %get3A_81 = tpu.vector_load %arg5[%get3A_79, %get3A_80] {strides = array<i32>} : memref<26x128xi32, #tpu.memory_space<vmem>>, vector<16xi32>,
    %add3A_82 = arith.addi %get3A_81, %get3A_70 : vector<16xi32>
    %swap3A_83 = arith.constant 144 : index
    %swap3A_84 = tpu.vector_load %arg7[%swap3A_83] {strides = array<i32>} : memref<3328xi32, #tpu.memory_space<vmem>>, vector<16xi32>,
    tpu.vector_store %arg7[%swap3A_83], %add3A_82 {strides = array<i32>} : memref<3328xi32, #tpu.memory_space<vmem>>, vector<16xi32>,
    %get3A_85 = arith.constant 1 : i32
    %get3A_86 = arith.index_cast %get3A_85 : i32 to index
    %get3A_87 = arith.constant 32 : index
    %get3A_88 = tpu.vector_load %arg5[%get3A_86, %get3A_87] {strides = array<i32>} : memref<26x128xi32, #tpu.memory_space<vmem>>, vector<16xi32>,
    %add3A_89 = arith.addi %get3A_88, %get3A_70 : vector<16xi32>
    %swap3A_90 = arith.constant 160 : index
    %swap3A_91 = tpu.vector_load %arg7[%swap3A_90] {strides = array<i32>} : memref<3328xi32, #tpu.memory_space<vmem>>, vector<16xi32>,
    tpu.vector_store %arg7[%swap3A_90], %add3A_89 {strides = array<i32>} : memref<3328xi32, #tpu.memory_space<vmem>>, vector<16xi32>,
    %get3A_92 = arith.constant 1 : i32
    %get3A_93 = arith.index_cast %get3A_92 : i32 to index
    %get3A_94 = arith.constant 48 : index
    %get3A_95 = tpu.vector_load %arg5[%get3A_93, %get3A_94] {strides = array<i32>} : memref<26x128xi32, #tpu.memory_space<vmem>>, vector<16xi32>,
    %add3A_96 = arith.addi %get3A_95, %get3A_70 : vector<16xi32>
    %swap3A_97 = arith.constant 176 : index
    %swap3A_98 = tpu.vector_load %arg7[%swap3A_97] {strides = array<i32>} : memref<3328xi32, #tpu.memory_space<vmem>>, vector<16xi32>,
    tpu.vector_store %arg7[%swap3A_97], %add3A_96 {strides = array<i32>} : memref<3328xi32, #tpu.memory_space<vmem>>, vector<16xi32>,
    %get3A_99 = arith.constant 1 : i32
    %get3A_100 = arith.index_cast %get3A_99 : i32 to index
    %get3A_101 = arith.constant 64 : index
    %get3A_102 = tpu.vector_load %arg5[%get3A_100, %get3A_101] {strides = array<i32>} : memref<26x128xi32, #tpu.memory_space<vmem>>, vector<16xi32>,
    %add3A_103 = arith.addi %get3A_102, %get3A_70 : vector<16xi32>
    %swap3A_104 = arith.constant 192 : index
    %swap3A_105 = tpu.vector_load %arg7[%swap3A_104] {strides = array<i32>} : memref<3328xi32, #tpu.memory_space<vmem>>, vector<16xi32>,
    tpu.vector_store %arg7[%swap3A_104], %add3A_103 {strides = array<i32>} : memref<3328xi32, #tpu.memory_space<vmem>>, vector<16xi32>,
    %get3A_106 = arith.constant 1 : i32
    %get3A_107 = arith.index_cast %get3A_106 : i32 to index
    %get3A_108 = arith.constant 80 : index
    %get3A_109 = tpu.vector_load %arg5[%get3A_107, %get3A_108] {strides = array<i32>} : memref<26x128xi32, #tpu.memory_space<vmem>>, vector<16xi32>,
    %add3A_110 = arith.addi %get3A_109, %get3A_70 : vector<16xi32>
    %swap3A_111 = arith.constant 208 : index
    %swap3A_112 = tpu.vector_load %arg7[%swap3A_111] {strides = array<i32>} : memref<3328xi32, #tpu.memory_space<vmem>>, vector<16xi32>,
    tpu.vector_store %arg7[%swap3A_111], %add3A_110 {strides = array<i32>} : memref<3328xi32, #tpu.memory_space<vmem>>, vector<16xi32>,
    %get3A_113 = arith.constant 1 : i32
    %get3A_114 = arith.index_cast %get3A_113 : i32 to index
    %get3A_115 = arith.constant 96 : index
    %get3A_116 = tpu.vector_load %arg5[%get3A_114, %get3A_115] {strides = array<i32>} : memref<26x128xi32, #tpu.memory_space<vmem>>, vector<16xi32>,
    %add3A_117 = arith.addi %get3A_116, %get3A_70 : vector<16xi32>
    %swap3A_118 = arith.constant 224 : index
    %swap3A_119 = tpu.vector_load %arg7[%swap3A_118] {strides = array<i32>} : memref<3328xi32, #tpu.memory_space<vmem>>, vector<16xi32>,
    tpu.vector_store %arg7[%swap3A_118], %add3A_117 {strides = array<i32>} : memref<3328xi32, #tpu.memory_space<vmem>>, vector<16xi32>,
    %get3A_120 = arith.constant 1 : i32
    %get3A_121 = arith.index_cast %get3A_120 : i32 to index
    %get3A_122 = arith.constant 112 : index
    %get3A_123 = tpu.vector_load %arg5[%get3A_121, %get3A_122] {strides = array<i32>} : memref<26x128xi32, #tpu.memory_space<vmem>>, vector<16xi32>,
    %add3A_124 = arith.addi %get3A_123, %get3A_70 : vector<16xi32>
    %swap3A_125 = arith.constant 240 : index
    %swap3A_126 = tpu.vector_load %arg7[%swap3A_125] {strides = array<i32>} : memref<3328xi32, #tpu.memory_space<vmem>>, vector<16xi32>,
    tpu.vector_store %arg7[%swap3A_125], %add3A_124 {strides = array<i32>} : memref<3328xi32, #tpu.memory_space<vmem>>, vector<16xi32>,
    %get3A_127 = arith.constant 2 : i32
    %get3A_128 = arith.index_cast %get3A_127 : i32 to index
    %get3A_129 = arith.constant 0 : index
    %get3A_130 = tpu.vector_load %arg6[%get3A_128, %get3A_129] {strides = array<i32>} : memref<26x16xi32, #tpu.memory_space<vmem>>, vector<16xi32>,
    %get3A_131 = arith.constant 2 : i32
    %get3A_132 = arith.index_cast %get3A_131 : i32 to index
    %get3A_133 = arith.constant 0 : index
    %get3A_134 = tpu.vector_load %arg5[%get3A_132, %get3A_133] {strides = array<i32>} : memref<26x128xi32, #tpu.memory_space<vmem>>, vector<16xi32>,
    %add3A_135 = arith.addi %get3A_134, %get3A_130 : vector<16xi32>
    %swap3A_136 = arith.constant 256 : index
    %swap3A_137 = tpu.vector_load %arg7[%swap3A_136] {strides = array<i32>} : memref<3328xi32, #tpu.memory_space<vmem>>, vector<16xi32>,
    tpu.vector_store %arg7[%swap3A_136], %add3A_135 {strides = array<i32>} : memref<3328xi32, #tpu.memory_space<vmem>>, vector<16xi32>,
    %get3A_138 = arith.constant 2 : i32
    %get3A_139 = arith.index_cast %get3A_138 : i32 to index
    %get3A_140 = arith.constant 16 : index
    %get3A_141 = tpu.vector_load %arg5[%get3A_139, %get3A_140] {strides = array<i32>} : memref<26x128xi32, #tpu.memory_space<vmem>>, vector<16xi32>,
    %add3A_142 = arith.addi %get3A_141, %get3A_130 : vector<16xi32>
    %swap3A_143 = arith.constant 272 : index
    %swap3A_144 = tpu.vector_load %arg7[%swap3A_143] {strides = array<i32>} : memref<3328xi32, #tpu.memory_space<vmem>>, vector<16xi32>,
    tpu.vector_store %arg7[%swap3A_143], %add3A_142 {strides = array<i32>} : memref<3328xi32, #tpu.memory_space<vmem>>, vector<16xi32>,
    %get3A_145 = arith.constant 2 : i32
    %get3A_146 = arith.index_cast %get3A_145 : i32 to index
    %get3A_147 = arith.constant 32 : index
    %get3A_148 = tpu.vector_load %arg5[%get3A_146, %get3A_147] {strides = array<i32>} : memref<26x128xi32, #tpu.memory_space<vmem>>, vector<16xi32>,
    %add3A_149 = arith.addi %get3A_148, %get3A_130 : vector<16xi32>
    %swap3A_150 = arith.constant 288 : index
    %swap3A_151 = tpu.vector_load %arg7[%swap3A_150] {strides = array<i32>} : memref<3328xi32, #tpu.memory_space<vmem>>, vector<16xi32>,
    tpu.vector_store %arg7[%swap3A_150], %add3A_149 {strides = array<i32>} : memref<3328xi32, #tpu.memory_space<vmem>>, vector<16xi32>,
    %get3A_152 = arith.constant 2 : i32
    %get3A_153 = arith.index_cast %get3A_152 : i32 to index
    %get3A_154 = arith.constant 48 : index
    %get3A_155 = tpu.vector_load %arg5[%get3A_153, %get3A_154] {strides = array<i32>} : memref<26x128xi32, #tpu.memory_space<vmem>>, vector<16xi32>,
    %add3A_156 = arith.addi %get3A_155, %get3A_130 : vector<16xi32>
    %swap3A_157 = arith.constant 304 : index
    %swap3A_158 = tpu.vector_load %arg7[%swap3A_157] {strides = array<i32>} : memref<3328xi32, #tpu.memory_space<vmem>>, vector<16xi32>,
    tpu.vector_store %arg7[%swap3A_157], %add3A_156 {strides = array<i32>} : memref<3328xi32, #tpu.memory_space<vmem>>, vector<16xi32>,
    %get3A_159 = arith.constant 2 : i32
    %get3A_160 = arith.index_cast %get3A_159 : i32 to index
    %get3A_161 = arith.constant 64 : index
    %get3A_162 = tpu.vector_load %arg5[%get3A_160, %get3A_161] {strides = array<i32>} : memref<26x128xi32, #tpu.memory_space<vmem>>, vector<16xi32>,
    %add3A_163 = arith.addi %get3A_162, %get3A_130 : vector<16xi32>
    %swap3A_164 = arith.constant 320 : index
    %swap3A_165 = tpu.vector_load %arg7[%swap3A_164] {strides = array<i32>} : memref<3328xi32, #tpu.memory_space<vmem>>, vector<16xi32>,
    tpu.vector_store %arg7[%swap3A_164], %add3A_163 {strides = array<i32>} : memref<3328xi32, #tpu.memory_space<vmem>>, vector<16xi32>,
    %get3A_166 = arith.constant 2 : i32
    %get3A_167 = arith.index_cast %get3A_166 : i32 to index
    %get3A_168 = arith.constant 80 : index
    %get3A_169 = tpu.vector_load %arg5[%get3A_167, %get3A_168] {strides = array<i32>} : memref<26x128xi32, #tpu.memory_space<vmem>>, vector<16xi32>,
    %add3A_170 = arith.addi %get3A_169, %get3A_130 : vector<16xi32>
    %swap3A_171 = arith.constant 336 : index
    %swap3A_172 = tpu.vector_load %arg7[%swap3A_171] {strides = array<i32>} : memref<3328xi32, #tpu.memory_space<vmem>>, vector<16xi32>,
    tpu.vector_store %arg7[%swap3A_171], %add3A_170 {strides = array<i32>} : memref<3328xi32, #tpu.memory_space<vmem>>, vector<16xi32>,
    %get3A_173 = arith.constant 2 : i32
    %get3A_174 = arith.index_cast %get3A_173 : i32 to index
    %get3A_175 = arith.constant 96 : index
    %get3A_176 = tpu.vector_load %arg5[%get3A_174, %get3A_175] {strides = array<i32>} : memref<26x128xi32, #tpu.memory_space<vmem>>, vector<16xi32>,
    %add3A_177 = arith.addi %get3A_176, %get3A_130 : vector<16xi32>
    %swap3A_178 = arith.constant 352 : index
    %swap3A_179 = tpu.vector_load %arg7[%swap3A_178] {strides = array<i32>} : memref<3328xi32, #tpu.memory_space<vmem>>, vector<16xi32>,
    tpu.vector_store %arg7[%swap3A_178], %add3A_177 {strides = array<i32>} : memref<3328xi32, #tpu.memory_space<vmem>>, vector<16xi32>,
    %get3A_180 = arith.constant 2 : i32
    %get3A_181 = arith.index_cast %get3A_180 : i32 to index
    %get3A_182 = arith.constant 112 : index
    %get3A_183 = tpu.vector_load %arg5[%get3A_181, %get3A_182] {strides = array<i32>} : memref<26x128xi32, #tpu.memory_space<vmem>>, vector<16xi32>,
    %add3A_184 = arith.addi %get3A_183, %get3A_130 : vector<16xi32>
    %swap3A_185 = arith.constant 368 : index
    %swap3A_186 = tpu.vector_load %arg7[%swap3A_185] {strides = array<i32>} : memref<3328xi32, #tpu.memory_space<vmem>>, vector<16xi32>,
    tpu.vector_store %arg7[%swap3A_185], %add3A_184 {strides = array<i32>} : memref<3328xi32, #tpu.memory_space<vmem>>, vector<16xi32>,
    %get3A_187 = arith.constant 3 : i32
    %get3A_188 = arith.index_cast %get3A_187 : i32 to index
    %get3A_189 = arith.constant 0 : index
    %get3A_190 = tpu.vector_load %arg6[%get3A_188, %get3A_189] {strides = array<i32>} : memref<26x16xi32, #tpu.memory_space<vmem>>, vector<16xi32>,
    %get3A_191 = arith.constant 3 : i32
    %get3A_192 = arith.index_cast %get3A_191 : i32 to index
    %get3A_193 = arith.constant 0 : index
    %get3A_194 = tpu.vector_load %arg5[%get3A_192, %get3A_193] {strides = array<i32>} : memref<26x128xi32, #tpu.memory_space<vmem>>, vector<16xi32>,
    %add3A_195 = arith.addi %get3A_194, %get3A_190 : vector<16xi32>
    %swap3A_196 = arith.constant 384 : index
    %swap3A_197 = tpu.vector_load %arg7[%swap3A_196] {strides = array<i32>} : memref<3328xi32, #tpu.memory_space<vmem>>, vector<16xi32>,
    tpu.vector_store %arg7[%swap3A_196], %add3A_195 {strides = array<i32>} : memref<3328xi32, #tpu.memory_space<vmem>>, vector<16xi32>,
    %get3A_198 = arith.constant 3 : i32
    %get3A_199 = arith.index_cast %get3A_198 : i32 to index
    %get3A_200 = arith.constant 16 : index
    %get3A_201 = tpu.vector_load %arg5[%get3A_199, %get3A_200] {strides = array<i32>} : memref<26x128xi32, #tpu.memory_space<vmem>>, vector<16xi32>,
    %add3A_202 = arith.addi %get3A_201, %get3A_190 : vector<16xi32>
    %swap3A_203 = arith.constant 400 : index
    %swap3A_204 = tpu.vector_load %arg7[%swap3A_203] {strides = array<i32>} : memref<3328xi32, #tpu.memory_space<vmem>>, vector<16xi32>,
    tpu.vector_store %arg7[%swap3A_203], %add3A_202 {strides = array<i32>} : memref<3328xi32, #tpu.memory_space<vmem>>, vector<16xi32>,
    %get3A_205 = arith.constant 3 : i32
    %get3A_206 = arith.index_cast %get3A_205 : i32 to index
    %get3A_207 = arith.constant 32 : index
    %get3A_208 = tpu.vector_load %arg5[%get3A_206, %get3A_207] {strides = array<i32>} : memref<26x128xi32, #tpu.memory_space<vmem>>, vector<16xi32>,
    %add3A_209 = arith.addi %get3A_208, %get3A_190 : vector<16xi32>
    %swap3A_210 = arith.constant 416 : index
    %swap3A_211 = tpu.vector_load %arg7[%swap3A_210] {strides = array<i32>} : memref<3328xi32, #tpu.memory_space<vmem>>, vector<16xi32>,
    tpu.vector_store %arg7[%swap3A_210], %add3A_209 {strides = array<i32>} : memref<3328xi32, #tpu.memory_space<vmem>>, vector<16xi32>,
    %get3A_212 = arith.constant 3 : i32
    %get3A_213 = arith.index_cast %get3A_212 : i32 to index
    %get3A_214 = arith.constant 48 : index
    %get3A_215 = tpu.vector_load %arg5[%get3A_213, %get3A_214] {strides = array<i32>} : memref<26x128xi32, #tpu.memory_space<vmem>>, vector<16xi32>,
    %add3A_216 = arith.addi %get3A_215, %get3A_190 : vector<16xi32>
    %swap3A_217 = arith.constant 432 : index
    %swap3A_218 = tpu.vector_load %arg7[%swap3A_217] {strides = array<i32>} : memref<3328xi32, #tpu.memory_space<vmem>>, vector<16xi32>,
    tpu.vector_store %arg7[%swap3A_217], %add3A_216 {strides = array<i32>} : memref<3328xi32, #tpu.memory_space<vmem>>, vector<16xi32>,
    %get3A_219 = arith.constant 3 : i32
    %get3A_220 = arith.index_cast %get3A_219 : i32 to index
    %get3A_221 = arith.constant 64 : index
    %get3A_222 = tpu.vector_load %arg5[%get3A_220, %get3A_221] {strides = array<i32>} : memref<26x128xi32, #tpu.memory_space<vmem>>, vector<16xi32>,
    %add3A_223 = arith.addi %get3A_222, %get3A_190 : vector<16xi32>
    %swap3A_224 = arith.constant 448 : index
    %swap3A_225 = tpu.vector_load %arg7[%swap3A_224] {strides = array<i32>} : memref<3328xi32, #tpu.memory_space<vmem>>, vector<16xi32>,
    tpu.vector_store %arg7[%swap3A_224], %add3A_223 {strides = array<i32>} : memref<3328xi32, #tpu.memory_space<vmem>>, vector<16xi32>,
    %get3A_226 = arith.constant 3 : i32
    %get3A_227 = arith.index_cast %get3A_226 : i32 to index
    %get3A_228 = arith.constant 80 : index
    %get3A_229 = tpu.vector_load %arg5[%get3A_227, %get3A_228] {strides = array<i32>} : memref<26x128xi32, #tpu.memory_space<vmem>>, vector<16xi32>,
    %add3A_230 = arith.addi %get3A_229, %get3A_190 : vector<16xi32>
    %swap3A_231 = arith.constant 464 : index
    %swap3A_232 = tpu.vector_load %arg7[%swap3A_231] {strides = array<i32>} : memref<3328xi32, #tpu.memory_space<vmem>>, vector<16xi32>,
    tpu.vector_store %arg7[%swap3A_231], %add3A_230 {strides = array<i32>} : memref<3328xi32, #tpu.memory_space<vmem>>, vector<16xi32>,
    %get3A_233 = arith.constant 3 : i32
    %get3A_234 = arith.index_cast %get3A_233 : i32 to index
    %get3A_235 = arith.constant 96 : index
    %get3A_236 = tpu.vector_load %arg5[%get3A_234, %get3A_235] {strides = array<i32>} : memref<26x128xi32, #tpu.memory_space<vmem>>, vector<16xi32>,
    %add3A_237 = arith.addi %get3A_236, %get3A_190 : vector<16xi32>
    %swap3A_238 = arith.constant 480 : index
    %swap3A_239 = tpu.vector_load %arg7[%swap3A_238] {strides = array<i32>} : memref<3328xi32, #tpu.memory_space<vmem>>, vector<16xi32>,
    tpu.vector_store %arg7[%swap3A_238], %add3A_237 {strides = array<i32>} : memref<3328xi32, #tpu.memory_space<vmem>>, vector<16xi32>,
    %get3A_240 = arith.constant 3 : i32
    %get3A_241 = arith.index_cast %get3A_240 : i32 to index
    %get3A_242 = arith.constant 112 : index
    %get3A_243 = tpu.vector_load %arg5[%get3A_241, %get3A_242] {strides = array<i32>} : memref<26x128xi32, #tpu.memory_space<vmem>>, vector<16xi32>,
    %add3A_244 = arith.addi %get3A_243, %get3A_190 : vector<16xi32>
    %swap3A_245 = arith.constant 496 : index
    %swap3A_246 = tpu.vector_load %arg7[%swap3A_245] {strides = array<i32>} : memref<3328xi32, #tpu.memory_space<vmem>>, vector<16xi32>,
    tpu.vector_store %arg7[%swap3A_245], %add3A_244 {strides = array<i32>} : memref<3328xi32, #tpu.memory_space<vmem>>, vector<16xi32>,
    %get3A_247 = arith.constant 4 : i32
    %get3A_248 = arith.index_cast %get3A_247 : i32 to index
    %get3A_249 = arith.constant 0 : index
    %get3A_250 = tpu.vector_load %arg6[%get3A_248, %get3A_249] {strides = array<i32>} : memref<26x16xi32, #tpu.memory_space<vmem>>, vector<16xi32>,
    %get3A_251 = arith.constant 4 : i32
    %get3A_252 = arith.index_cast %get3A_251 : i32 to index
    %get3A_253 = arith.constant 0 : index
    %get3A_254 = tpu.vector_load %arg5[%get3A_252, %get3A_253] {strides = array<i32>} : memref<26x128xi32, #tpu.memory_space<vmem>>, vector<16xi32>,
    %add3A_255 = arith.addi %get3A_254, %get3A_250 : vector<16xi32>
    %swap3A_256 = arith.constant 512 : index
    %swap3A_257 = tpu.vector_load %arg7[%swap3A_256] {strides = array<i32>} : memref<3328xi32, #tpu.memory_space<vmem>>, vector<16xi32>,
    tpu.vector_store %arg7[%swap3A_256], %add3A_255 {strides = array<i32>} : memref<3328xi32, #tpu.memory_space<vmem>>, vector<16xi32>,
    %get3A_258 = arith.constant 4 : i32
    %get3A_259 = arith.index_cast %get3A_258 : i32 to index
    %get3A_260 = arith.constant 16 : index
    %get3A_261 = tpu.vector_load %arg5[%get3A_259, %get3A_260] {strides = array<i32>} : memref<26x128xi32, #tpu.memory_space<vmem>>, vector<16xi32>,
    %add3A_262 = arith.addi %get3A_261, %get3A_250 : vector<16xi32>
    %swap3A_263 = arith.constant 528 : index
    %swap3A_264 = tpu.vector_load %arg7[%swap3A_263] {strides = array<i32>} : memref<3328xi32, #tpu.memory_space<vmem>>, vector<16xi32>,
    tpu.vector_store %arg7[%swap3A_263], %add3A_262 {strides = array<i32>} : memref<3328xi32, #tpu.memory_space<vmem>>, vector<16xi32>,
    %get3A_265 = arith.constant 4 : i32
    %get3A_266 = arith.index_cast %get3A_265 : i32 to index
    %get3A_267 = arith.constant 32 : index
    %get3A_268 = tpu.vector_load %arg5[%get3A_266, %get3A_267] {strides = array<i32>} : memref<26x128xi32, #tpu.memory_space<vmem>>, vector<16xi32>,
    %add3A_269 = arith.addi %get3A_268, %get3A_250 : vector<16xi32>
    %swap3A_270 = arith.constant 544 : index
    %swap3A_271 = tpu.vector_load %arg7[%swap3A_270] {strides = array<i32>} : memref<3328xi32, #tpu.memory_space<vmem>>, vector<16xi32>,
    tpu.vector_store %arg7[%swap3A_270], %add3A_269 {strides = array<i32>} : memref<3328xi32, #tpu.memory_space<vmem>>, vector<16xi32>,
    %get3A_272 = arith.constant 4 : i32
    %get3A_273 = arith.index_cast %get3A_272 : i32 to index
    %get3A_274 = arith.constant 48 : index
    %get3A_275 = tpu.vector_load %arg5[%get3A_273, %get3A_274] {strides = array<i32>} : memref<26x128xi32, #tpu.memory_space<vmem>>, vector<16xi32>,
    %add3A_276 = arith.addi %get3A_275, %get3A_250 : vector<16xi32>
    %swap3A_277 = arith.constant 560 : index
    %swap3A_278 = tpu.vector_load %arg7[%swap3A_277] {strides = array<i32>} : memref<3328xi32, #tpu.memory_space<vmem>>, vector<16xi32>,
    tpu.vector_store %arg7[%swap3A_277], %add3A_276 {strides = array<i32>} : memref<3328xi32, #tpu.memory_space<vmem>>, vector<16xi32>,
    %get3A_279 = arith.constant 4 : i32
    %get3A_280 = arith.index_cast %get3A_279 : i32 to index
    %get3A_281 = arith.constant 64 : index
    %get3A_282 = tpu.vector_load %arg5[%get3A_280, %get3A_281] {strides = array<i32>} : memref<26x128xi32, #tpu.memory_space<vmem>>, vector<16xi32>,
    %add3A_283 = arith.addi %get3A_282, %get3A_250 : vector<16xi32>
    %swap3A_284 = arith.constant 576 : index
    %swap3A_285 = tpu.vector_load %arg7[%swap3A_284] {strides = array<i32>} : memref<3328xi32, #tpu.memory_space<vmem>>, vector<16xi32>,
    tpu.vector_store %arg7[%swap3A_284], %add3A_283 {strides = array<i32>} : memref<3328xi32, #tpu.memory_space<vmem>>, vector<16xi32>,
    %get3A_286 = arith.constant 4 : i32
    %get3A_287 = arith.index_cast %get3A_286 : i32 to index
    %get3A_288 = arith.constant 80 : index
    %get3A_289 = tpu.vector_load %arg5[%get3A_287, %get3A_288] {strides = array<i32>} : memref<26x128xi32, #tpu.memory_space<vmem>>, vector<16xi32>,
    %add3A_290 = arith.addi %get3A_289, %get3A_250 : vector<16xi32>
    %swap3A_291 = arith.constant 592 : index
    %swap3A_292 = tpu.vector_load %arg7[%swap3A_291] {strides = array<i32>} : memref<3328xi32, #tpu.memory_space<vmem>>, vector<16xi32>,
    tpu.vector_store %arg7[%swap3A_291], %add3A_290 {strides = array<i32>} : memref<3328xi32, #tpu.memory_space<vmem>>, vector<16xi32>,
    %get3A_293 = arith.constant 4 : i32
    %get3A_294 = arith.index_cast %get3A_293 : i32 to index
    %get3A_295 = arith.constant 96 : index
    %get3A_296 = tpu.vector_load %arg5[%get3A_294, %get3A_295] {strides = array<i32>} : memref<26x128xi32, #tpu.memory_space<vmem>>, vector<16xi32>,
    %add3A_297 = arith.addi %get3A_296, %get3A_250 : vector<16xi32>
    %swap3A_298 = arith.constant 608 : index
    %swap3A_299 = tpu.vector_load %arg7[%swap3A_298] {strides = array<i32>} : memref<3328xi32, #tpu.memory_space<vmem>>, vector<16xi32>,
    tpu.vector_store %arg7[%swap3A_298], %add3A_297 {strides = array<i32>} : memref<3328xi32, #tpu.memory_space<vmem>>, vector<16xi32>,
    %get3A_300 = arith.constant 4 : i32
    %get3A_301 = arith.index_cast %get3A_300 : i32 to index
    %get3A_302 = arith.constant 112 : index
    %get3A_303 = tpu.vector_load %arg5[%get3A_301, %get3A_302] {strides = array<i32>} : memref<26x128xi32, #tpu.memory_space<vmem>>, vector<16xi32>,
    %add3A_304 = arith.addi %get3A_303, %get3A_250 : vector<16xi32>
    %swap3A_305 = arith.constant 624 : index
    %swap3A_306 = tpu.vector_load %arg7[%swap3A_305] {strides = array<i32>} : memref<3328xi32, #tpu.memory_space<vmem>>, vector<16xi32>,
    tpu.vector_store %arg7[%swap3A_305], %add3A_304 {strides = array<i32>} : memref<3328xi32, #tpu.memory_space<vmem>>, vector<16xi32>,
    %get3A_307 = arith.constant 5 : i32
    %get3A_308 = arith.index_cast %get3A_307 : i32 to index
    %get3A_309 = arith.constant 0 : index
    %get3A_310 = tpu.vector_load %arg6[%get3A_308, %get3A_309] {strides = array<i32>} : memref<26x16xi32, #tpu.memory_space<vmem>>, vector<16xi32>,
    %get3A_311 = arith.constant 5 : i32
    %get3A_312 = arith.index_cast %get3A_311 : i32 to index
    %get3A_313 = arith.constant 0 : index
    %get3A_314 = tpu.vector_load %arg5[%get3A_312, %get3A_313] {strides = array<i32>} : memref<26x128xi32, #tpu.memory_space<vmem>>, vector<16xi32>,
    %add3A_315 = arith.addi %get3A_314, %get3A_310 : vector<16xi32>
    %swap3A_316 = arith.constant 640 : index
    %swap3A_317 = tpu.vector_load %arg7[%swap3A_316] {strides = array<i32>} : memref<3328xi32, #tpu.memory_space<vmem>>, vector<16xi32>,
    tpu.vector_store %arg7[%swap3A_316], %add3A_315 {strides = array<i32>} : memref<3328xi32, #tpu.memory_space<vmem>>, vector<16xi32>,
    %get3A_318 = arith.constant 5 : i32
    %get3A_319 = arith.index_cast %get3A_318 : i32 to index
    %get3A_320 = arith.constant 16 : index
    %get3A_321 = tpu.vector_load %arg5[%get3A_319, %get3A_320] {strides = array<i32>} : memref<26x128xi32, #tpu.memory_space<vmem>>, vector<16xi32>,
    %add3A_322 = arith.addi %get3A_321, %get3A_310 : vector<16xi32>
    %swap3A_323 = arith.constant 656 : index
    %swap3A_324 = tpu.vector_load %arg7[%swap3A_323] {strides = array<i32>} : memref<3328xi32, #tpu.memory_space<vmem>>, vector<16xi32>,
    tpu.vector_store %arg7[%swap3A_323], %add3A_322 {strides = array<i32>} : memref<3328xi32, #tpu.memory_space<vmem>>, vector<16xi32>,
    %get3A_325 = arith.constant 5 : i32
    %get3A_326 = arith.index_cast %get3A_325 : i32 to index
    %get3A_327 = arith.constant 32 : index
    %get3A_328 = tpu.vector_load %arg5[%get3A_326, %get3A_327] {strides = array<i32>} : memref<26x128xi32, #tpu.memory_space<vmem>>, vector<16xi32>,
    %add3A_329 = arith.addi %get3A_328, %get3A_310 : vector<16xi32>
    %swap3A_330 = arith.constant 672 : index
    %swap3A_331 = tpu.vector_load %arg7[%swap3A_330] {strides = array<i32>} : memref<3328xi32, #tpu.memory_space<vmem>>, vector<16xi32>,
    tpu.vector_store %arg7[%swap3A_330], %add3A_329 {strides = array<i32>} : memref<3328xi32, #tpu.memory_space<vmem>>, vector<16xi32>,
    %get3A_332 = arith.constant 5 : i32
    %get3A_333 = arith.index_cast %get3A_332 : i32 to index
    %get3A_334 = arith.constant 48 : index
    %get3A_335 = tpu.vector_load %arg5[%get3A_333, %get3A_334] {strides = array<i32>} : memref<26x128xi32, #tpu.memory_space<vmem>>, vector<16xi32>,
    %add3A_336 = arith.addi %get3A_335, %get3A_310 : vector<16xi32>
    %swap3A_337 = arith.constant 688 : index
    %swap3A_338 = tpu.vector_load %arg7[%swap3A_337] {strides = array<i32>} : memref<3328xi32, #tpu.memory_space<vmem>>, vector<16xi32>,
    tpu.vector_store %arg7[%swap3A_337], %add3A_336 {strides = array<i32>} : memref<3328xi32, #tpu.memory_space<vmem>>, vector<16xi32>,
    %get3A_339 = arith.constant 5 : i32
    %get3A_340 = arith.index_cast %get3A_339 : i32 to index
    %get3A_341 = arith.constant 64 : index
    %get3A_342 = tpu.vector_load %arg5[%get3A_340, %get3A_341] {strides = array<i32>} : memref<26x128xi32, #tpu.memory_space<vmem>>, vector<16xi32>,
    %add3A_343 = arith.addi %get3A_342, %get3A_310 : vector<16xi32>
    %swap3A_344 = arith.constant 704 : index
    %swap3A_345 = tpu.vector_load %arg7[%swap3A_344] {strides = array<i32>} : memref<3328xi32, #tpu.memory_space<vmem>>, vector<16xi32>,
    tpu.vector_store %arg7[%swap3A_344], %add3A_343 {strides = array<i32>} : memref<3328xi32, #tpu.memory_space<vmem>>, vector<16xi32>,
    %get3A_346 = arith.constant 5 : i32
    %get3A_347 = arith.index_cast %get3A_346 : i32 to index
    %get3A_348 = arith.constant 80 : index
    %get3A_349 = tpu.vector_load %arg5[%get3A_347, %get3A_348] {strides = array<i32>} : memref<26x128xi32, #tpu.memory_space<vmem>>, vector<16xi32>,
    %add3A_350 = arith.addi %get3A_349, %get3A_310 : vector<16xi32>
    %swap3A_351 = arith.constant 720 : index
    %swap3A_352 = tpu.vector_load %arg7[%swap3A_351] {strides = array<i32>} : memref<3328xi32, #tpu.memory_space<vmem>>, vector<16xi32>,
    tpu.vector_store %arg7[%swap3A_351], %add3A_350 {strides = array<i32>} : memref<3328xi32, #tpu.memory_space<vmem>>, vector<16xi32>,
    %get3A_353 = arith.constant 5 : i32
    %get3A_354 = arith.index_cast %get3A_353 : i32 to index
    %get3A_355 = arith.constant 96 : index
    %get3A_356 = tpu.vector_load %arg5[%get3A_354, %get3A_355] {strides = array<i32>} : memref<26x128xi32, #tpu.memory_space<vmem>>, vector<16xi32>,
    %add3A_357 = arith.addi %get3A_356, %get3A_310 : vector<16xi32>
    %swap3A_358 = arith.constant 736 : index
    %swap3A_359 = tpu.vector_load %arg7[%swap3A_358] {strides = array<i32>} : memref<3328xi32, #tpu.memory_space<vmem>>, vector<16xi32>,
    tpu.vector_store %arg7[%swap3A_358], %add3A_357 {strides = array<i32>} : memref<3328xi32, #tpu.memory_space<vmem>>, vector<16xi32>,
    %get3A_360 = arith.constant 5 : i32
    %get3A_361 = arith.index_cast %get3A_360 : i32 to index
    %get3A_362 = arith.constant 112 : index
    %get3A_363 = tpu.vector_load %arg5[%get3A_361, %get3A_362] {strides = array<i32>} : memref<26x128xi32, #tpu.memory_space<vmem>>, vector<16xi32>,
    %add3A_364 = arith.addi %get3A_363, %get3A_310 : vector<16xi32>
    %swap3A_365 = arith.constant 752 : index
    %swap3A_366 = tpu.vector_load %arg7[%swap3A_365] {strides = array<i32>} : memref<3328xi32, #tpu.memory_space<vmem>>, vector<16xi32>,
    tpu.vector_store %arg7[%swap3A_365], %add3A_364 {strides = array<i32>} : memref<3328xi32, #tpu.memory_space<vmem>>, vector<16xi32>,
    %get3A_367 = arith.constant 6 : i32
    %get3A_368 = arith.index_cast %get3A_367 : i32 to index
    %get3A_369 = arith.constant 0 : index
    %get3A_370 = tpu.vector_load %arg6[%get3A_368, %get3A_369] {strides = array<i32>} : memref<26x16xi32, #tpu.memory_space<vmem>>, vector<16xi32>,
    %get3A_371 = arith.constant 6 : i32
    %get3A_372 = arith.index_cast %get3A_371 : i32 to index
    %get3A_373 = arith.constant 0 : index
    %get3A_374 = tpu.vector_load %arg5[%get3A_372, %get3A_373] {strides = array<i32>} : memref<26x128xi32, #tpu.memory_space<vmem>>, vector<16xi32>,
    %add3A_375 = arith.addi %get3A_374, %get3A_370 : vector<16xi32>
    %swap3A_376 = arith.constant 768 : index
    %swap3A_377 = tpu.vector_load %arg7[%swap3A_376] {strides = array<i32>} : memref<3328xi32, #tpu.memory_space<vmem>>, vector<16xi32>,
    tpu.vector_store %arg7[%swap3A_376], %add3A_375 {strides = array<i32>} : memref<3328xi32, #tpu.memory_space<vmem>>, vector<16xi32>,
    %get3A_378 = arith.constant 6 : i32
    %get3A_379 = arith.index_cast %get3A_378 : i32 to index
    %get3A_380 = arith.constant 16 : index
    %get3A_381 = tpu.vector_load %arg5[%get3A_379, %get3A_380] {strides = array<i32>} : memref<26x128xi32, #tpu.memory_space<vmem>>, vector<16xi32>,
    %add3A_382 = arith.addi %get3A_381, %get3A_370 : vector<16xi32>
    %swap3A_383 = arith.constant 784 : index
    %swap3A_384 = tpu.vector_load %arg7[%swap3A_383] {strides = array<i32>} : memref<3328xi32, #tpu.memory_space<vmem>>, vector<16xi32>,
    tpu.vector_store %arg7[%swap3A_383], %add3A_382 {strides = array<i32>} : memref<3328xi32, #tpu.memory_space<vmem>>, vector<16xi32>,
    %get3A_385 = arith.constant 6 : i32
    %get3A_386 = arith.index_cast %get3A_385 : i32 to index
    %get3A_387 = arith.constant 32 : index
    %get3A_388 = tpu.vector_load %arg5[%get3A_386, %get3A_387] {strides = array<i32>} : memref<26x128xi32, #tpu.memory_space<vmem>>, vector<16xi32>,
    %add3A_389 = arith.addi %get3A_388, %get3A_370 : vector<16xi32>
    %swap3A_390 = arith.constant 800 : index
    %swap3A_391 = tpu.vector_load %arg7[%swap3A_390] {strides = array<i32>} : memref<3328xi32, #tpu.memory_space<vmem>>, vector<16xi32>,
    tpu.vector_store %arg7[%swap3A_390], %add3A_389 {strides = array<i32>} : memref<3328xi32, #tpu.memory_space<vmem>>, vector<16xi32>,
    %get3A_392 = arith.constant 6 : i32
    %get3A_393 = arith.index_cast %get3A_392 : i32 to index
    %get3A_394 = arith.constant 48 : index
    %get3A_395 = tpu.vector_load %arg5[%get3A_393, %get3A_394] {strides = array<i32>} : memref<26x128xi32, #tpu.memory_space<vmem>>, vector<16xi32>,
    %add3A_396 = arith.addi %get3A_395, %get3A_370 : vector<16xi32>
    %swap3A_397 = arith.constant 816 : index
    %swap3A_398 = tpu.vector_load %arg7[%swap3A_397] {strides = array<i32>} : memref<3328xi32, #tpu.memory_space<vmem>>, vector<16xi32>,
    tpu.vector_store %arg7[%swap3A_397], %add3A_396 {strides = array<i32>} : memref<3328xi32, #tpu.memory_space<vmem>>, vector<16xi32>,
    %get3A_399 = arith.constant 6 : i32
    %get3A_400 = arith.index_cast %get3A_399 : i32 to index
    %get3A_401 = arith.constant 64 : index
    %get3A_402 = tpu.vector_load %arg5[%get3A_400, %get3A_401] {strides = array<i32>} : memref<26x128xi32, #tpu.memory_space<vmem>>, vector<16xi32>,
    %add3A_403 = arith.addi %get3A_402, %get3A_370 : vector<16xi32>
    %swap3A_404 = arith.constant 832 : index
    %swap3A_405 = tpu.vector_load %arg7[%swap3A_404] {strides = array<i32>} : memref<3328xi32, #tpu.memory_space<vmem>>, vector<16xi32>,
    tpu.vector_store %arg7[%swap3A_404], %add3A_403 {strides = array<i32>} : memref<3328xi32, #tpu.memory_space<vmem>>, vector<16xi32>,
    %get3A_406 = arith.constant 6 : i32
    %get3A_407 = arith.index_cast %get3A_406 : i32 to index
    %get3A_408 = arith.constant 80 : index
    %get3A_409 = tpu.vector_load %arg5[%get3A_407, %get3A_408] {strides = array<i32>} : memref<26x128xi32, #tpu.memory_space<vmem>>, vector<16xi32>,
    %add3A_410 = arith.addi %get3A_409, %get3A_370 : vector<16xi32>
    %swap3A_411 = arith.constant 848 : index
    %swap3A_412 = tpu.vector_load %arg7[%swap3A_411] {strides = array<i32>} : memref<3328xi32, #tpu.memory_space<vmem>>, vector<16xi32>,
    tpu.vector_store %arg7[%swap3A_411], %add3A_410 {strides = array<i32>} : memref<3328xi32, #tpu.memory_space<vmem>>, vector<16xi32>,
    %get3A_413 = arith.constant 6 : i32
    %get3A_414 = arith.index_cast %get3A_413 : i32 to index
    %get3A_415 = arith.constant 96 : index
    %get3A_416 = tpu.vector_load %arg5[%get3A_414, %get3A_415] {strides = array<i32>} : memref<26x128xi32, #tpu.memory_space<vmem>>, vector<16xi32>,
    %add3A_417 = arith.addi %get3A_416, %get3A_370 : vector<16xi32>
    %swap3A_418 = arith.constant 864 : index
    %swap3A_419 = tpu.vector_load %arg7[%swap3A_418] {strides = array<i32>} : memref<3328xi32, #tpu.memory_space<vmem>>, vector<16xi32>,
    tpu.vector_store %arg7[%swap3A_418], %add3A_417 {strides = array<i32>} : memref<3328xi32, #tpu.memory_space<vmem>>, vector<16xi32>,
    %get3A_420 = arith.constant 6 : i32
    %get3A_421 = arith.index_cast %get3A_420 : i32 to index
    %get3A_422 = arith.constant 112 : index
    %get3A_423 = tpu.vector_load %arg5[%get3A_421, %get3A_422] {strides = array<i32>} : memref<26x128xi32, #tpu.memory_space<vmem>>, vector<16xi32>,
    %add3A_424 = arith.addi %get3A_423, %get3A_370 : vector<16xi32>
    %swap3A_425 = arith.constant 880 : index
    %swap3A_426 = tpu.vector_load %arg7[%swap3A_425] {strides = array<i32>} : memref<3328xi32, #tpu.memory_space<vmem>>, vector<16xi32>,
    tpu.vector_store %arg7[%swap3A_425], %add3A_424 {strides = array<i32>} : memref<3328xi32, #tpu.memory_space<vmem>>, vector<16xi32>,
    %get3A_427 = arith.constant 7 : i32
    %get3A_428 = arith.index_cast %get3A_427 : i32 to index
    %get3A_429 = arith.constant 0 : index
    %get3A_430 = tpu.vector_load %arg6[%get3A_428, %get3A_429] {strides = array<i32>} : memref<26x16xi32, #tpu.memory_space<vmem>>, vector<16xi32>,
    %get3A_431 = arith.constant 7 : i32
    %get3A_432 = arith.index_cast %get3A_431 : i32 to index
    %get3A_433 = arith.constant 0 : index
    %get3A_434 = tpu.vector_load %arg5[%get3A_432, %get3A_433] {strides = array<i32>} : memref<26x128xi32, #tpu.memory_space<vmem>>, vector<16xi32>,
    %add3A_435 = arith.addi %get3A_434, %get3A_430 : vector<16xi32>
    %swap3A_436 = arith.constant 896 : index
    %swap3A_437 = tpu.vector_load %arg7[%swap3A_436] {strides = array<i32>} : memref<3328xi32, #tpu.memory_space<vmem>>, vector<16xi32>,
    tpu.vector_store %arg7[%swap3A_436], %add3A_435 {strides = array<i32>} : memref<3328xi32, #tpu.memory_space<vmem>>, vector<16xi32>,
    %get3A_438 = arith.constant 7 : i32
    %get3A_439 = arith.index_cast %get3A_438 : i32 to index
    %get3A_440 = arith.constant 16 : index
    %get3A_441 = tpu.vector_load %arg5[%get3A_439, %get3A_440] {strides = array<i32>} : memref<26x128xi32, #tpu.memory_space<vmem>>, vector<16xi32>,
    %add3A_442 = arith.addi %get3A_441, %get3A_430 : vector<16xi32>
    %swap3A_443 = arith.constant 912 : index
    %swap3A_444 = tpu.vector_load %arg7[%swap3A_443] {strides = array<i32>} : memref<3328xi32, #tpu.memory_space<vmem>>, vector<16xi32>,
    tpu.vector_store %arg7[%swap3A_443], %add3A_442 {strides = array<i32>} : memref<3328xi32, #tpu.memory_space<vmem>>, vector<16xi32>,
    %get3A_445 = arith.constant 7 : i32
    %get3A_446 = arith.index_cast %get3A_445 : i32 to index
    %get3A_447 = arith.constant 32 : index
    %get3A_448 = tpu.vector_load %arg5[%get3A_446, %get3A_447] {strides = array<i32>} : memref<26x128xi32, #tpu.memory_space<vmem>>, vector<16xi32>,
    %add3A_449 = arith.addi %get3A_448, %get3A_430 : vector<16xi32>
    %swap3A_450 = arith.constant 928 : index
    %swap3A_451 = tpu.vector_load %arg7[%swap3A_450] {strides = array<i32>} : memref<3328xi32, #tpu.memory_space<vmem>>, vector<16xi32>,
    tpu.vector_store %arg7[%swap3A_450], %add3A_449 {strides = array<i32>} : memref<3328xi32, #tpu.memory_space<vmem>>, vector<16xi32>,
    %get3A_452 = arith.constant 7 : i32
    %get3A_453 = arith.index_cast %get3A_452 : i32 to index
    %get3A_454 = arith.constant 48 : index
    %get3A_455 = tpu.vector_load %arg5[%get3A_453, %get3A_454] {strides = array<i32>} : memref<26x128xi32, #tpu.memory_space<vmem>>, vector<16xi32>,
    %add3A_456 = arith.addi %get3A_455, %get3A_430 : vector<16xi32>
    %swap3A_457 = arith.constant 944 : index
    %swap3A_458 = tpu.vector_load %arg7[%swap3A_457] {strides = array<i32>} : memref<3328xi32, #tpu.memory_space<vmem>>, vector<16xi32>,
    tpu.vector_store %arg7[%swap3A_457], %add3A_456 {strides = array<i32>} : memref<3328xi32, #tpu.memory_space<vmem>>, vector<16xi32>,
    %get3A_459 = arith.constant 7 : i32
    %get3A_460 = arith.index_cast %get3A_459 : i32 to index
    %get3A_461 = arith.constant 64 : index
    %get3A_462 = tpu.vector_load %arg5[%get3A_460, %get3A_461] {strides = array<i32>} : memref<26x128xi32, #tpu.memory_space<vmem>>, vector<16xi32>,
    %add3A_463 = arith.addi %get3A_462, %get3A_430 : vector<16xi32>
    %swap3A_464 = arith.constant 960 : index
    %swap3A_465 = tpu.vector_load %arg7[%swap3A_464] {strides = array<i32>} : memref<3328xi32, #tpu.memory_space<vmem>>, vector<16xi32>,
    tpu.vector_store %arg7[%swap3A_464], %add3A_463 {strides = array<i32>} : memref<3328xi32, #tpu.memory_space<vmem>>, vector<16xi32>,
    %get3A_466 = arith.constant 7 : i32
    %get3A_467 = arith.index_cast %get3A_466 : i32 to index
    %get3A_468 = arith.constant 80 : index
    %get3A_469 = tpu.vector_load %arg5[%get3A_467, %get3A_468] {strides = array<i32>} : memref<26x128xi32, #tpu.memory_space<vmem>>, vector<16xi32>,
    %add3A_470 = arith.addi %get3A_469, %get3A_430 : vector<16xi32>
    %swap3A_471 = arith.constant 976 : index
    %swap3A_472 = tpu.vector_load %arg7[%swap3A_471] {strides = array<i32>} : memref<3328xi32, #tpu.memory_space<vmem>>, vector<16xi32>,
    tpu.vector_store %arg7[%swap3A_471], %add3A_470 {strides = array<i32>} : memref<3328xi32, #tpu.memory_space<vmem>>, vector<16xi32>,
    %get3A_473 = arith.constant 7 : i32
    %get3A_474 = arith.index_cast %get3A_473 : i32 to index
    %get3A_475 = arith.constant 96 : index
    %get3A_476 = tpu.vector_load %arg5[%get3A_474, %get3A_475] {strides = array<i32>} : memref<26x128xi32, #tpu.memory_space<vmem>>, vector<16xi32>,
    %add3A_477 = arith.addi %get3A_476, %get3A_430 : vector<16xi32>
    %swap3A_478 = arith.constant 992 : index
    %swap3A_479 = tpu.vector_load %arg7[%swap3A_478] {strides = array<i32>} : memref<3328xi32, #tpu.memory_space<vmem>>, vector<16xi32>,
    tpu.vector_store %arg7[%swap3A_478], %add3A_477 {strides = array<i32>} : memref<3328xi32, #tpu.memory_space<vmem>>, vector<16xi32>,
    %get3A_480 = arith.constant 7 : i32
    %get3A_481 = arith.index_cast %get3A_480 : i32 to index
    %get3A_482 = arith.constant 112 : index
    %get3A_483 = tpu.vector_load %arg5[%get3A_481, %get3A_482] {strides = array<i32>} : memref<26x128xi32, #tpu.memory_space<vmem>>, vector<16xi32>,
    %add3A_484 = arith.addi %get3A_483, %get3A_430 : vector<16xi32>
    %swap3A_485 = arith.constant 1008 : index
    %swap3A_486 = tpu.vector_load %arg7[%swap3A_485] {strides = array<i32>} : memref<3328xi32, #tpu.memory_space<vmem>>, vector<16xi32>,
    tpu.vector_store %arg7[%swap3A_485], %add3A_484 {strides = array<i32>} : memref<3328xi32, #tpu.memory_space<vmem>>, vector<16xi32>,
    %get3A_487 = arith.constant 8 : i32
    %get3A_488 = arith.index_cast %get3A_487 : i32 to index
    %get3A_489 = arith.constant 0 : index
    %get3A_490 = tpu.vector_load %arg6[%get3A_488, %get3A_489] {strides = array<i32>} : memref<26x16xi32, #tpu.memory_space<vmem>>, vector<16xi32>,
    %get3A_491 = arith.constant 8 : i32
    %get3A_492 = arith.index_cast %get3A_491 : i32 to index
    %get3A_493 = arith.constant 0 : index
    %get3A_494 = tpu.vector_load %arg5[%get3A_492, %get3A_493] {strides = array<i32>} : memref<26x128xi32, #tpu.memory_space<vmem>>, vector<16xi32>,
    %add3A_495 = arith.addi %get3A_494, %get3A_490 : vector<16xi32>
    %swap3A_496 = arith.constant 1024 : index
    %swap3A_497 = tpu.vector_load %arg7[%swap3A_496] {strides = array<i32>} : memref<3328xi32, #tpu.memory_space<vmem>>, vector<16xi32>,
    tpu.vector_store %arg7[%swap3A_496], %add3A_495 {strides = array<i32>} : memref<3328xi32, #tpu.memory_space<vmem>>, vector<16xi32>,
    %get3A_498 = arith.constant 8 : i32
    %get3A_499 = arith.index_cast %get3A_498 : i32 to index
    %get3A_500 = arith.constant 16 : index
    %get3A_501 = tpu.vector_load %arg5[%get3A_499, %get3A_500] {strides = array<i32>} : memref<26x128xi32, #tpu.memory_space<vmem>>, vector<16xi32>,
    %add3A_502 = arith.addi %get3A_501, %get3A_490 : vector<16xi32>
    %swap3A_503 = arith.constant 1040 : index
    %swap3A_504 = tpu.vector_load %arg7[%swap3A_503] {strides = array<i32>} : memref<3328xi32, #tpu.memory_space<vmem>>, vector<16xi32>,
    tpu.vector_store %arg7[%swap3A_503], %add3A_502 {strides = array<i32>} : memref<3328xi32, #tpu.memory_space<vmem>>, vector<16xi32>,
    %get3A_505 = arith.constant 8 : i32
    %get3A_506 = arith.index_cast %get3A_505 : i32 to index
    %get3A_507 = arith.constant 32 : index
    %get3A_508 = tpu.vector_load %arg5[%get3A_506, %get3A_507] {strides = array<i32>} : memref<26x128xi32, #tpu.memory_space<vmem>>, vector<16xi32>,
    %add3A_509 = arith.addi %get3A_508, %get3A_490 : vector<16xi32>
    %swap3A_510 = arith.constant 1056 : index
    %swap3A_511 = tpu.vector_load %arg7[%swap3A_510] {strides = array<i32>} : memref<3328xi32, #tpu.memory_space<vmem>>, vector<16xi32>,
    tpu.vector_store %arg7[%swap3A_510], %add3A_509 {strides = array<i32>} : memref<3328xi32, #tpu.memory_space<vmem>>, vector<16xi32>,
    %get3A_512 = arith.constant 8 : i32
    %get3A_513 = arith.index_cast %get3A_512 : i32 to index
    %get3A_514 = arith.constant 48 : index
    %get3A_515 = tpu.vector_load %arg5[%get3A_513, %get3A_514] {strides = array<i32>} : memref<26x128xi32, #tpu.memory_space<vmem>>, vector<16xi32>,
    %add3A_516 = arith.addi %get3A_515, %get3A_490 : vector<16xi32>
    %swap3A_517 = arith.constant 1072 : index
    %swap3A_518 = tpu.vector_load %arg7[%swap3A_517] {strides = array<i32>} : memref<3328xi32, #tpu.memory_space<vmem>>, vector<16xi32>,
    tpu.vector_store %arg7[%swap3A_517], %add3A_516 {strides = array<i32>} : memref<3328xi32, #tpu.memory_space<vmem>>, vector<16xi32>,
    %get3A_519 = arith.constant 8 : i32
    %get3A_520 = arith.index_cast %get3A_519 : i32 to index
    %get3A_521 = arith.constant 64 : index
    %get3A_522 = tpu.vector_load %arg5[%get3A_520, %get3A_521] {strides = array<i32>} : memref<26x128xi32, #tpu.memory_space<vmem>>, vector<16xi32>,
    %add3A_523 = arith.addi %get3A_522, %get3A_490 : vector<16xi32>
    %swap3A_524 = arith.constant 1088 : index
    %swap3A_525 = tpu.vector_load %arg7[%swap3A_524] {strides = array<i32>} : memref<3328xi32, #tpu.memory_space<vmem>>, vector<16xi32>,
    tpu.vector_store %arg7[%swap3A_524], %add3A_523 {strides = array<i32>} : memref<3328xi32, #tpu.memory_space<vmem>>, vector<16xi32>,
    %get3A_526 = arith.constant 8 : i32
    %get3A_527 = arith.index_cast %get3A_526 : i32 to index
    %get3A_528 = arith.constant 80 : index
    %get3A_529 = tpu.vector_load %arg5[%get3A_527, %get3A_528] {strides = array<i32>} : memref<26x128xi32, #tpu.memory_space<vmem>>, vector<16xi32>,
    %add3A_530 = arith.addi %get3A_529, %get3A_490 : vector<16xi32>
    %swap3A_531 = arith.constant 1104 : index
    %swap3A_532 = tpu.vector_load %arg7[%swap3A_531] {strides = array<i32>} : memref<3328xi32, #tpu.memory_space<vmem>>, vector<16xi32>,
    tpu.vector_store %arg7[%swap3A_531], %add3A_530 {strides = array<i32>} : memref<3328xi32, #tpu.memory_space<vmem>>, vector<16xi32>,
    %get3A_533 = arith.constant 8 : i32
    %get3A_534 = arith.index_cast %get3A_533 : i32 to index
    %get3A_535 = arith.constant 96 : index
    %get3A_536 = tpu.vector_load %arg5[%get3A_534, %get3A_535] {strides = array<i32>} : memref<26x128xi32, #tpu.memory_space<vmem>>, vector<16xi32>,
    %add3A_537 = arith.addi %get3A_536, %get3A_490 : vector<16xi32>
    %swap3A_538 = arith.constant 1120 : index
    %swap3A_539 = tpu.vector_load %arg7[%swap3A_538] {strides = array<i32>} : memref<3328xi32, #tpu.memory_space<vmem>>, vector<16xi32>,
    tpu.vector_store %arg7[%swap3A_538], %add3A_537 {strides = array<i32>} : memref<3328xi32, #tpu.memory_space<vmem>>, vector<16xi32>,
    %get3A_540 = arith.constant 8 : i32
    %get3A_541 = arith.index_cast %get3A_540 : i32 to index
    %get3A_542 = arith.constant 112 : index
    %get3A_543 = tpu.vector_load %arg5[%get3A_541, %get3A_542] {strides = array<i32>} : memref<26x128xi32, #tpu.memory_space<vmem>>, vector<16xi32>,
    %add3A_544 = arith.addi %get3A_543, %get3A_490 : vector<16xi32>
    %swap3A_545 = arith.constant 1136 : index
    %swap3A_546 = tpu.vector_load %arg7[%swap3A_545] {strides = array<i32>} : memref<3328xi32, #tpu.memory_space<vmem>>, vector<16xi32>,
    tpu.vector_store %arg7[%swap3A_545], %add3A_544 {strides = array<i32>} : memref<3328xi32, #tpu.memory_space<vmem>>, vector<16xi32>,
    %get3A_547 = arith.constant 9 : i32
    %get3A_548 = arith.index_cast %get3A_547 : i32 to index
    %get3A_549 = arith.constant 0 : index
    %get3A_550 = tpu.vector_load %arg6[%get3A_548, %get3A_549] {strides = array<i32>} : memref<26x16xi32, #tpu.memory_space<vmem>>, vector<16xi32>,
    %get3A_551 = arith.constant 9 : i32
    %get3A_552 = arith.index_cast %get3A_551 : i32 to index
    %get3A_553 = arith.constant 0 : index
    %get3A_554 = tpu.vector_load %arg5[%get3A_552, %get3A_553] {strides = array<i32>} : memref<26x128xi32, #tpu.memory_space<vmem>>, vector<16xi32>,
    %add3A_555 = arith.addi %get3A_554, %get3A_550 : vector<16xi32>
    %swap3A_556 = arith.constant 1152 : index
    %swap3A_557 = tpu.vector_load %arg7[%swap3A_556] {strides = array<i32>} : memref<3328xi32, #tpu.memory_space<vmem>>, vector<16xi32>,
    tpu.vector_store %arg7[%swap3A_556], %add3A_555 {strides = array<i32>} : memref<3328xi32, #tpu.memory_space<vmem>>, vector<16xi32>,
    %get3A_558 = arith.constant 9 : i32
    %get3A_559 = arith.index_cast %get3A_558 : i32 to index
    %get3A_560 = arith.constant 16 : index
    %get3A_561 = tpu.vector_load %arg5[%get3A_559, %get3A_560] {strides = array<i32>} : memref<26x128xi32, #tpu.memory_space<vmem>>, vector<16xi32>,
    %add3A_562 = arith.addi %get3A_561, %get3A_550 : vector<16xi32>
    %swap3A_563 = arith.constant 1168 : index
    %swap3A_564 = tpu.vector_load %arg7[%swap3A_563] {strides = array<i32>} : memref<3328xi32, #tpu.memory_space<vmem>>, vector<16xi32>,
    tpu.vector_store %arg7[%swap3A_563], %add3A_562 {strides = array<i32>} : memref<3328xi32, #tpu.memory_space<vmem>>, vector<16xi32>,
    %get3A_565 = arith.constant 9 : i32
    %get3A_566 = arith.index_cast %get3A_565 : i32 to index
    %get3A_567 = arith.constant 32 : index
    %get3A_568 = tpu.vector_load %arg5[%get3A_566, %get3A_567] {strides = array<i32>} : memref<26x128xi32, #tpu.memory_space<vmem>>, vector<16xi32>,
    %add3A_569 = arith.addi %get3A_568, %get3A_550 : vector<16xi32>
    %swap3A_570 = arith.constant 1184 : index
    %swap3A_571 = tpu.vector_load %arg7[%swap3A_570] {strides = array<i32>} : memref<3328xi32, #tpu.memory_space<vmem>>, vector<16xi32>,
    tpu.vector_store %arg7[%swap3A_570], %add3A_569 {strides = array<i32>} : memref<3328xi32, #tpu.memory_space<vmem>>, vector<16xi32>,
    %get3A_572 = arith.constant 9 : i32
    %get3A_573 = arith.index_cast %get3A_572 : i32 to index
    %get3A_574 = arith.constant 48 : index
    %get3A_575 = tpu.vector_load %arg5[%get3A_573, %get3A_574] {strides = array<i32>} : memref<26x128xi32, #tpu.memory_space<vmem>>, vector<16xi32>,
    %add3A_576 = arith.addi %get3A_575, %get3A_550 : vector<16xi32>
    %swap3A_577 = arith.constant 1200 : index
    %swap3A_578 = tpu.vector_load %arg7[%swap3A_577] {strides = array<i32>} : memref<3328xi32, #tpu.memory_space<vmem>>, vector<16xi32>,
    tpu.vector_store %arg7[%swap3A_577], %add3A_576 {strides = array<i32>} : memref<3328xi32, #tpu.memory_space<vmem>>, vector<16xi32>,
    %get3A_579 = arith.constant 9 : i32
    %get3A_580 = arith.index_cast %get3A_579 : i32 to index
    %get3A_581 = arith.constant 64 : index
    %get3A_582 = tpu.vector_load %arg5[%get3A_580, %get3A_581] {strides = array<i32>} : memref<26x128xi32, #tpu.memory_space<vmem>>, vector<16xi32>,
    %add3A_583 = arith.addi %get3A_582, %get3A_550 : vector<16xi32>
    %swap3A_584 = arith.constant 1216 : index
    %swap3A_585 = tpu.vector_load %arg7[%swap3A_584] {strides = array<i32>} : memref<3328xi32, #tpu.memory_space<vmem>>, vector<16xi32>,
    tpu.vector_store %arg7[%swap3A_584], %add3A_583 {strides = array<i32>} : memref<3328xi32, #tpu.memory_space<vmem>>, vector<16xi32>,
    %get3A_586 = arith.constant 9 : i32
    %get3A_587 = arith.index_cast %get3A_586 : i32 to index
    %get3A_588 = arith.constant 80 : index
    %get3A_589 = tpu.vector_load %arg5[%get3A_587, %get3A_588] {strides = array<i32>} : memref<26x128xi32, #tpu.memory_space<vmem>>, vector<16xi32>,
    %add3A_590 = arith.addi %get3A_589, %get3A_550 : vector<16xi32>
    %swap3A_591 = arith.constant 1232 : index
    %swap3A_592 = tpu.vector_load %arg7[%swap3A_591] {strides = array<i32>} : memref<3328xi32, #tpu.memory_space<vmem>>, vector<16xi32>,
    tpu.vector_store %arg7[%swap3A_591], %add3A_590 {strides = array<i32>} : memref<3328xi32, #tpu.memory_space<vmem>>, vector<16xi32>,
    %get3A_593 = arith.constant 9 : i32
    %get3A_594 = arith.index_cast %get3A_593 : i32 to index
    %get3A_595 = arith.constant 96 : index
    %get3A_596 = tpu.vector_load %arg5[%get3A_594, %get3A_595] {strides = array<i32>} : memref<26x128xi32, #tpu.memory_space<vmem>>, vector<16xi32>,
    %add3A_597 = arith.addi %get3A_596, %get3A_550 : vector<16xi32>
    %swap3A_598 = arith.constant 1248 : index
    %swap3A_599 = tpu.vector_load %arg7[%swap3A_598] {strides = array<i32>} : memref<3328xi32, #tpu.memory_space<vmem>>, vector<16xi32>,
    tpu.vector_store %arg7[%swap3A_598], %add3A_597 {strides = array<i32>} : memref<3328xi32, #tpu.memory_space<vmem>>, vector<16xi32>,
    %get3A_600 = arith.constant 9 : i32
    %get3A_601 = arith.index_cast %get3A_600 : i32 to index
    %get3A_602 = arith.constant 112 : index
    %get3A_603 = tpu.vector_load %arg5[%get3A_601, %get3A_602] {strides = array<i32>} : memref<26x128xi32, #tpu.memory_space<vmem>>, vector<16xi32>,
    %add3A_604 = arith.addi %get3A_603, %get3A_550 : vector<16xi32>
    %swap3A_605 = arith.constant 1264 : index
    %swap3A_606 = tpu.vector_load %arg7[%swap3A_605] {strides = array<i32>} : memref<3328xi32, #tpu.memory_space<vmem>>, vector<16xi32>,
    tpu.vector_store %arg7[%swap3A_605], %add3A_604 {strides = array<i32>} : memref<3328xi32, #tpu.memory_space<vmem>>, vector<16xi32>,
    %get3A_607 = arith.constant 10 : i32
    %get3A_608 = arith.index_cast %get3A_607 : i32 to index
    %get3A_609 = arith.constant 0 : index
    %get3A_610 = tpu.vector_load %arg6[%get3A_608, %get3A_609] {strides = array<i32>} : memref<26x16xi32, #tpu.memory_space<vmem>>, vector<16xi32>,
    %get3A_611 = arith.constant 10 : i32
    %get3A_612 = arith.index_cast %get3A_611 : i32 to index
    %get3A_613 = arith.constant 0 : index
    %get3A_614 = tpu.vector_load %arg5[%get3A_612, %get3A_613] {strides = array<i32>} : memref<26x128xi32, #tpu.memory_space<vmem>>, vector<16xi32>,
    %add3A_615 = arith.addi %get3A_614, %get3A_610 : vector<16xi32>
    %swap3A_616 = arith.constant 1280 : index
    %swap3A_617 = tpu.vector_load %arg7[%swap3A_616] {strides = array<i32>} : memref<3328xi32, #tpu.memory_space<vmem>>, vector<16xi32>,
    tpu.vector_store %arg7[%swap3A_616], %add3A_615 {strides = array<i32>} : memref<3328xi32, #tpu.memory_space<vmem>>, vector<16xi32>,
    %get3A_618 = arith.constant 10 : i32
    %get3A_619 = arith.index_cast %get3A_618 : i32 to index
    %get3A_620 = arith.constant 16 : index
    %get3A_621 = tpu.vector_load %arg5[%get3A_619, %get3A_620] {strides = array<i32>} : memref<26x128xi32, #tpu.memory_space<vmem>>, vector<16xi32>,
    %add3A_622 = arith.addi %get3A_621, %get3A_610 : vector<16xi32>
    %swap3A_623 = arith.constant 1296 : index
    %swap3A_624 = tpu.vector_load %arg7[%swap3A_623] {strides = array<i32>} : memref<3328xi32, #tpu.memory_space<vmem>>, vector<16xi32>,
    tpu.vector_store %arg7[%swap3A_623], %add3A_622 {strides = array<i32>} : memref<3328xi32, #tpu.memory_space<vmem>>, vector<16xi32>,
    %get3A_625 = arith.constant 10 : i32
    %get3A_626 = arith.index_cast %get3A_625 : i32 to index
    %get3A_627 = arith.constant 32 : index
    %get3A_628 = tpu.vector_load %arg5[%get3A_626, %get3A_627] {strides = array<i32>} : memref<26x128xi32, #tpu.memory_space<vmem>>, vector<16xi32>,
    %add3A_629 = arith.addi %get3A_628, %get3A_610 : vector<16xi32>
    %swap3A_630 = arith.constant 1312 : index
    %swap3A_631 = tpu.vector_load %arg7[%swap3A_630] {strides = array<i32>} : memref<3328xi32, #tpu.memory_space<vmem>>, vector<16xi32>,
    tpu.vector_store %arg7[%swap3A_630], %add3A_629 {strides = array<i32>} : memref<3328xi32, #tpu.memory_space<vmem>>, vector<16xi32>,
    %get3A_632 = arith.constant 10 : i32
    %get3A_633 = arith.index_cast %get3A_632 : i32 to index
    %get3A_634 = arith.constant 48 : index
    %get3A_635 = tpu.vector_load %arg5[%get3A_633, %get3A_634] {strides = array<i32>} : memref<26x128xi32, #tpu.memory_space<vmem>>, vector<16xi32>,
    %add3A_636 = arith.addi %get3A_635, %get3A_610 : vector<16xi32>
    %swap3A_637 = arith.constant 1328 : index
    %swap3A_638 = tpu.vector_load %arg7[%swap3A_637] {strides = array<i32>} : memref<3328xi32, #tpu.memory_space<vmem>>, vector<16xi32>,
    tpu.vector_store %arg7[%swap3A_637], %add3A_636 {strides = array<i32>} : memref<3328xi32, #tpu.memory_space<vmem>>, vector<16xi32>,
    %get3A_639 = arith.constant 10 : i32
    %get3A_640 = arith.index_cast %get3A_639 : i32 to index
    %get3A_641 = arith.constant 64 : index
    %get3A_642 = tpu.vector_load %arg5[%get3A_640, %get3A_641] {strides = array<i32>} : memref<26x128xi32, #tpu.memory_space<vmem>>, vector<16xi32>,
    %add3A_643 = arith.addi %get3A_642, %get3A_610 : vector<16xi32>
    %swap3A_644 = arith.constant 1344 : index
    %swap3A_645 = tpu.vector_load %arg7[%swap3A_644] {strides = array<i32>} : memref<3328xi32, #tpu.memory_space<vmem>>, vector<16xi32>,
    tpu.vector_store %arg7[%swap3A_644], %add3A_643 {strides = array<i32>} : memref<3328xi32, #tpu.memory_space<vmem>>, vector<16xi32>,
    %get3A_646 = arith.constant 10 : i32
    %get3A_647 = arith.index_cast %get3A_646 : i32 to index
    %get3A_648 = arith.constant 80 : index
    %get3A_649 = tpu.vector_load %arg5[%get3A_647, %get3A_648] {strides = array<i32>} : memref<26x128xi32, #tpu.memory_space<vmem>>, vector<16xi32>,
    %add3A_650 = arith.addi %get3A_649, %get3A_610 : vector<16xi32>
    %swap3A_651 = arith.constant 1360 : index
    %swap3A_652 = tpu.vector_load %arg7[%swap3A_651] {strides = array<i32>} : memref<3328xi32, #tpu.memory_space<vmem>>, vector<16xi32>,
    tpu.vector_store %arg7[%swap3A_651], %add3A_650 {strides = array<i32>} : memref<3328xi32, #tpu.memory_space<vmem>>, vector<16xi32>,
    %get3A_653 = arith.constant 10 : i32
    %get3A_654 = arith.index_cast %get3A_653 : i32 to index
    %get3A_655 = arith.constant 96 : index
    %get3A_656 = tpu.vector_load %arg5[%get3A_654, %get3A_655] {strides = array<i32>} : memref<26x128xi32, #tpu.memory_space<vmem>>, vector<16xi32>,
    %add3A_657 = arith.addi %get3A_656, %get3A_610 : vector<16xi32>
    %swap3A_658 = arith.constant 1376 : index
    %swap3A_659 = tpu.vector_load %arg7[%swap3A_658] {strides = array<i32>} : memref<3328xi32, #tpu.memory_space<vmem>>, vector<16xi32>,
    tpu.vector_store %arg7[%swap3A_658], %add3A_657 {strides = array<i32>} : memref<3328xi32, #tpu.memory_space<vmem>>, vector<16xi32>,
    %get3A_660 = arith.constant 10 : i32
    %get3A_661 = arith.index_cast %get3A_660 : i32 to index
    %get3A_662 = arith.constant 112 : index
    %get3A_663 = tpu.vector_load %arg5[%get3A_661, %get3A_662] {strides = array<i32>} : memref<26x128xi32, #tpu.memory_space<vmem>>, vector<16xi32>,
    %add3A_664 = arith.addi %get3A_663, %get3A_610 : vector<16xi32>
    %swap3A_665 = arith.constant 1392 : index
    %swap3A_666 = tpu.vector_load %arg7[%swap3A_665] {strides = array<i32>} : memref<3328xi32, #tpu.memory_space<vmem>>, vector<16xi32>,
    tpu.vector_store %arg7[%swap3A_665], %add3A_664 {strides = array<i32>} : memref<3328xi32, #tpu.memory_space<vmem>>, vector<16xi32>,
    %get3A_667 = arith.constant 11 : i32
    %get3A_668 = arith.index_cast %get3A_667 : i32 to index
    %get3A_669 = arith.constant 0 : index
    %get3A_670 = tpu.vector_load %arg6[%get3A_668, %get3A_669] {strides = array<i32>} : memref<26x16xi32, #tpu.memory_space<vmem>>, vector<16xi32>,
    %get3A_671 = arith.constant 11 : i32
    %get3A_672 = arith.index_cast %get3A_671 : i32 to index
    %get3A_673 = arith.constant 0 : index
    %get3A_674 = tpu.vector_load %arg5[%get3A_672, %get3A_673] {strides = array<i32>} : memref<26x128xi32, #tpu.memory_space<vmem>>, vector<16xi32>,
    %add3A_675 = arith.addi %get3A_674, %get3A_670 : vector<16xi32>
    %swap3A_676 = arith.constant 1408 : index
    %swap3A_677 = tpu.vector_load %arg7[%swap3A_676] {strides = array<i32>} : memref<3328xi32, #tpu.memory_space<vmem>>, vector<16xi32>,
    tpu.vector_store %arg7[%swap3A_676], %add3A_675 {strides = array<i32>} : memref<3328xi32, #tpu.memory_space<vmem>>, vector<16xi32>,
    %get3A_678 = arith.constant 11 : i32
    %get3A_679 = arith.index_cast %get3A_678 : i32 to index
    %get3A_680 = arith.constant 16 : index
    %get3A_681 = tpu.vector_load %arg5[%get3A_679, %get3A_680] {strides = array<i32>} : memref<26x128xi32, #tpu.memory_space<vmem>>, vector<16xi32>,
    %add3A_682 = arith.addi %get3A_681, %get3A_670 : vector<16xi32>
    %swap3A_683 = arith.constant 1424 : index
    %swap3A_684 = tpu.vector_load %arg7[%swap3A_683] {strides = array<i32>} : memref<3328xi32, #tpu.memory_space<vmem>>, vector<16xi32>,
    tpu.vector_store %arg7[%swap3A_683], %add3A_682 {strides = array<i32>} : memref<3328xi32, #tpu.memory_space<vmem>>, vector<16xi32>,
    %get3A_685 = arith.constant 11 : i32
    %get3A_686 = arith.index_cast %get3A_685 : i32 to index
    %get3A_687 = arith.constant 32 : index
    %get3A_688 = tpu.vector_load %arg5[%get3A_686, %get3A_687] {strides = array<i32>} : memref<26x128xi32, #tpu.memory_space<vmem>>, vector<16xi32>,
    %add3A_689 = arith.addi %get3A_688, %get3A_670 : vector<16xi32>
    %swap3A_690 = arith.constant 1440 : index
    %swap3A_691 = tpu.vector_load %arg7[%swap3A_690] {strides = array<i32>} : memref<3328xi32, #tpu.memory_space<vmem>>, vector<16xi32>,
    tpu.vector_store %arg7[%swap3A_690], %add3A_689 {strides = array<i32>} : memref<3328xi32, #tpu.memory_space<vmem>>, vector<16xi32>,
    %get3A_692 = arith.constant 11 : i32
    %get3A_693 = arith.index_cast %get3A_692 : i32 to index
    %get3A_694 = arith.constant 48 : index
    %get3A_695 = tpu.vector_load %arg5[%get3A_693, %get3A_694] {strides = array<i32>} : memref<26x128xi32, #tpu.memory_space<vmem>>, vector<16xi32>,
    %add3A_696 = arith.addi %get3A_695, %get3A_670 : vector<16xi32>
    %swap3A_697 = arith.constant 1456 : index
    %swap3A_698 = tpu.vector_load %arg7[%swap3A_697] {strides = array<i32>} : memref<3328xi32, #tpu.memory_space<vmem>>, vector<16xi32>,
    tpu.vector_store %arg7[%swap3A_697], %add3A_696 {strides = array<i32>} : memref<3328xi32, #tpu.memory_space<vmem>>, vector<16xi32>,
    %get3A_699 = arith.constant 11 : i32
    %get3A_700 = arith.index_cast %get3A_699 : i32 to index
    %get3A_701 = arith.constant 64 : index
    %get3A_702 = tpu.vector_load %arg5[%get3A_700, %get3A_701] {strides = array<i32>} : memref<26x128xi32, #tpu.memory_space<vmem>>, vector<16xi32>,
    %add3A_703 = arith.addi %get3A_702, %get3A_670 : vector<16xi32>
    %swap3A_704 = arith.constant 1472 : index
    %swap3A_705 = tpu.vector_load %arg7[%swap3A_704] {strides = array<i32>} : memref<3328xi32, #tpu.memory_space<vmem>>, vector<16xi32>,
    tpu.vector_store %arg7[%swap3A_704], %add3A_703 {strides = array<i32>} : memref<3328xi32, #tpu.memory_space<vmem>>, vector<16xi32>,
    %get3A_706 = arith.constant 11 : i32
    %get3A_707 = arith.index_cast %get3A_706 : i32 to index
    %get3A_708 = arith.constant 80 : index
    %get3A_709 = tpu.vector_load %arg5[%get3A_707, %get3A_708] {strides = array<i32>} : memref<26x128xi32, #tpu.memory_space<vmem>>, vector<16xi32>,
    %add3A_710 = arith.addi %get3A_709, %get3A_670 : vector<16xi32>
    %swap3A_711 = arith.constant 1488 : index
    %swap3A_712 = tpu.vector_load %arg7[%swap3A_711] {strides = array<i32>} : memref<3328xi32, #tpu.memory_space<vmem>>, vector<16xi32>,
    tpu.vector_store %arg7[%swap3A_711], %add3A_710 {strides = array<i32>} : memref<3328xi32, #tpu.memory_space<vmem>>, vector<16xi32>,
    %get3A_713 = arith.constant 11 : i32
    %get3A_714 = arith.index_cast %get3A_713 : i32 to index
    %get3A_715 = arith.constant 96 : index
    %get3A_716 = tpu.vector_load %arg5[%get3A_714, %get3A_715] {strides = array<i32>} : memref<26x128xi32, #tpu.memory_space<vmem>>, vector<16xi32>,
    %add3A_717 = arith.addi %get3A_716, %get3A_670 : vector<16xi32>
    %swap3A_718 = arith.constant 1504 : index
    %swap3A_719 = tpu.vector_load %arg7[%swap3A_718] {strides = array<i32>} : memref<3328xi32, #tpu.memory_space<vmem>>, vector<16xi32>,
    tpu.vector_store %arg7[%swap3A_718], %add3A_717 {strides = array<i32>} : memref<3328xi32, #tpu.memory_space<vmem>>, vector<16xi32>,
    %get3A_720 = arith.constant 11 : i32
    %get3A_721 = arith.index_cast %get3A_720 : i32 to index
    %get3A_722 = arith.constant 112 : index
    %get3A_723 = tpu.vector_load %arg5[%get3A_721, %get3A_722] {strides = array<i32>} : memref<26x128xi32, #tpu.memory_space<vmem>>, vector<16xi32>,
    %add3A_724 = arith.addi %get3A_723, %get3A_670 : vector<16xi32>
    %swap3A_725 = arith.constant 1520 : index
    %swap3A_726 = tpu.vector_load %arg7[%swap3A_725] {strides = array<i32>} : memref<3328xi32, #tpu.memory_space<vmem>>, vector<16xi32>,
    tpu.vector_store %arg7[%swap3A_725], %add3A_724 {strides = array<i32>} : memref<3328xi32, #tpu.memory_space<vmem>>, vector<16xi32>,
    %get3A_727 = arith.constant 12 : i32
    %get3A_728 = arith.index_cast %get3A_727 : i32 to index
    %get3A_729 = arith.constant 0 : index
    %get3A_730 = tpu.vector_load %arg6[%get3A_728, %get3A_729] {strides = array<i32>} : memref<26x16xi32, #tpu.memory_space<vmem>>, vector<16xi32>,
    %get3A_731 = arith.constant 12 : i32
    %get3A_732 = arith.index_cast %get3A_731 : i32 to index
    %get3A_733 = arith.constant 0 : index
    %get3A_734 = tpu.vector_load %arg5[%get3A_732, %get3A_733] {strides = array<i32>} : memref<26x128xi32, #tpu.memory_space<vmem>>, vector<16xi32>,
    %add3A_735 = arith.addi %get3A_734, %get3A_730 : vector<16xi32>
    %swap3A_736 = arith.constant 1536 : index
    %swap3A_737 = tpu.vector_load %arg7[%swap3A_736] {strides = array<i32>} : memref<3328xi32, #tpu.memory_space<vmem>>, vector<16xi32>,
    tpu.vector_store %arg7[%swap3A_736], %add3A_735 {strides = array<i32>} : memref<3328xi32, #tpu.memory_space<vmem>>, vector<16xi32>,
    %get3A_738 = arith.constant 12 : i32
    %get3A_739 = arith.index_cast %get3A_738 : i32 to index
    %get3A_740 = arith.constant 16 : index
    %get3A_741 = tpu.vector_load %arg5[%get3A_739, %get3A_740] {strides = array<i32>} : memref<26x128xi32, #tpu.memory_space<vmem>>, vector<16xi32>,
    %add3A_742 = arith.addi %get3A_741, %get3A_730 : vector<16xi32>
    %swap3A_743 = arith.constant 1552 : index
    %swap3A_744 = tpu.vector_load %arg7[%swap3A_743] {strides = array<i32>} : memref<3328xi32, #tpu.memory_space<vmem>>, vector<16xi32>,
    tpu.vector_store %arg7[%swap3A_743], %add3A_742 {strides = array<i32>} : memref<3328xi32, #tpu.memory_space<vmem>>, vector<16xi32>,
    %get3A_745 = arith.constant 12 : i32
    %get3A_746 = arith.index_cast %get3A_745 : i32 to index
    %get3A_747 = arith.constant 32 : index
    %get3A_748 = tpu.vector_load %arg5[%get3A_746, %get3A_747] {strides = array<i32>} : memref<26x128xi32, #tpu.memory_space<vmem>>, vector<16xi32>,
    %add3A_749 = arith.addi %get3A_748, %get3A_730 : vector<16xi32>
    %swap3A_750 = arith.constant 1568 : index
    %swap3A_751 = tpu.vector_load %arg7[%swap3A_750] {strides = array<i32>} : memref<3328xi32, #tpu.memory_space<vmem>>, vector<16xi32>,
    tpu.vector_store %arg7[%swap3A_750], %add3A_749 {strides = array<i32>} : memref<3328xi32, #tpu.memory_space<vmem>>, vector<16xi32>,
    %get3A_752 = arith.constant 12 : i32
    %get3A_753 = arith.index_cast %get3A_752 : i32 to index
    %get3A_754 = arith.constant 48 : index
    %get3A_755 = tpu.vector_load %arg5[%get3A_753, %get3A_754] {strides = array<i32>} : memref<26x128xi32, #tpu.memory_space<vmem>>, vector<16xi32>,
    %add3A_756 = arith.addi %get3A_755, %get3A_730 : vector<16xi32>
    %swap3A_757 = arith.constant 1584 : index
    %swap3A_758 = tpu.vector_load %arg7[%swap3A_757] {strides = array<i32>} : memref<3328xi32, #tpu.memory_space<vmem>>, vector<16xi32>,
    tpu.vector_store %arg7[%swap3A_757], %add3A_756 {strides = array<i32>} : memref<3328xi32, #tpu.memory_space<vmem>>, vector<16xi32>,
    %get3A_759 = arith.constant 12 : i32
    %get3A_760 = arith.index_cast %get3A_759 : i32 to index
    %get3A_761 = arith.constant 64 : index
    %get3A_762 = tpu.vector_load %arg5[%get3A_760, %get3A_761] {strides = array<i32>} : memref<26x128xi32, #tpu.memory_space<vmem>>, vector<16xi32>,
    %add3A_763 = arith.addi %get3A_762, %get3A_730 : vector<16xi32>
    %swap3A_764 = arith.constant 1600 : index
    %swap3A_765 = tpu.vector_load %arg7[%swap3A_764] {strides = array<i32>} : memref<3328xi32, #tpu.memory_space<vmem>>, vector<16xi32>,
    tpu.vector_store %arg7[%swap3A_764], %add3A_763 {strides = array<i32>} : memref<3328xi32, #tpu.memory_space<vmem>>, vector<16xi32>,
    %get3A_766 = arith.constant 12 : i32
    %get3A_767 = arith.index_cast %get3A_766 : i32 to index
    %get3A_768 = arith.constant 80 : index
    %get3A_769 = tpu.vector_load %arg5[%get3A_767, %get3A_768] {strides = array<i32>} : memref<26x128xi32, #tpu.memory_space<vmem>>, vector<16xi32>,
    %add3A_770 = arith.addi %get3A_769, %get3A_730 : vector<16xi32>
    %swap3A_771 = arith.constant 1616 : index
    %swap3A_772 = tpu.vector_load %arg7[%swap3A_771] {strides = array<i32>} : memref<3328xi32, #tpu.memory_space<vmem>>, vector<16xi32>,
    tpu.vector_store %arg7[%swap3A_771], %add3A_770 {strides = array<i32>} : memref<3328xi32, #tpu.memory_space<vmem>>, vector<16xi32>,
    %get3A_773 = arith.constant 12 : i32
    %get3A_774 = arith.index_cast %get3A_773 : i32 to index
    %get3A_775 = arith.constant 96 : index
    %get3A_776 = tpu.vector_load %arg5[%get3A_774, %get3A_775] {strides = array<i32>} : memref<26x128xi32, #tpu.memory_space<vmem>>, vector<16xi32>,
    %add3A_777 = arith.addi %get3A_776, %get3A_730 : vector<16xi32>
    %swap3A_778 = arith.constant 1632 : index
    %swap3A_779 = tpu.vector_load %arg7[%swap3A_778] {strides = array<i32>} : memref<3328xi32, #tpu.memory_space<vmem>>, vector<16xi32>,
    tpu.vector_store %arg7[%swap3A_778], %add3A_777 {strides = array<i32>} : memref<3328xi32, #tpu.memory_space<vmem>>, vector<16xi32>,
    %get3A_780 = arith.constant 12 : i32
    %get3A_781 = arith.index_cast %get3A_780 : i32 to index
    %get3A_782 = arith.constant 112 : index
    %get3A_783 = tpu.vector_load %arg5[%get3A_781, %get3A_782] {strides = array<i32>} : memref<26x128xi32, #tpu.memory_space<vmem>>, vector<16xi32>,
    %add3A_784 = arith.addi %get3A_783, %get3A_730 : vector<16xi32>
    %swap3A_785 = arith.constant 1648 : index
    %swap3A_786 = tpu.vector_load %arg7[%swap3A_785] {strides = array<i32>} : memref<3328xi32, #tpu.memory_space<vmem>>, vector<16xi32>,
    tpu.vector_store %arg7[%swap3A_785], %add3A_784 {strides = array<i32>} : memref<3328xi32, #tpu.memory_space<vmem>>, vector<16xi32>,
    %get3A_787 = arith.constant 13 : i32
    %get3A_788 = arith.index_cast %get3A_787 : i32 to index
    %get3A_789 = arith.constant 0 : index
    %get3A_790 = tpu.vector_load %arg6[%get3A_788, %get3A_789] {strides = array<i32>} : memref<26x16xi32, #tpu.memory_space<vmem>>, vector<16xi32>,
    %get3A_791 = arith.constant 13 : i32
    %get3A_792 = arith.index_cast %get3A_791 : i32 to index
    %get3A_793 = arith.constant 0 : index
    %get3A_794 = tpu.vector_load %arg5[%get3A_792, %get3A_793] {strides = array<i32>} : memref<26x128xi32, #tpu.memory_space<vmem>>, vector<16xi32>,
    %add3A_795 = arith.addi %get3A_794, %get3A_790 : vector<16xi32>
    %swap3A_796 = arith.constant 1664 : index
    %swap3A_797 = tpu.vector_load %arg7[%swap3A_796] {strides = array<i32>} : memref<3328xi32, #tpu.memory_space<vmem>>, vector<16xi32>,
    tpu.vector_store %arg7[%swap3A_796], %add3A_795 {strides = array<i32>} : memref<3328xi32, #tpu.memory_space<vmem>>, vector<16xi32>,
    %get3A_798 = arith.constant 13 : i32
    %get3A_799 = arith.index_cast %get3A_798 : i32 to index
    %get3A_800 = arith.constant 16 : index
    %get3A_801 = tpu.vector_load %arg5[%get3A_799, %get3A_800] {strides = array<i32>} : memref<26x128xi32, #tpu.memory_space<vmem>>, vector<16xi32>,
    %add3A_802 = arith.addi %get3A_801, %get3A_790 : vector<16xi32>
    %swap3A_803 = arith.constant 1680 : index
    %swap3A_804 = tpu.vector_load %arg7[%swap3A_803] {strides = array<i32>} : memref<3328xi32, #tpu.memory_space<vmem>>, vector<16xi32>,
    tpu.vector_store %arg7[%swap3A_803], %add3A_802 {strides = array<i32>} : memref<3328xi32, #tpu.memory_space<vmem>>, vector<16xi32>,
    %get3A_805 = arith.constant 13 : i32
    %get3A_806 = arith.index_cast %get3A_805 : i32 to index
    %get3A_807 = arith.constant 32 : index
    %get3A_808 = tpu.vector_load %arg5[%get3A_806, %get3A_807] {strides = array<i32>} : memref<26x128xi32, #tpu.memory_space<vmem>>, vector<16xi32>,
    %add3A_809 = arith.addi %get3A_808, %get3A_790 : vector<16xi32>
    %swap3A_810 = arith.constant 1696 : index
    %swap3A_811 = tpu.vector_load %arg7[%swap3A_810] {strides = array<i32>} : memref<3328xi32, #tpu.memory_space<vmem>>, vector<16xi32>,
    tpu.vector_store %arg7[%swap3A_810], %add3A_809 {strides = array<i32>} : memref<3328xi32, #tpu.memory_space<vmem>>, vector<16xi32>,
    %get3A_812 = arith.constant 13 : i32
    %get3A_813 = arith.index_cast %get3A_812 : i32 to index
    %get3A_814 = arith.constant 48 : index
    %get3A_815 = tpu.vector_load %arg5[%get3A_813, %get3A_814] {strides = array<i32>} : memref<26x128xi32, #tpu.memory_space<vmem>>, vector<16xi32>,
    %add3A_816 = arith.addi %get3A_815, %get3A_790 : vector<16xi32>
    %swap3A_817 = arith.constant 1712 : index
    %swap3A_818 = tpu.vector_load %arg7[%swap3A_817] {strides = array<i32>} : memref<3328xi32, #tpu.memory_space<vmem>>, vector<16xi32>,
    tpu.vector_store %arg7[%swap3A_817], %add3A_816 {strides = array<i32>} : memref<3328xi32, #tpu.memory_space<vmem>>, vector<16xi32>,
    %get3A_819 = arith.constant 13 : i32
    %get3A_820 = arith.index_cast %get3A_819 : i32 to index
    %get3A_821 = arith.constant 64 : index
    %get3A_822 = tpu.vector_load %arg5[%get3A_820, %get3A_821] {strides = array<i32>} : memref<26x128xi32, #tpu.memory_space<vmem>>, vector<16xi32>,
    %add3A_823 = arith.addi %get3A_822, %get3A_790 : vector<16xi32>
    %swap3A_824 = arith.constant 1728 : index
    %swap3A_825 = tpu.vector_load %arg7[%swap3A_824] {strides = array<i32>} : memref<3328xi32, #tpu.memory_space<vmem>>, vector<16xi32>,
    tpu.vector_store %arg7[%swap3A_824], %add3A_823 {strides = array<i32>} : memref<3328xi32, #tpu.memory_space<vmem>>, vector<16xi32>,
    %get3A_826 = arith.constant 13 : i32
    %get3A_827 = arith.index_cast %get3A_826 : i32 to index
    %get3A_828 = arith.constant 80 : index
    %get3A_829 = tpu.vector_load %arg5[%get3A_827, %get3A_828] {strides = array<i32>} : memref<26x128xi32, #tpu.memory_space<vmem>>, vector<16xi32>,
    %add3A_830 = arith.addi %get3A_829, %get3A_790 : vector<16xi32>
    %swap3A_831 = arith.constant 1744 : index
    %swap3A_832 = tpu.vector_load %arg7[%swap3A_831] {strides = array<i32>} : memref<3328xi32, #tpu.memory_space<vmem>>, vector<16xi32>,
    tpu.vector_store %arg7[%swap3A_831], %add3A_830 {strides = array<i32>} : memref<3328xi32, #tpu.memory_space<vmem>>, vector<16xi32>,
    %get3A_833 = arith.constant 13 : i32
    %get3A_834 = arith.index_cast %get3A_833 : i32 to index
    %get3A_835 = arith.constant 96 : index
    %get3A_836 = tpu.vector_load %arg5[%get3A_834, %get3A_835] {strides = array<i32>} : memref<26x128xi32, #tpu.memory_space<vmem>>, vector<16xi32>,
    %add3A_837 = arith.addi %get3A_836, %get3A_790 : vector<16xi32>
    %swap3A_838 = arith.constant 1760 : index
    %swap3A_839 = tpu.vector_load %arg7[%swap3A_838] {strides = array<i32>} : memref<3328xi32, #tpu.memory_space<vmem>>, vector<16xi32>,
    tpu.vector_store %arg7[%swap3A_838], %add3A_837 {strides = array<i32>} : memref<3328xi32, #tpu.memory_space<vmem>>, vector<16xi32>,
    %get3A_840 = arith.constant 13 : i32
    %get3A_841 = arith.index_cast %get3A_840 : i32 to index
    %get3A_842 = arith.constant 112 : index
    %get3A_843 = tpu.vector_load %arg5[%get3A_841, %get3A_842] {strides = array<i32>} : memref<26x128xi32, #tpu.memory_space<vmem>>, vector<16xi32>,
    %add3A_844 = arith.addi %get3A_843, %get3A_790 : vector<16xi32>
    %swap3A_845 = arith.constant 1776 : index
    %swap3A_846 = tpu.vector_load %arg7[%swap3A_845] {strides = array<i32>} : memref<3328xi32, #tpu.memory_space<vmem>>, vector<16xi32>,
    tpu.vector_store %arg7[%swap3A_845], %add3A_844 {strides = array<i32>} : memref<3328xi32, #tpu.memory_space<vmem>>, vector<16xi32>,
    %get3A_847 = arith.constant 14 : i32
    %get3A_848 = arith.index_cast %get3A_847 : i32 to index
    %get3A_849 = arith.constant 0 : index
    %get3A_850 = tpu.vector_load %arg6[%get3A_848, %get3A_849] {strides = array<i32>} : memref<26x16xi32, #tpu.memory_space<vmem>>, vector<16xi32>,
    %get3A_851 = arith.constant 14 : i32
    %get3A_852 = arith.index_cast %get3A_851 : i32 to index
    %get3A_853 = arith.constant 0 : index
    %get3A_854 = tpu.vector_load %arg5[%get3A_852, %get3A_853] {strides = array<i32>} : memref<26x128xi32, #tpu.memory_space<vmem>>, vector<16xi32>,
    %add3A_855 = arith.addi %get3A_854, %get3A_850 : vector<16xi32>
    %swap3A_856 = arith.constant 1792 : index
    %swap3A_857 = tpu.vector_load %arg7[%swap3A_856] {strides = array<i32>} : memref<3328xi32, #tpu.memory_space<vmem>>, vector<16xi32>,
    tpu.vector_store %arg7[%swap3A_856], %add3A_855 {strides = array<i32>} : memref<3328xi32, #tpu.memory_space<vmem>>, vector<16xi32>,
    %get3A_858 = arith.constant 14 : i32
    %get3A_859 = arith.index_cast %get3A_858 : i32 to index
    %get3A_860 = arith.constant 16 : index
    %get3A_861 = tpu.vector_load %arg5[%get3A_859, %get3A_860] {strides = array<i32>} : memref<26x128xi32, #tpu.memory_space<vmem>>, vector<16xi32>,
    %add3A_862 = arith.addi %get3A_861, %get3A_850 : vector<16xi32>
    %swap3A_863 = arith.constant 1808 : index
    %swap3A_864 = tpu.vector_load %arg7[%swap3A_863] {strides = array<i32>} : memref<3328xi32, #tpu.memory_space<vmem>>, vector<16xi32>,
    tpu.vector_store %arg7[%swap3A_863], %add3A_862 {strides = array<i32>} : memref<3328xi32, #tpu.memory_space<vmem>>, vector<16xi32>,
    %get3A_865 = arith.constant 14 : i32
    %get3A_866 = arith.index_cast %get3A_865 : i32 to index
    %get3A_867 = arith.constant 32 : index
    %get3A_868 = tpu.vector_load %arg5[%get3A_866, %get3A_867] {strides = array<i32>} : memref<26x128xi32, #tpu.memory_space<vmem>>, vector<16xi32>,
    %add3A_869 = arith.addi %get3A_868, %get3A_850 : vector<16xi32>
    %swap3A_870 = arith.constant 1824 : index
    %swap3A_871 = tpu.vector_load %arg7[%swap3A_870] {strides = array<i32>} : memref<3328xi32, #tpu.memory_space<vmem>>, vector<16xi32>,
    tpu.vector_store %arg7[%swap3A_870], %add3A_869 {strides = array<i32>} : memref<3328xi32, #tpu.memory_space<vmem>>, vector<16xi32>,
    %get3A_872 = arith.constant 14 : i32
    %get3A_873 = arith.index_cast %get3A_872 : i32 to index
    %get3A_874 = arith.constant 48 : index
    %get3A_875 = tpu.vector_load %arg5[%get3A_873, %get3A_874] {strides = array<i32>} : memref<26x128xi32, #tpu.memory_space<vmem>>, vector<16xi32>,
    %add3A_876 = arith.addi %get3A_875, %get3A_850 : vector<16xi32>
    %swap3A_877 = arith.constant 1840 : index
    %swap3A_878 = tpu.vector_load %arg7[%swap3A_877] {strides = array<i32>} : memref<3328xi32, #tpu.memory_space<vmem>>, vector<16xi32>,
    tpu.vector_store %arg7[%swap3A_877], %add3A_876 {strides = array<i32>} : memref<3328xi32, #tpu.memory_space<vmem>>, vector<16xi32>,
    %get3A_879 = arith.constant 14 : i32
    %get3A_880 = arith.index_cast %get3A_879 : i32 to index
    %get3A_881 = arith.constant 64 : index
    %get3A_882 = tpu.vector_load %arg5[%get3A_880, %get3A_881] {strides = array<i32>} : memref<26x128xi32, #tpu.memory_space<vmem>>, vector<16xi32>,
    %add3A_883 = arith.addi %get3A_882, %get3A_850 : vector<16xi32>
    %swap3A_884 = arith.constant 1856 : index
    %swap3A_885 = tpu.vector_load %arg7[%swap3A_884] {strides = array<i32>} : memref<3328xi32, #tpu.memory_space<vmem>>, vector<16xi32>,
    tpu.vector_store %arg7[%swap3A_884], %add3A_883 {strides = array<i32>} : memref<3328xi32, #tpu.memory_space<vmem>>, vector<16xi32>,
    %get3A_886 = arith.constant 14 : i32
    %get3A_887 = arith.index_cast %get3A_886 : i32 to index
    %get3A_888 = arith.constant 80 : index
    %get3A_889 = tpu.vector_load %arg5[%get3A_887, %get3A_888] {strides = array<i32>} : memref<26x128xi32, #tpu.memory_space<vmem>>, vector<16xi32>,
    %add3A_890 = arith.addi %get3A_889, %get3A_850 : vector<16xi32>
    %swap3A_891 = arith.constant 1872 : index
    %swap3A_892 = tpu.vector_load %arg7[%swap3A_891] {strides = array<i32>} : memref<3328xi32, #tpu.memory_space<vmem>>, vector<16xi32>,
    tpu.vector_store %arg7[%swap3A_891], %add3A_890 {strides = array<i32>} : memref<3328xi32, #tpu.memory_space<vmem>>, vector<16xi32>,
    %get3A_893 = arith.constant 14 : i32
    %get3A_894 = arith.index_cast %get3A_893 : i32 to index
    %get3A_895 = arith.constant 96 : index
    %get3A_896 = tpu.vector_load %arg5[%get3A_894, %get3A_895] {strides = array<i32>} : memref<26x128xi32, #tpu.memory_space<vmem>>, vector<16xi32>,
    %add3A_897 = arith.addi %get3A_896, %get3A_850 : vector<16xi32>
    %swap3A_898 = arith.constant 1888 : index
    %swap3A_899 = tpu.vector_load %arg7[%swap3A_898] {strides = array<i32>} : memref<3328xi32, #tpu.memory_space<vmem>>, vector<16xi32>,
    tpu.vector_store %arg7[%swap3A_898], %add3A_897 {strides = array<i32>} : memref<3328xi32, #tpu.memory_space<vmem>>, vector<16xi32>,
    %get3A_900 = arith.constant 14 : i32
    %get3A_901 = arith.index_cast %get3A_900 : i32 to index
    %get3A_902 = arith.constant 112 : index
    %get3A_903 = tpu.vector_load %arg5[%get3A_901, %get3A_902] {strides = array<i32>} : memref<26x128xi32, #tpu.memory_space<vmem>>, vector<16xi32>,
    %add3A_904 = arith.addi %get3A_903, %get3A_850 : vector<16xi32>
    %swap3A_905 = arith.constant 1904 : index
    %swap3A_906 = tpu.vector_load %arg7[%swap3A_905] {strides = array<i32>} : memref<3328xi32, #tpu.memory_space<vmem>>, vector<16xi32>,
    tpu.vector_store %arg7[%swap3A_905], %add3A_904 {strides = array<i32>} : memref<3328xi32, #tpu.memory_space<vmem>>, vector<16xi32>,
    %get3A_907 = arith.constant 15 : i32
    %get3A_908 = arith.index_cast %get3A_907 : i32 to index
    %get3A_909 = arith.constant 0 : index
    %get3A_910 = tpu.vector_load %arg6[%get3A_908, %get3A_909] {strides = array<i32>} : memref<26x16xi32, #tpu.memory_space<vmem>>, vector<16xi32>,
    %get3A_911 = arith.constant 15 : i32
    %get3A_912 = arith.index_cast %get3A_911 : i32 to index
    %get3A_913 = arith.constant 0 : index
    %get3A_914 = tpu.vector_load %arg5[%get3A_912, %get3A_913] {strides = array<i32>} : memref<26x128xi32, #tpu.memory_space<vmem>>, vector<16xi32>,
    %add3A_915 = arith.addi %get3A_914, %get3A_910 : vector<16xi32>
    %swap3A_916 = arith.constant 1920 : index
    %swap3A_917 = tpu.vector_load %arg7[%swap3A_916] {strides = array<i32>} : memref<3328xi32, #tpu.memory_space<vmem>>, vector<16xi32>,
    tpu.vector_store %arg7[%swap3A_916], %add3A_915 {strides = array<i32>} : memref<3328xi32, #tpu.memory_space<vmem>>, vector<16xi32>,
    %get3A_918 = arith.constant 15 : i32
    %get3A_919 = arith.index_cast %get3A_918 : i32 to index
    %get3A_920 = arith.constant 16 : index
    %get3A_921 = tpu.vector_load %arg5[%get3A_919, %get3A_920] {strides = array<i32>} : memref<26x128xi32, #tpu.memory_space<vmem>>, vector<16xi32>,
    %add3A_922 = arith.addi %get3A_921, %get3A_910 : vector<16xi32>
    %swap3A_923 = arith.constant 1936 : index
    %swap3A_924 = tpu.vector_load %arg7[%swap3A_923] {strides = array<i32>} : memref<3328xi32, #tpu.memory_space<vmem>>, vector<16xi32>,
    tpu.vector_store %arg7[%swap3A_923], %add3A_922 {strides = array<i32>} : memref<3328xi32, #tpu.memory_space<vmem>>, vector<16xi32>,
    %get3A_925 = arith.constant 15 : i32
    %get3A_926 = arith.index_cast %get3A_925 : i32 to index
    %get3A_927 = arith.constant 32 : index
    %get3A_928 = tpu.vector_load %arg5[%get3A_926, %get3A_927] {strides = array<i32>} : memref<26x128xi32, #tpu.memory_space<vmem>>, vector<16xi32>,
    %add3A_929 = arith.addi %get3A_928, %get3A_910 : vector<16xi32>
    %swap3A_930 = arith.constant 1952 : index
    %swap3A_931 = tpu.vector_load %arg7[%swap3A_930] {strides = array<i32>} : memref<3328xi32, #tpu.memory_space<vmem>>, vector<16xi32>,
    tpu.vector_store %arg7[%swap3A_930], %add3A_929 {strides = array<i32>} : memref<3328xi32, #tpu.memory_space<vmem>>, vector<16xi32>,
    %get3A_932 = arith.constant 15 : i32
    %get3A_933 = arith.index_cast %get3A_932 : i32 to index
    %get3A_934 = arith.constant 48 : index
    %get3A_935 = tpu.vector_load %arg5[%get3A_933, %get3A_934] {strides = array<i32>} : memref<26x128xi32, #tpu.memory_space<vmem>>, vector<16xi32>,
    %add3A_936 = arith.addi %get3A_935, %get3A_910 : vector<16xi32>
    %swap3A_937 = arith.constant 1968 : index
    %swap3A_938 = tpu.vector_load %arg7[%swap3A_937] {strides = array<i32>} : memref<3328xi32, #tpu.memory_space<vmem>>, vector<16xi32>,
    tpu.vector_store %arg7[%swap3A_937], %add3A_936 {strides = array<i32>} : memref<3328xi32, #tpu.memory_space<vmem>>, vector<16xi32>,
    %get3A_939 = arith.constant 15 : i32
    %get3A_940 = arith.index_cast %get3A_939 : i32 to index
    %get3A_941 = arith.constant 64 : index
    %get3A_942 = tpu.vector_load %arg5[%get3A_940, %get3A_941] {strides = array<i32>} : memref<26x128xi32, #tpu.memory_space<vmem>>, vector<16xi32>,
    %add3A_943 = arith.addi %get3A_942, %get3A_910 : vector<16xi32>
    %swap3A_944 = arith.constant 1984 : index
    %swap3A_945 = tpu.vector_load %arg7[%swap3A_944] {strides = array<i32>} : memref<3328xi32, #tpu.memory_space<vmem>>, vector<16xi32>,
    tpu.vector_store %arg7[%swap3A_944], %add3A_943 {strides = array<i32>} : memref<3328xi32, #tpu.memory_space<vmem>>, vector<16xi32>,
    %get3A_946 = arith.constant 15 : i32
    %get3A_947 = arith.index_cast %get3A_946 : i32 to index
    %get3A_948 = arith.constant 80 : index
    %get3A_949 = tpu.vector_load %arg5[%get3A_947, %get3A_948] {strides = array<i32>} : memref<26x128xi32, #tpu.memory_space<vmem>>, vector<16xi32>,
    %add3A_950 = arith.addi %get3A_949, %get3A_910 : vector<16xi32>
    %swap3A_951 = arith.constant 2000 : index
    %swap3A_952 = tpu.vector_load %arg7[%swap3A_951] {strides = array<i32>} : memref<3328xi32, #tpu.memory_space<vmem>>, vector<16xi32>,
    tpu.vector_store %arg7[%swap3A_951], %add3A_950 {strides = array<i32>} : memref<3328xi32, #tpu.memory_space<vmem>>, vector<16xi32>,
    %get3A_953 = arith.constant 15 : i32
    %get3A_954 = arith.index_cast %get3A_953 : i32 to index
    %get3A_955 = arith.constant 96 : index
    %get3A_956 = tpu.vector_load %arg5[%get3A_954, %get3A_955] {strides = array<i32>} : memref<26x128xi32, #tpu.memory_space<vmem>>, vector<16xi32>,
    %add3A_957 = arith.addi %get3A_956, %get3A_910 : vector<16xi32>
    %swap3A_958 = arith.constant 2016 : index
    %swap3A_959 = tpu.vector_load %arg7[%swap3A_958] {strides = array<i32>} : memref<3328xi32, #tpu.memory_space<vmem>>, vector<16xi32>,
    tpu.vector_store %arg7[%swap3A_958], %add3A_957 {strides = array<i32>} : memref<3328xi32, #tpu.memory_space<vmem>>, vector<16xi32>,
    %get3A_960 = arith.constant 15 : i32
    %get3A_961 = arith.index_cast %get3A_960 : i32 to index
    %get3A_962 = arith.constant 112 : index
    %get3A_963 = tpu.vector_load %arg5[%get3A_961, %get3A_962] {strides = array<i32>} : memref<26x128xi32, #tpu.memory_space<vmem>>, vector<16xi32>,
    %add3A_964 = arith.addi %get3A_963, %get3A_910 : vector<16xi32>
    %swap3A_965 = arith.constant 2032 : index
    %swap3A_966 = tpu.vector_load %arg7[%swap3A_965] {strides = array<i32>} : memref<3328xi32, #tpu.memory_space<vmem>>, vector<16xi32>,
    tpu.vector_store %arg7[%swap3A_965], %add3A_964 {strides = array<i32>} : memref<3328xi32, #tpu.memory_space<vmem>>, vector<16xi32>,
    %get3A_967 = arith.constant 16 : i32
    %get3A_968 = arith.index_cast %get3A_967 : i32 to index
    %get3A_969 = arith.constant 0 : index
    %get3A_970 = tpu.vector_load %arg6[%get3A_968, %get3A_969] {strides = array<i32>} : memref<26x16xi32, #tpu.memory_space<vmem>>, vector<16xi32>,
    %get3A_971 = arith.constant 16 : i32
    %get3A_972 = arith.index_cast %get3A_971 : i32 to index
    %get3A_973 = arith.constant 0 : index
    %get3A_974 = tpu.vector_load %arg5[%get3A_972, %get3A_973] {strides = array<i32>} : memref<26x128xi32, #tpu.memory_space<vmem>>, vector<16xi32>,
    %add3A_975 = arith.addi %get3A_974, %get3A_970 : vector<16xi32>
    %swap3A_976 = arith.constant 2048 : index
    %swap3A_977 = tpu.vector_load %arg7[%swap3A_976] {strides = array<i32>} : memref<3328xi32, #tpu.memory_space<vmem>>, vector<16xi32>,
    tpu.vector_store %arg7[%swap3A_976], %add3A_975 {strides = array<i32>} : memref<3328xi32, #tpu.memory_space<vmem>>, vector<16xi32>,
    %get3A_978 = arith.constant 16 : i32
    %get3A_979 = arith.index_cast %get3A_978 : i32 to index
    %get3A_980 = arith.constant 16 : index
    %get3A_981 = tpu.vector_load %arg5[%get3A_979, %get3A_980] {strides = array<i32>} : memref<26x128xi32, #tpu.memory_space<vmem>>, vector<16xi32>,
    %add3A_982 = arith.addi %get3A_981, %get3A_970 : vector<16xi32>
    %swap3A_983 = arith.constant 2064 : index
    %swap3A_984 = tpu.vector_load %arg7[%swap3A_983] {strides = array<i32>} : memref<3328xi32, #tpu.memory_space<vmem>>, vector<16xi32>,
    tpu.vector_store %arg7[%swap3A_983], %add3A_982 {strides = array<i32>} : memref<3328xi32, #tpu.memory_space<vmem>>, vector<16xi32>,
    %get3A_985 = arith.constant 16 : i32
    %get3A_986 = arith.index_cast %get3A_985 : i32 to index
    %get3A_987 = arith.constant 32 : index
    %get3A_988 = tpu.vector_load %arg5[%get3A_986, %get3A_987] {strides = array<i32>} : memref<26x128xi32, #tpu.memory_space<vmem>>, vector<16xi32>,
    %add3A_989 = arith.addi %get3A_988, %get3A_970 : vector<16xi32>
    %swap3A_990 = arith.constant 2080 : index
    %swap3A_991 = tpu.vector_load %arg7[%swap3A_990] {strides = array<i32>} : memref<3328xi32, #tpu.memory_space<vmem>>, vector<16xi32>,
    tpu.vector_store %arg7[%swap3A_990], %add3A_989 {strides = array<i32>} : memref<3328xi32, #tpu.memory_space<vmem>>, vector<16xi32>,
    %get3A_992 = arith.constant 16 : i32
    %get3A_993 = arith.index_cast %get3A_992 : i32 to index
    %get3A_994 = arith.constant 48 : index
    %get3A_995 = tpu.vector_load %arg5[%get3A_993, %get3A_994] {strides = array<i32>} : memref<26x128xi32, #tpu.memory_space<vmem>>, vector<16xi32>,
    %add3A_996 = arith.addi %get3A_995, %get3A_970 : vector<16xi32>
    %swap3A_997 = arith.constant 2096 : index
    %swap3A_998 = tpu.vector_load %arg7[%swap3A_997] {strides = array<i32>} : memref<3328xi32, #tpu.memory_space<vmem>>, vector<16xi32>,
    tpu.vector_store %arg7[%swap3A_997], %add3A_996 {strides = array<i32>} : memref<3328xi32, #tpu.memory_space<vmem>>, vector<16xi32>,
    %get3A_999 = arith.constant 16 : i32
    %get3A_1000 = arith.index_cast %get3A_999 : i32 to index
    %get3A_1001 = arith.constant 64 : index
    %get3A_1002 = tpu.vector_load %arg5[%get3A_1000, %get3A_1001] {strides = array<i32>} : memref<26x128xi32, #tpu.memory_space<vmem>>, vector<16xi32>,
    %add3A_1003 = arith.addi %get3A_1002, %get3A_970 : vector<16xi32>
    %swap3A_1004 = arith.constant 2112 : index
    %swap3A_1005 = tpu.vector_load %arg7[%swap3A_1004] {strides = array<i32>} : memref<3328xi32, #tpu.memory_space<vmem>>, vector<16xi32>,
    tpu.vector_store %arg7[%swap3A_1004], %add3A_1003 {strides = array<i32>} : memref<3328xi32, #tpu.memory_space<vmem>>, vector<16xi32>,
    %get3A_1006 = arith.constant 16 : i32
    %get3A_1007 = arith.index_cast %get3A_1006 : i32 to index
    %get3A_1008 = arith.constant 80 : index
    %get3A_1009 = tpu.vector_load %arg5[%get3A_1007, %get3A_1008] {strides = array<i32>} : memref<26x128xi32, #tpu.memory_space<vmem>>, vector<16xi32>,
    %add3A_1010 = arith.addi %get3A_1009, %get3A_970 : vector<16xi32>
    %swap3A_1011 = arith.constant 2128 : index
    %swap3A_1012 = tpu.vector_load %arg7[%swap3A_1011] {strides = array<i32>} : memref<3328xi32, #tpu.memory_space<vmem>>, vector<16xi32>,
    tpu.vector_store %arg7[%swap3A_1011], %add3A_1010 {strides = array<i32>} : memref<3328xi32, #tpu.memory_space<vmem>>, vector<16xi32>,
    %get3A_1013 = arith.constant 16 : i32
    %get3A_1014 = arith.index_cast %get3A_1013 : i32 to index
    %get3A_1015 = arith.constant 96 : index
    %get3A_1016 = tpu.vector_load %arg5[%get3A_1014, %get3A_1015] {strides = array<i32>} : memref<26x128xi32, #tpu.memory_space<vmem>>, vector<16xi32>,
    %add3A_1017 = arith.addi %get3A_1016, %get3A_970 : vector<16xi32>
    %swap3A_1018 = arith.constant 2144 : index
    %swap3A_1019 = tpu.vector_load %arg7[%swap3A_1018] {strides = array<i32>} : memref<3328xi32, #tpu.memory_space<vmem>>, vector<16xi32>,
    tpu.vector_store %arg7[%swap3A_1018], %add3A_1017 {strides = array<i32>} : memref<3328xi32, #tpu.memory_space<vmem>>, vector<16xi32>,
    %get3A_1020 = arith.constant 16 : i32
    %get3A_1021 = arith.index_cast %get3A_1020 : i32 to index
    %get3A_1022 = arith.constant 112 : index
    %get3A_1023 = tpu.vector_load %arg5[%get3A_1021, %get3A_1022] {strides = array<i32>} : memref<26x128xi32, #tpu.memory_space<vmem>>, vector<16xi32>,
    %add3A_1024 = arith.addi %get3A_1023, %get3A_970 : vector<16xi32>
    %swap3A_1025 = arith.constant 2160 : index
    %swap3A_1026 = tpu.vector_load %arg7[%swap3A_1025] {strides = array<i32>} : memref<3328xi32, #tpu.memory_space<vmem>>, vector<16xi32>,
    tpu.vector_store %arg7[%swap3A_1025], %add3A_1024 {strides = array<i32>} : memref<3328xi32, #tpu.memory_space<vmem>>, vector<16xi32>,
    %get3A_1027 = arith.constant 17 : i32
    %get3A_1028 = arith.index_cast %get3A_1027 : i32 to index
    %get3A_1029 = arith.constant 0 : index
    %get3A_1030 = tpu.vector_load %arg6[%get3A_1028, %get3A_1029] {strides = array<i32>} : memref<26x16xi32, #tpu.memory_space<vmem>>, vector<16xi32>,
    %get3A_1031 = arith.constant 17 : i32
    %get3A_1032 = arith.index_cast %get3A_1031 : i32 to index
    %get3A_1033 = arith.constant 0 : index
    %get3A_1034 = tpu.vector_load %arg5[%get3A_1032, %get3A_1033] {strides = array<i32>} : memref<26x128xi32, #tpu.memory_space<vmem>>, vector<16xi32>,
    %add3A_1035 = arith.addi %get3A_1034, %get3A_1030 : vector<16xi32>
    %swap3A_1036 = arith.constant 2176 : index
    %swap3A_1037 = tpu.vector_load %arg7[%swap3A_1036] {strides = array<i32>} : memref<3328xi32, #tpu.memory_space<vmem>>, vector<16xi32>,
    tpu.vector_store %arg7[%swap3A_1036], %add3A_1035 {strides = array<i32>} : memref<3328xi32, #tpu.memory_space<vmem>>, vector<16xi32>,
    %get3A_1038 = arith.constant 17 : i32
    %get3A_1039 = arith.index_cast %get3A_1038 : i32 to index
    %get3A_1040 = arith.constant 16 : index
    %get3A_1041 = tpu.vector_load %arg5[%get3A_1039, %get3A_1040] {strides = array<i32>} : memref<26x128xi32, #tpu.memory_space<vmem>>, vector<16xi32>,
    %add3A_1042 = arith.addi %get3A_1041, %get3A_1030 : vector<16xi32>
    %swap3A_1043 = arith.constant 2192 : index
    %swap3A_1044 = tpu.vector_load %arg7[%swap3A_1043] {strides = array<i32>} : memref<3328xi32, #tpu.memory_space<vmem>>, vector<16xi32>,
    tpu.vector_store %arg7[%swap3A_1043], %add3A_1042 {strides = array<i32>} : memref<3328xi32, #tpu.memory_space<vmem>>, vector<16xi32>,
    %get3A_1045 = arith.constant 17 : i32
    %get3A_1046 = arith.index_cast %get3A_1045 : i32 to index
    %get3A_1047 = arith.constant 32 : index
    %get3A_1048 = tpu.vector_load %arg5[%get3A_1046, %get3A_1047] {strides = array<i32>} : memref<26x128xi32, #tpu.memory_space<vmem>>, vector<16xi32>,
    %add3A_1049 = arith.addi %get3A_1048, %get3A_1030 : vector<16xi32>
    %swap3A_1050 = arith.constant 2208 : index
    %swap3A_1051 = tpu.vector_load %arg7[%swap3A_1050] {strides = array<i32>} : memref<3328xi32, #tpu.memory_space<vmem>>, vector<16xi32>,
    tpu.vector_store %arg7[%swap3A_1050], %add3A_1049 {strides = array<i32>} : memref<3328xi32, #tpu.memory_space<vmem>>, vector<16xi32>,
    %get3A_1052 = arith.constant 17 : i32
    %get3A_1053 = arith.index_cast %get3A_1052 : i32 to index
    %get3A_1054 = arith.constant 48 : index
    %get3A_1055 = tpu.vector_load %arg5[%get3A_1053, %get3A_1054] {strides = array<i32>} : memref<26x128xi32, #tpu.memory_space<vmem>>, vector<16xi32>,
    %add3A_1056 = arith.addi %get3A_1055, %get3A_1030 : vector<16xi32>
    %swap3A_1057 = arith.constant 2224 : index
    %swap3A_1058 = tpu.vector_load %arg7[%swap3A_1057] {strides = array<i32>} : memref<3328xi32, #tpu.memory_space<vmem>>, vector<16xi32>,
    tpu.vector_store %arg7[%swap3A_1057], %add3A_1056 {strides = array<i32>} : memref<3328xi32, #tpu.memory_space<vmem>>, vector<16xi32>,
    %get3A_1059 = arith.constant 17 : i32
    %get3A_1060 = arith.index_cast %get3A_1059 : i32 to index
    %get3A_1061 = arith.constant 64 : index
    %get3A_1062 = tpu.vector_load %arg5[%get3A_1060, %get3A_1061] {strides = array<i32>} : memref<26x128xi32, #tpu.memory_space<vmem>>, vector<16xi32>,
    %add3A_1063 = arith.addi %get3A_1062, %get3A_1030 : vector<16xi32>
    %swap3A_1064 = arith.constant 2240 : index
    %swap3A_1065 = tpu.vector_load %arg7[%swap3A_1064] {strides = array<i32>} : memref<3328xi32, #tpu.memory_space<vmem>>, vector<16xi32>,
    tpu.vector_store %arg7[%swap3A_1064], %add3A_1063 {strides = array<i32>} : memref<3328xi32, #tpu.memory_space<vmem>>, vector<16xi32>,
    %get3A_1066 = arith.constant 17 : i32
    %get3A_1067 = arith.index_cast %get3A_1066 : i32 to index
    %get3A_1068 = arith.constant 80 : index
    %get3A_1069 = tpu.vector_load %arg5[%get3A_1067, %get3A_1068] {strides = array<i32>} : memref<26x128xi32, #tpu.memory_space<vmem>>, vector<16xi32>,
    %add3A_1070 = arith.addi %get3A_1069, %get3A_1030 : vector<16xi32>
    %swap3A_1071 = arith.constant 2256 : index
    %swap3A_1072 = tpu.vector_load %arg7[%swap3A_1071] {strides = array<i32>} : memref<3328xi32, #tpu.memory_space<vmem>>, vector<16xi32>,
    tpu.vector_store %arg7[%swap3A_1071], %add3A_1070 {strides = array<i32>} : memref<3328xi32, #tpu.memory_space<vmem>>, vector<16xi32>,
    %get3A_1073 = arith.constant 17 : i32
    %get3A_1074 = arith.index_cast %get3A_1073 : i32 to index
    %get3A_1075 = arith.constant 96 : index
    %get3A_1076 = tpu.vector_load %arg5[%get3A_1074, %get3A_1075] {strides = array<i32>} : memref<26x128xi32, #tpu.memory_space<vmem>>, vector<16xi32>,
    %add3A_1077 = arith.addi %get3A_1076, %get3A_1030 : vector<16xi32>
    %swap3A_1078 = arith.constant 2272 : index
    %swap3A_1079 = tpu.vector_load %arg7[%swap3A_1078] {strides = array<i32>} : memref<3328xi32, #tpu.memory_space<vmem>>, vector<16xi32>,
    tpu.vector_store %arg7[%swap3A_1078], %add3A_1077 {strides = array<i32>} : memref<3328xi32, #tpu.memory_space<vmem>>, vector<16xi32>,
    %get3A_1080 = arith.constant 17 : i32
    %get3A_1081 = arith.index_cast %get3A_1080 : i32 to index
    %get3A_1082 = arith.constant 112 : index
    %get3A_1083 = tpu.vector_load %arg5[%get3A_1081, %get3A_1082] {strides = array<i32>} : memref<26x128xi32, #tpu.memory_space<vmem>>, vector<16xi32>,
    %add3A_1084 = arith.addi %get3A_1083, %get3A_1030 : vector<16xi32>
    %swap3A_1085 = arith.constant 2288 : index
    %swap3A_1086 = tpu.vector_load %arg7[%swap3A_1085] {strides = array<i32>} : memref<3328xi32, #tpu.memory_space<vmem>>, vector<16xi32>,
    tpu.vector_store %arg7[%swap3A_1085], %add3A_1084 {strides = array<i32>} : memref<3328xi32, #tpu.memory_space<vmem>>, vector<16xi32>,
    %get3A_1087 = arith.constant 18 : i32
    %get3A_1088 = arith.index_cast %get3A_1087 : i32 to index
    %get3A_1089 = arith.constant 0 : index
    %get3A_1090 = tpu.vector_load %arg6[%get3A_1088, %get3A_1089] {strides = array<i32>} : memref<26x16xi32, #tpu.memory_space<vmem>>, vector<16xi32>,
    %get3A_1091 = arith.constant 18 : i32
    %get3A_1092 = arith.index_cast %get3A_1091 : i32 to index
    %get3A_1093 = arith.constant 0 : index
    %get3A_1094 = tpu.vector_load %arg5[%get3A_1092, %get3A_1093] {strides = array<i32>} : memref<26x128xi32, #tpu.memory_space<vmem>>, vector<16xi32>,
    %add3A_1095 = arith.addi %get3A_1094, %get3A_1090 : vector<16xi32>
    %swap3A_1096 = arith.constant 2304 : index
    %swap3A_1097 = tpu.vector_load %arg7[%swap3A_1096] {strides = array<i32>} : memref<3328xi32, #tpu.memory_space<vmem>>, vector<16xi32>,
    tpu.vector_store %arg7[%swap3A_1096], %add3A_1095 {strides = array<i32>} : memref<3328xi32, #tpu.memory_space<vmem>>, vector<16xi32>,
    %get3A_1098 = arith.constant 18 : i32
    %get3A_1099 = arith.index_cast %get3A_1098 : i32 to index
    %get3A_1100 = arith.constant 16 : index
    %get3A_1101 = tpu.vector_load %arg5[%get3A_1099, %get3A_1100] {strides = array<i32>} : memref<26x128xi32, #tpu.memory_space<vmem>>, vector<16xi32>,
    %add3A_1102 = arith.addi %get3A_1101, %get3A_1090 : vector<16xi32>
    %swap3A_1103 = arith.constant 2320 : index
    %swap3A_1104 = tpu.vector_load %arg7[%swap3A_1103] {strides = array<i32>} : memref<3328xi32, #tpu.memory_space<vmem>>, vector<16xi32>,
    tpu.vector_store %arg7[%swap3A_1103], %add3A_1102 {strides = array<i32>} : memref<3328xi32, #tpu.memory_space<vmem>>, vector<16xi32>,
    %get3A_1105 = arith.constant 18 : i32
    %get3A_1106 = arith.index_cast %get3A_1105 : i32 to index
    %get3A_1107 = arith.constant 32 : index
    %get3A_1108 = tpu.vector_load %arg5[%get3A_1106, %get3A_1107] {strides = array<i32>} : memref<26x128xi32, #tpu.memory_space<vmem>>, vector<16xi32>,
    %add3A_1109 = arith.addi %get3A_1108, %get3A_1090 : vector<16xi32>
    %swap3A_1110 = arith.constant 2336 : index
    %swap3A_1111 = tpu.vector_load %arg7[%swap3A_1110] {strides = array<i32>} : memref<3328xi32, #tpu.memory_space<vmem>>, vector<16xi32>,
    tpu.vector_store %arg7[%swap3A_1110], %add3A_1109 {strides = array<i32>} : memref<3328xi32, #tpu.memory_space<vmem>>, vector<16xi32>,
    %get3A_1112 = arith.constant 18 : i32
    %get3A_1113 = arith.index_cast %get3A_1112 : i32 to index
    %get3A_1114 = arith.constant 48 : index
    %get3A_1115 = tpu.vector_load %arg5[%get3A_1113, %get3A_1114] {strides = array<i32>} : memref<26x128xi32, #tpu.memory_space<vmem>>, vector<16xi32>,
    %add3A_1116 = arith.addi %get3A_1115, %get3A_1090 : vector<16xi32>
    %swap3A_1117 = arith.constant 2352 : index
    %swap3A_1118 = tpu.vector_load %arg7[%swap3A_1117] {strides = array<i32>} : memref<3328xi32, #tpu.memory_space<vmem>>, vector<16xi32>,
    tpu.vector_store %arg7[%swap3A_1117], %add3A_1116 {strides = array<i32>} : memref<3328xi32, #tpu.memory_space<vmem>>, vector<16xi32>,
    %get3A_1119 = arith.constant 18 : i32
    %get3A_1120 = arith.index_cast %get3A_1119 : i32 to index
    %get3A_1121 = arith.constant 64 : index
    %get3A_1122 = tpu.vector_load %arg5[%get3A_1120, %get3A_1121] {strides = array<i32>} : memref<26x128xi32, #tpu.memory_space<vmem>>, vector<16xi32>,
    %add3A_1123 = arith.addi %get3A_1122, %get3A_1090 : vector<16xi32>
    %swap3A_1124 = arith.constant 2368 : index
    %swap3A_1125 = tpu.vector_load %arg7[%swap3A_1124] {strides = array<i32>} : memref<3328xi32, #tpu.memory_space<vmem>>, vector<16xi32>,
    tpu.vector_store %arg7[%swap3A_1124], %add3A_1123 {strides = array<i32>} : memref<3328xi32, #tpu.memory_space<vmem>>, vector<16xi32>,
    %get3A_1126 = arith.constant 18 : i32
    %get3A_1127 = arith.index_cast %get3A_1126 : i32 to index
    %get3A_1128 = arith.constant 80 : index
    %get3A_1129 = tpu.vector_load %arg5[%get3A_1127, %get3A_1128] {strides = array<i32>} : memref<26x128xi32, #tpu.memory_space<vmem>>, vector<16xi32>,
    %add3A_1130 = arith.addi %get3A_1129, %get3A_1090 : vector<16xi32>
    %swap3A_1131 = arith.constant 2384 : index
    %swap3A_1132 = tpu.vector_load %arg7[%swap3A_1131] {strides = array<i32>} : memref<3328xi32, #tpu.memory_space<vmem>>, vector<16xi32>,
    tpu.vector_store %arg7[%swap3A_1131], %add3A_1130 {strides = array<i32>} : memref<3328xi32, #tpu.memory_space<vmem>>, vector<16xi32>,
    %get3A_1133 = arith.constant 18 : i32
    %get3A_1134 = arith.index_cast %get3A_1133 : i32 to index
    %get3A_1135 = arith.constant 96 : index
    %get3A_1136 = tpu.vector_load %arg5[%get3A_1134, %get3A_1135] {strides = array<i32>} : memref<26x128xi32, #tpu.memory_space<vmem>>, vector<16xi32>,
    %add3A_1137 = arith.addi %get3A_1136, %get3A_1090 : vector<16xi32>
    %swap3A_1138 = arith.constant 2400 : index
    %swap3A_1139 = tpu.vector_load %arg7[%swap3A_1138] {strides = array<i32>} : memref<3328xi32, #tpu.memory_space<vmem>>, vector<16xi32>,
    tpu.vector_store %arg7[%swap3A_1138], %add3A_1137 {strides = array<i32>} : memref<3328xi32, #tpu.memory_space<vmem>>, vector<16xi32>,
    %get3A_1140 = arith.constant 18 : i32
    %get3A_1141 = arith.index_cast %get3A_1140 : i32 to index
    %get3A_1142 = arith.constant 112 : index
    %get3A_1143 = tpu.vector_load %arg5[%get3A_1141, %get3A_1142] {strides = array<i32>} : memref<26x128xi32, #tpu.memory_space<vmem>>, vector<16xi32>,
    %add3A_1144 = arith.addi %get3A_1143, %get3A_1090 : vector<16xi32>
    %swap3A_1145 = arith.constant 2416 : index
    %swap3A_1146 = tpu.vector_load %arg7[%swap3A_1145] {strides = array<i32>} : memref<3328xi32, #tpu.memory_space<vmem>>, vector<16xi32>,
    tpu.vector_store %arg7[%swap3A_1145], %add3A_1144 {strides = array<i32>} : memref<3328xi32, #tpu.memory_space<vmem>>, vector<16xi32>,
    %get3A_1147 = arith.constant 19 : i32
    %get3A_1148 = arith.index_cast %get3A_1147 : i32 to index
    %get3A_1149 = arith.constant 0 : index
    %get3A_1150 = tpu.vector_load %arg6[%get3A_1148, %get3A_1149] {strides = array<i32>} : memref<26x16xi32, #tpu.memory_space<vmem>>, vector<16xi32>,
    %get3A_1151 = arith.constant 19 : i32
    %get3A_1152 = arith.index_cast %get3A_1151 : i32 to index
    %get3A_1153 = arith.constant 0 : index
    %get3A_1154 = tpu.vector_load %arg5[%get3A_1152, %get3A_1153] {strides = array<i32>} : memref<26x128xi32, #tpu.memory_space<vmem>>, vector<16xi32>,
    %add3A_1155 = arith.addi %get3A_1154, %get3A_1150 : vector<16xi32>
    %swap3A_1156 = arith.constant 2432 : index
    %swap3A_1157 = tpu.vector_load %arg7[%swap3A_1156] {strides = array<i32>} : memref<3328xi32, #tpu.memory_space<vmem>>, vector<16xi32>,
    tpu.vector_store %arg7[%swap3A_1156], %add3A_1155 {strides = array<i32>} : memref<3328xi32, #tpu.memory_space<vmem>>, vector<16xi32>,
    %get3A_1158 = arith.constant 19 : i32
    %get3A_1159 = arith.index_cast %get3A_1158 : i32 to index
    %get3A_1160 = arith.constant 16 : index
    %get3A_1161 = tpu.vector_load %arg5[%get3A_1159, %get3A_1160] {strides = array<i32>} : memref<26x128xi32, #tpu.memory_space<vmem>>, vector<16xi32>,
    %add3A_1162 = arith.addi %get3A_1161, %get3A_1150 : vector<16xi32>
    %swap3A_1163 = arith.constant 2448 : index
    %swap3A_1164 = tpu.vector_load %arg7[%swap3A_1163] {strides = array<i32>} : memref<3328xi32, #tpu.memory_space<vmem>>, vector<16xi32>,
    tpu.vector_store %arg7[%swap3A_1163], %add3A_1162 {strides = array<i32>} : memref<3328xi32, #tpu.memory_space<vmem>>, vector<16xi32>,
    %get3A_1165 = arith.constant 19 : i32
    %get3A_1166 = arith.index_cast %get3A_1165 : i32 to index
    %get3A_1167 = arith.constant 32 : index
    %get3A_1168 = tpu.vector_load %arg5[%get3A_1166, %get3A_1167] {strides = array<i32>} : memref<26x128xi32, #tpu.memory_space<vmem>>, vector<16xi32>,
    %add3A_1169 = arith.addi %get3A_1168, %get3A_1150 : vector<16xi32>
    %swap3A_1170 = arith.constant 2464 : index
    %swap3A_1171 = tpu.vector_load %arg7[%swap3A_1170] {strides = array<i32>} : memref<3328xi32, #tpu.memory_space<vmem>>, vector<16xi32>,
    tpu.vector_store %arg7[%swap3A_1170], %add3A_1169 {strides = array<i32>} : memref<3328xi32, #tpu.memory_space<vmem>>, vector<16xi32>,
    %get3A_1172 = arith.constant 19 : i32
    %get3A_1173 = arith.index_cast %get3A_1172 : i32 to index
    %get3A_1174 = arith.constant 48 : index
    %get3A_1175 = tpu.vector_load %arg5[%get3A_1173, %get3A_1174] {strides = array<i32>} : memref<26x128xi32, #tpu.memory_space<vmem>>, vector<16xi32>,
    %add3A_1176 = arith.addi %get3A_1175, %get3A_1150 : vector<16xi32>
    %swap3A_1177 = arith.constant 2480 : index
    %swap3A_1178 = tpu.vector_load %arg7[%swap3A_1177] {strides = array<i32>} : memref<3328xi32, #tpu.memory_space<vmem>>, vector<16xi32>,
    tpu.vector_store %arg7[%swap3A_1177], %add3A_1176 {strides = array<i32>} : memref<3328xi32, #tpu.memory_space<vmem>>, vector<16xi32>,
    %get3A_1179 = arith.constant 19 : i32
    %get3A_1180 = arith.index_cast %get3A_1179 : i32 to index
    %get3A_1181 = arith.constant 64 : index
    %get3A_1182 = tpu.vector_load %arg5[%get3A_1180, %get3A_1181] {strides = array<i32>} : memref<26x128xi32, #tpu.memory_space<vmem>>, vector<16xi32>,
    %add3A_1183 = arith.addi %get3A_1182, %get3A_1150 : vector<16xi32>
    %swap3A_1184 = arith.constant 2496 : index
    %swap3A_1185 = tpu.vector_load %arg7[%swap3A_1184] {strides = array<i32>} : memref<3328xi32, #tpu.memory_space<vmem>>, vector<16xi32>,
    tpu.vector_store %arg7[%swap3A_1184], %add3A_1183 {strides = array<i32>} : memref<3328xi32, #tpu.memory_space<vmem>>, vector<16xi32>,
    %get3A_1186 = arith.constant 19 : i32
    %get3A_1187 = arith.index_cast %get3A_1186 : i32 to index
    %get3A_1188 = arith.constant 80 : index
    %get3A_1189 = tpu.vector_load %arg5[%get3A_1187, %get3A_1188] {strides = array<i32>} : memref<26x128xi32, #tpu.memory_space<vmem>>, vector<16xi32>,
    %add3A_1190 = arith.addi %get3A_1189, %get3A_1150 : vector<16xi32>
    %swap3A_1191 = arith.constant 2512 : index
    %swap3A_1192 = tpu.vector_load %arg7[%swap3A_1191] {strides = array<i32>} : memref<3328xi32, #tpu.memory_space<vmem>>, vector<16xi32>,
    tpu.vector_store %arg7[%swap3A_1191], %add3A_1190 {strides = array<i32>} : memref<3328xi32, #tpu.memory_space<vmem>>, vector<16xi32>,
    %get3A_1193 = arith.constant 19 : i32
    %get3A_1194 = arith.index_cast %get3A_1193 : i32 to index
    %get3A_1195 = arith.constant 96 : index
    %get3A_1196 = tpu.vector_load %arg5[%get3A_1194, %get3A_1195] {strides = array<i32>} : memref<26x128xi32, #tpu.memory_space<vmem>>, vector<16xi32>,
    %add3A_1197 = arith.addi %get3A_1196, %get3A_1150 : vector<16xi32>
    %swap3A_1198 = arith.constant 2528 : index
    %swap3A_1199 = tpu.vector_load %arg7[%swap3A_1198] {strides = array<i32>} : memref<3328xi32, #tpu.memory_space<vmem>>, vector<16xi32>,
    tpu.vector_store %arg7[%swap3A_1198], %add3A_1197 {strides = array<i32>} : memref<3328xi32, #tpu.memory_space<vmem>>, vector<16xi32>,
    %get3A_1200 = arith.constant 19 : i32
    %get3A_1201 = arith.index_cast %get3A_1200 : i32 to index
    %get3A_1202 = arith.constant 112 : index
    %get3A_1203 = tpu.vector_load %arg5[%get3A_1201, %get3A_1202] {strides = array<i32>} : memref<26x128xi32, #tpu.memory_space<vmem>>, vector<16xi32>,
    %add3A_1204 = arith.addi %get3A_1203, %get3A_1150 : vector<16xi32>
    %swap3A_1205 = arith.constant 2544 : index
    %swap3A_1206 = tpu.vector_load %arg7[%swap3A_1205] {strides = array<i32>} : memref<3328xi32, #tpu.memory_space<vmem>>, vector<16xi32>,
    tpu.vector_store %arg7[%swap3A_1205], %add3A_1204 {strides = array<i32>} : memref<3328xi32, #tpu.memory_space<vmem>>, vector<16xi32>,
    %get3A_1207 = arith.constant 20 : i32
    %get3A_1208 = arith.index_cast %get3A_1207 : i32 to index
    %get3A_1209 = arith.constant 0 : index
    %get3A_1210 = tpu.vector_load %arg6[%get3A_1208, %get3A_1209] {strides = array<i32>} : memref<26x16xi32, #tpu.memory_space<vmem>>, vector<16xi32>,
    %get3A_1211 = arith.constant 20 : i32
    %get3A_1212 = arith.index_cast %get3A_1211 : i32 to index
    %get3A_1213 = arith.constant 0 : index
    %get3A_1214 = tpu.vector_load %arg5[%get3A_1212, %get3A_1213] {strides = array<i32>} : memref<26x128xi32, #tpu.memory_space<vmem>>, vector<16xi32>,
    %add3A_1215 = arith.addi %get3A_1214, %get3A_1210 : vector<16xi32>
    %swap3A_1216 = arith.constant 2560 : index
    %swap3A_1217 = tpu.vector_load %arg7[%swap3A_1216] {strides = array<i32>} : memref<3328xi32, #tpu.memory_space<vmem>>, vector<16xi32>,
    tpu.vector_store %arg7[%swap3A_1216], %add3A_1215 {strides = array<i32>} : memref<3328xi32, #tpu.memory_space<vmem>>, vector<16xi32>,
    %get3A_1218 = arith.constant 20 : i32
    %get3A_1219 = arith.index_cast %get3A_1218 : i32 to index
    %get3A_1220 = arith.constant 16 : index
    %get3A_1221 = tpu.vector_load %arg5[%get3A_1219, %get3A_1220] {strides = array<i32>} : memref<26x128xi32, #tpu.memory_space<vmem>>, vector<16xi32>,
    %add3A_1222 = arith.addi %get3A_1221, %get3A_1210 : vector<16xi32>
    %swap3A_1223 = arith.constant 2576 : index
    %swap3A_1224 = tpu.vector_load %arg7[%swap3A_1223] {strides = array<i32>} : memref<3328xi32, #tpu.memory_space<vmem>>, vector<16xi32>,
    tpu.vector_store %arg7[%swap3A_1223], %add3A_1222 {strides = array<i32>} : memref<3328xi32, #tpu.memory_space<vmem>>, vector<16xi32>,
    %get3A_1225 = arith.constant 20 : i32
    %get3A_1226 = arith.index_cast %get3A_1225 : i32 to index
    %get3A_1227 = arith.constant 32 : index
    %get3A_1228 = tpu.vector_load %arg5[%get3A_1226, %get3A_1227] {strides = array<i32>} : memref<26x128xi32, #tpu.memory_space<vmem>>, vector<16xi32>,
    %add3A_1229 = arith.addi %get3A_1228, %get3A_1210 : vector<16xi32>
    %swap3A_1230 = arith.constant 2592 : index
    %swap3A_1231 = tpu.vector_load %arg7[%swap3A_1230] {strides = array<i32>} : memref<3328xi32, #tpu.memory_space<vmem>>, vector<16xi32>,
    tpu.vector_store %arg7[%swap3A_1230], %add3A_1229 {strides = array<i32>} : memref<3328xi32, #tpu.memory_space<vmem>>, vector<16xi32>,
    %get3A_1232 = arith.constant 20 : i32
    %get3A_1233 = arith.index_cast %get3A_1232 : i32 to index
    %get3A_1234 = arith.constant 48 : index
    %get3A_1235 = tpu.vector_load %arg5[%get3A_1233, %get3A_1234] {strides = array<i32>} : memref<26x128xi32, #tpu.memory_space<vmem>>, vector<16xi32>,
    %add3A_1236 = arith.addi %get3A_1235, %get3A_1210 : vector<16xi32>
    %swap3A_1237 = arith.constant 2608 : index
    %swap3A_1238 = tpu.vector_load %arg7[%swap3A_1237] {strides = array<i32>} : memref<3328xi32, #tpu.memory_space<vmem>>, vector<16xi32>,
    tpu.vector_store %arg7[%swap3A_1237], %add3A_1236 {strides = array<i32>} : memref<3328xi32, #tpu.memory_space<vmem>>, vector<16xi32>,
    %get3A_1239 = arith.constant 20 : i32
    %get3A_1240 = arith.index_cast %get3A_1239 : i32 to index
    %get3A_1241 = arith.constant 64 : index
    %get3A_1242 = tpu.vector_load %arg5[%get3A_1240, %get3A_1241] {strides = array<i32>} : memref<26x128xi32, #tpu.memory_space<vmem>>, vector<16xi32>,
    %add3A_1243 = arith.addi %get3A_1242, %get3A_1210 : vector<16xi32>
    %swap3A_1244 = arith.constant 2624 : index
    %swap3A_1245 = tpu.vector_load %arg7[%swap3A_1244] {strides = array<i32>} : memref<3328xi32, #tpu.memory_space<vmem>>, vector<16xi32>,
    tpu.vector_store %arg7[%swap3A_1244], %add3A_1243 {strides = array<i32>} : memref<3328xi32, #tpu.memory_space<vmem>>, vector<16xi32>,
    %get3A_1246 = arith.constant 20 : i32
    %get3A_1247 = arith.index_cast %get3A_1246 : i32 to index
    %get3A_1248 = arith.constant 80 : index
    %get3A_1249 = tpu.vector_load %arg5[%get3A_1247, %get3A_1248] {strides = array<i32>} : memref<26x128xi32, #tpu.memory_space<vmem>>, vector<16xi32>,
    %add3A_1250 = arith.addi %get3A_1249, %get3A_1210 : vector<16xi32>
    %swap3A_1251 = arith.constant 2640 : index
    %swap3A_1252 = tpu.vector_load %arg7[%swap3A_1251] {strides = array<i32>} : memref<3328xi32, #tpu.memory_space<vmem>>, vector<16xi32>,
    tpu.vector_store %arg7[%swap3A_1251], %add3A_1250 {strides = array<i32>} : memref<3328xi32, #tpu.memory_space<vmem>>, vector<16xi32>,
    %get3A_1253 = arith.constant 20 : i32
    %get3A_1254 = arith.index_cast %get3A_1253 : i32 to index
    %get3A_1255 = arith.constant 96 : index
    %get3A_1256 = tpu.vector_load %arg5[%get3A_1254, %get3A_1255] {strides = array<i32>} : memref<26x128xi32, #tpu.memory_space<vmem>>, vector<16xi32>,
    %add3A_1257 = arith.addi %get3A_1256, %get3A_1210 : vector<16xi32>
    %swap3A_1258 = arith.constant 2656 : index
    %swap3A_1259 = tpu.vector_load %arg7[%swap3A_1258] {strides = array<i32>} : memref<3328xi32, #tpu.memory_space<vmem>>, vector<16xi32>,
    tpu.vector_store %arg7[%swap3A_1258], %add3A_1257 {strides = array<i32>} : memref<3328xi32, #tpu.memory_space<vmem>>, vector<16xi32>,
    %get3A_1260 = arith.constant 20 : i32
    %get3A_1261 = arith.index_cast %get3A_1260 : i32 to index
    %get3A_1262 = arith.constant 112 : index
    %get3A_1263 = tpu.vector_load %arg5[%get3A_1261, %get3A_1262] {strides = array<i32>} : memref<26x128xi32, #tpu.memory_space<vmem>>, vector<16xi32>,
    %add3A_1264 = arith.addi %get3A_1263, %get3A_1210 : vector<16xi32>
    %swap3A_1265 = arith.constant 2672 : index
    %swap3A_1266 = tpu.vector_load %arg7[%swap3A_1265] {strides = array<i32>} : memref<3328xi32, #tpu.memory_space<vmem>>, vector<16xi32>,
    tpu.vector_store %arg7[%swap3A_1265], %add3A_1264 {strides = array<i32>} : memref<3328xi32, #tpu.memory_space<vmem>>, vector<16xi32>,
    %get3A_1267 = arith.constant 21 : i32
    %get3A_1268 = arith.index_cast %get3A_1267 : i32 to index
    %get3A_1269 = arith.constant 0 : index
    %get3A_1270 = tpu.vector_load %arg6[%get3A_1268, %get3A_1269] {strides = array<i32>} : memref<26x16xi32, #tpu.memory_space<vmem>>, vector<16xi32>,
    %get3A_1271 = arith.constant 21 : i32
    %get3A_1272 = arith.index_cast %get3A_1271 : i32 to index
    %get3A_1273 = arith.constant 0 : index
    %get3A_1274 = tpu.vector_load %arg5[%get3A_1272, %get3A_1273] {strides = array<i32>} : memref<26x128xi32, #tpu.memory_space<vmem>>, vector<16xi32>,
    %add3A_1275 = arith.addi %get3A_1274, %get3A_1270 : vector<16xi32>
    %swap3A_1276 = arith.constant 2688 : index
    %swap3A_1277 = tpu.vector_load %arg7[%swap3A_1276] {strides = array<i32>} : memref<3328xi32, #tpu.memory_space<vmem>>, vector<16xi32>,
    tpu.vector_store %arg7[%swap3A_1276], %add3A_1275 {strides = array<i32>} : memref<3328xi32, #tpu.memory_space<vmem>>, vector<16xi32>,
    %get3A_1278 = arith.constant 21 : i32
    %get3A_1279 = arith.index_cast %get3A_1278 : i32 to index
    %get3A_1280 = arith.constant 16 : index
    %get3A_1281 = tpu.vector_load %arg5[%get3A_1279, %get3A_1280] {strides = array<i32>} : memref<26x128xi32, #tpu.memory_space<vmem>>, vector<16xi32>,
    %add3A_1282 = arith.addi %get3A_1281, %get3A_1270 : vector<16xi32>
    %swap3A_1283 = arith.constant 2704 : index
    %swap3A_1284 = tpu.vector_load %arg7[%swap3A_1283] {strides = array<i32>} : memref<3328xi32, #tpu.memory_space<vmem>>, vector<16xi32>,
    tpu.vector_store %arg7[%swap3A_1283], %add3A_1282 {strides = array<i32>} : memref<3328xi32, #tpu.memory_space<vmem>>, vector<16xi32>,
    %get3A_1285 = arith.constant 21 : i32
    %get3A_1286 = arith.index_cast %get3A_1285 : i32 to index
    %get3A_1287 = arith.constant 32 : index
    %get3A_1288 = tpu.vector_load %arg5[%get3A_1286, %get3A_1287] {strides = array<i32>} : memref<26x128xi32, #tpu.memory_space<vmem>>, vector<16xi32>,
    %add3A_1289 = arith.addi %get3A_1288, %get3A_1270 : vector<16xi32>
    %swap3A_1290 = arith.constant 2720 : index
    %swap3A_1291 = tpu.vector_load %arg7[%swap3A_1290] {strides = array<i32>} : memref<3328xi32, #tpu.memory_space<vmem>>, vector<16xi32>,
    tpu.vector_store %arg7[%swap3A_1290], %add3A_1289 {strides = array<i32>} : memref<3328xi32, #tpu.memory_space<vmem>>, vector<16xi32>,
    %get3A_1292 = arith.constant 21 : i32
    %get3A_1293 = arith.index_cast %get3A_1292 : i32 to index
    %get3A_1294 = arith.constant 48 : index
    %get3A_1295 = tpu.vector_load %arg5[%get3A_1293, %get3A_1294] {strides = array<i32>} : memref<26x128xi32, #tpu.memory_space<vmem>>, vector<16xi32>,
    %add3A_1296 = arith.addi %get3A_1295, %get3A_1270 : vector<16xi32>
    %swap3A_1297 = arith.constant 2736 : index
    %swap3A_1298 = tpu.vector_load %arg7[%swap3A_1297] {strides = array<i32>} : memref<3328xi32, #tpu.memory_space<vmem>>, vector<16xi32>,
    tpu.vector_store %arg7[%swap3A_1297], %add3A_1296 {strides = array<i32>} : memref<3328xi32, #tpu.memory_space<vmem>>, vector<16xi32>,
    %get3A_1299 = arith.constant 21 : i32
    %get3A_1300 = arith.index_cast %get3A_1299 : i32 to index
    %get3A_1301 = arith.constant 64 : index
    %get3A_1302 = tpu.vector_load %arg5[%get3A_1300, %get3A_1301] {strides = array<i32>} : memref<26x128xi32, #tpu.memory_space<vmem>>, vector<16xi32>,
    %add3A_1303 = arith.addi %get3A_1302, %get3A_1270 : vector<16xi32>
    %swap3A_1304 = arith.constant 2752 : index
    %swap3A_1305 = tpu.vector_load %arg7[%swap3A_1304] {strides = array<i32>} : memref<3328xi32, #tpu.memory_space<vmem>>, vector<16xi32>,
    tpu.vector_store %arg7[%swap3A_1304], %add3A_1303 {strides = array<i32>} : memref<3328xi32, #tpu.memory_space<vmem>>, vector<16xi32>,
    %get3A_1306 = arith.constant 21 : i32
    %get3A_1307 = arith.index_cast %get3A_1306 : i32 to index
    %get3A_1308 = arith.constant 80 : index
    %get3A_1309 = tpu.vector_load %arg5[%get3A_1307, %get3A_1308] {strides = array<i32>} : memref<26x128xi32, #tpu.memory_space<vmem>>, vector<16xi32>,
    %add3A_1310 = arith.addi %get3A_1309, %get3A_1270 : vector<16xi32>
    %swap3A_1311 = arith.constant 2768 : index
    %swap3A_1312 = tpu.vector_load %arg7[%swap3A_1311] {strides = array<i32>} : memref<3328xi32, #tpu.memory_space<vmem>>, vector<16xi32>,
    tpu.vector_store %arg7[%swap3A_1311], %add3A_1310 {strides = array<i32>} : memref<3328xi32, #tpu.memory_space<vmem>>, vector<16xi32>,
    %get3A_1313 = arith.constant 21 : i32
    %get3A_1314 = arith.index_cast %get3A_1313 : i32 to index
    %get3A_1315 = arith.constant 96 : index
    %get3A_1316 = tpu.vector_load %arg5[%get3A_1314, %get3A_1315] {strides = array<i32>} : memref<26x128xi32, #tpu.memory_space<vmem>>, vector<16xi32>,
    %add3A_1317 = arith.addi %get3A_1316, %get3A_1270 : vector<16xi32>
    %swap3A_1318 = arith.constant 2784 : index
    %swap3A_1319 = tpu.vector_load %arg7[%swap3A_1318] {strides = array<i32>} : memref<3328xi32, #tpu.memory_space<vmem>>, vector<16xi32>,
    tpu.vector_store %arg7[%swap3A_1318], %add3A_1317 {strides = array<i32>} : memref<3328xi32, #tpu.memory_space<vmem>>, vector<16xi32>,
    %get3A_1320 = arith.constant 21 : i32
    %get3A_1321 = arith.index_cast %get3A_1320 : i32 to index
    %get3A_1322 = arith.constant 112 : index
    %get3A_1323 = tpu.vector_load %arg5[%get3A_1321, %get3A_1322] {strides = array<i32>} : memref<26x128xi32, #tpu.memory_space<vmem>>, vector<16xi32>,
    %add3A_1324 = arith.addi %get3A_1323, %get3A_1270 : vector<16xi32>
    %swap3A_1325 = arith.constant 2800 : index
    %swap3A_1326 = tpu.vector_load %arg7[%swap3A_1325] {strides = array<i32>} : memref<3328xi32, #tpu.memory_space<vmem>>, vector<16xi32>,
    tpu.vector_store %arg7[%swap3A_1325], %add3A_1324 {strides = array<i32>} : memref<3328xi32, #tpu.memory_space<vmem>>, vector<16xi32>,
    %get3A_1327 = arith.constant 22 : i32
    %get3A_1328 = arith.index_cast %get3A_1327 : i32 to index
    %get3A_1329 = arith.constant 0 : index
    %get3A_1330 = tpu.vector_load %arg6[%get3A_1328, %get3A_1329] {strides = array<i32>} : memref<26x16xi32, #tpu.memory_space<vmem>>, vector<16xi32>,
    %get3A_1331 = arith.constant 22 : i32
    %get3A_1332 = arith.index_cast %get3A_1331 : i32 to index
    %get3A_1333 = arith.constant 0 : index
    %get3A_1334 = tpu.vector_load %arg5[%get3A_1332, %get3A_1333] {strides = array<i32>} : memref<26x128xi32, #tpu.memory_space<vmem>>, vector<16xi32>,
    %add3A_1335 = arith.addi %get3A_1334, %get3A_1330 : vector<16xi32>
    %swap3A_1336 = arith.constant 2816 : index
    %swap3A_1337 = tpu.vector_load %arg7[%swap3A_1336] {strides = array<i32>} : memref<3328xi32, #tpu.memory_space<vmem>>, vector<16xi32>,
    tpu.vector_store %arg7[%swap3A_1336], %add3A_1335 {strides = array<i32>} : memref<3328xi32, #tpu.memory_space<vmem>>, vector<16xi32>,
    %get3A_1338 = arith.constant 22 : i32
    %get3A_1339 = arith.index_cast %get3A_1338 : i32 to index
    %get3A_1340 = arith.constant 16 : index
    %get3A_1341 = tpu.vector_load %arg5[%get3A_1339, %get3A_1340] {strides = array<i32>} : memref<26x128xi32, #tpu.memory_space<vmem>>, vector<16xi32>,
    %add3A_1342 = arith.addi %get3A_1341, %get3A_1330 : vector<16xi32>
    %swap3A_1343 = arith.constant 2832 : index
    %swap3A_1344 = tpu.vector_load %arg7[%swap3A_1343] {strides = array<i32>} : memref<3328xi32, #tpu.memory_space<vmem>>, vector<16xi32>,
    tpu.vector_store %arg7[%swap3A_1343], %add3A_1342 {strides = array<i32>} : memref<3328xi32, #tpu.memory_space<vmem>>, vector<16xi32>,
    %get3A_1345 = arith.constant 22 : i32
    %get3A_1346 = arith.index_cast %get3A_1345 : i32 to index
    %get3A_1347 = arith.constant 32 : index
    %get3A_1348 = tpu.vector_load %arg5[%get3A_1346, %get3A_1347] {strides = array<i32>} : memref<26x128xi32, #tpu.memory_space<vmem>>, vector<16xi32>,
    %add3A_1349 = arith.addi %get3A_1348, %get3A_1330 : vector<16xi32>
    %swap3A_1350 = arith.constant 2848 : index
    %swap3A_1351 = tpu.vector_load %arg7[%swap3A_1350] {strides = array<i32>} : memref<3328xi32, #tpu.memory_space<vmem>>, vector<16xi32>,
    tpu.vector_store %arg7[%swap3A_1350], %add3A_1349 {strides = array<i32>} : memref<3328xi32, #tpu.memory_space<vmem>>, vector<16xi32>,
    %get3A_1352 = arith.constant 22 : i32
    %get3A_1353 = arith.index_cast %get3A_1352 : i32 to index
    %get3A_1354 = arith.constant 48 : index
    %get3A_1355 = tpu.vector_load %arg5[%get3A_1353, %get3A_1354] {strides = array<i32>} : memref<26x128xi32, #tpu.memory_space<vmem>>, vector<16xi32>,
    %add3A_1356 = arith.addi %get3A_1355, %get3A_1330 : vector<16xi32>
    %swap3A_1357 = arith.constant 2864 : index
    %swap3A_1358 = tpu.vector_load %arg7[%swap3A_1357] {strides = array<i32>} : memref<3328xi32, #tpu.memory_space<vmem>>, vector<16xi32>,
    tpu.vector_store %arg7[%swap3A_1357], %add3A_1356 {strides = array<i32>} : memref<3328xi32, #tpu.memory_space<vmem>>, vector<16xi32>,
    %get3A_1359 = arith.constant 22 : i32
    %get3A_1360 = arith.index_cast %get3A_1359 : i32 to index
    %get3A_1361 = arith.constant 64 : index
    %get3A_1362 = tpu.vector_load %arg5[%get3A_1360, %get3A_1361] {strides = array<i32>} : memref<26x128xi32, #tpu.memory_space<vmem>>, vector<16xi32>,
    %add3A_1363 = arith.addi %get3A_1362, %get3A_1330 : vector<16xi32>
    %swap3A_1364 = arith.constant 2880 : index
    %swap3A_1365 = tpu.vector_load %arg7[%swap3A_1364] {strides = array<i32>} : memref<3328xi32, #tpu.memory_space<vmem>>, vector<16xi32>,
    tpu.vector_store %arg7[%swap3A_1364], %add3A_1363 {strides = array<i32>} : memref<3328xi32, #tpu.memory_space<vmem>>, vector<16xi32>,
    %get3A_1366 = arith.constant 22 : i32
    %get3A_1367 = arith.index_cast %get3A_1366 : i32 to index
    %get3A_1368 = arith.constant 80 : index
    %get3A_1369 = tpu.vector_load %arg5[%get3A_1367, %get3A_1368] {strides = array<i32>} : memref<26x128xi32, #tpu.memory_space<vmem>>, vector<16xi32>,
    %add3A_1370 = arith.addi %get3A_1369, %get3A_1330 : vector<16xi32>
    %swap3A_1371 = arith.constant 2896 : index
    %swap3A_1372 = tpu.vector_load %arg7[%swap3A_1371] {strides = array<i32>} : memref<3328xi32, #tpu.memory_space<vmem>>, vector<16xi32>,
    tpu.vector_store %arg7[%swap3A_1371], %add3A_1370 {strides = array<i32>} : memref<3328xi32, #tpu.memory_space<vmem>>, vector<16xi32>,
    %get3A_1373 = arith.constant 22 : i32
    %get3A_1374 = arith.index_cast %get3A_1373 : i32 to index
    %get3A_1375 = arith.constant 96 : index
    %get3A_1376 = tpu.vector_load %arg5[%get3A_1374, %get3A_1375] {strides = array<i32>} : memref<26x128xi32, #tpu.memory_space<vmem>>, vector<16xi32>,
    %add3A_1377 = arith.addi %get3A_1376, %get3A_1330 : vector<16xi32>
    %swap3A_1378 = arith.constant 2912 : index
    %swap3A_1379 = tpu.vector_load %arg7[%swap3A_1378] {strides = array<i32>} : memref<3328xi32, #tpu.memory_space<vmem>>, vector<16xi32>,
    tpu.vector_store %arg7[%swap3A_1378], %add3A_1377 {strides = array<i32>} : memref<3328xi32, #tpu.memory_space<vmem>>, vector<16xi32>,
    %get3A_1380 = arith.constant 22 : i32
    %get3A_1381 = arith.index_cast %get3A_1380 : i32 to index
    %get3A_1382 = arith.constant 112 : index
    %get3A_1383 = tpu.vector_load %arg5[%get3A_1381, %get3A_1382] {strides = array<i32>} : memref<26x128xi32, #tpu.memory_space<vmem>>, vector<16xi32>,
    %add3A_1384 = arith.addi %get3A_1383, %get3A_1330 : vector<16xi32>
    %swap3A_1385 = arith.constant 2928 : index
    %swap3A_1386 = tpu.vector_load %arg7[%swap3A_1385] {strides = array<i32>} : memref<3328xi32, #tpu.memory_space<vmem>>, vector<16xi32>,
    tpu.vector_store %arg7[%swap3A_1385], %add3A_1384 {strides = array<i32>} : memref<3328xi32, #tpu.memory_space<vmem>>, vector<16xi32>,
    %get3A_1387 = arith.constant 23 : i32
    %get3A_1388 = arith.index_cast %get3A_1387 : i32 to index
    %get3A_1389 = arith.constant 0 : index
    %get3A_1390 = tpu.vector_load %arg6[%get3A_1388, %get3A_1389] {strides = array<i32>} : memref<26x16xi32, #tpu.memory_space<vmem>>, vector<16xi32>,
    %get3A_1391 = arith.constant 23 : i32
    %get3A_1392 = arith.index_cast %get3A_1391 : i32 to index
    %get3A_1393 = arith.constant 0 : index
    %get3A_1394 = tpu.vector_load %arg5[%get3A_1392, %get3A_1393] {strides = array<i32>} : memref<26x128xi32, #tpu.memory_space<vmem>>, vector<16xi32>,
    %add3A_1395 = arith.addi %get3A_1394, %get3A_1390 : vector<16xi32>
    %swap3A_1396 = arith.constant 2944 : index
    %swap3A_1397 = tpu.vector_load %arg7[%swap3A_1396] {strides = array<i32>} : memref<3328xi32, #tpu.memory_space<vmem>>, vector<16xi32>,
    tpu.vector_store %arg7[%swap3A_1396], %add3A_1395 {strides = array<i32>} : memref<3328xi32, #tpu.memory_space<vmem>>, vector<16xi32>,
    %get3A_1398 = arith.constant 23 : i32
    %get3A_1399 = arith.index_cast %get3A_1398 : i32 to index
    %get3A_1400 = arith.constant 16 : index
    %get3A_1401 = tpu.vector_load %arg5[%get3A_1399, %get3A_1400] {strides = array<i32>} : memref<26x128xi32, #tpu.memory_space<vmem>>, vector<16xi32>,
    %add3A_1402 = arith.addi %get3A_1401, %get3A_1390 : vector<16xi32>
    %swap3A_1403 = arith.constant 2960 : index
    %swap3A_1404 = tpu.vector_load %arg7[%swap3A_1403] {strides = array<i32>} : memref<3328xi32, #tpu.memory_space<vmem>>, vector<16xi32>,
    tpu.vector_store %arg7[%swap3A_1403], %add3A_1402 {strides = array<i32>} : memref<3328xi32, #tpu.memory_space<vmem>>, vector<16xi32>,
    %get3A_1405 = arith.constant 23 : i32
    %get3A_1406 = arith.index_cast %get3A_1405 : i32 to index
    %get3A_1407 = arith.constant 32 : index
    %get3A_1408 = tpu.vector_load %arg5[%get3A_1406, %get3A_1407] {strides = array<i32>} : memref<26x128xi32, #tpu.memory_space<vmem>>, vector<16xi32>,
    %add3A_1409 = arith.addi %get3A_1408, %get3A_1390 : vector<16xi32>
    %swap3A_1410 = arith.constant 2976 : index
    %swap3A_1411 = tpu.vector_load %arg7[%swap3A_1410] {strides = array<i32>} : memref<3328xi32, #tpu.memory_space<vmem>>, vector<16xi32>,
    tpu.vector_store %arg7[%swap3A_1410], %add3A_1409 {strides = array<i32>} : memref<3328xi32, #tpu.memory_space<vmem>>, vector<16xi32>,
    %get3A_1412 = arith.constant 23 : i32
    %get3A_1413 = arith.index_cast %get3A_1412 : i32 to index
    %get3A_1414 = arith.constant 48 : index
    %get3A_1415 = tpu.vector_load %arg5[%get3A_1413, %get3A_1414] {strides = array<i32>} : memref<26x128xi32, #tpu.memory_space<vmem>>, vector<16xi32>,
    %add3A_1416 = arith.addi %get3A_1415, %get3A_1390 : vector<16xi32>
    %swap3A_1417 = arith.constant 2992 : index
    %swap3A_1418 = tpu.vector_load %arg7[%swap3A_1417] {strides = array<i32>} : memref<3328xi32, #tpu.memory_space<vmem>>, vector<16xi32>,
    tpu.vector_store %arg7[%swap3A_1417], %add3A_1416 {strides = array<i32>} : memref<3328xi32, #tpu.memory_space<vmem>>, vector<16xi32>,
    %get3A_1419 = arith.constant 23 : i32
    %get3A_1420 = arith.index_cast %get3A_1419 : i32 to index
    %get3A_1421 = arith.constant 64 : index
    %get3A_1422 = tpu.vector_load %arg5[%get3A_1420, %get3A_1421] {strides = array<i32>} : memref<26x128xi32, #tpu.memory_space<vmem>>, vector<16xi32>,
    %add3A_1423 = arith.addi %get3A_1422, %get3A_1390 : vector<16xi32>
    %swap3A_1424 = arith.constant 3008 : index
    %swap3A_1425 = tpu.vector_load %arg7[%swap3A_1424] {strides = array<i32>} : memref<3328xi32, #tpu.memory_space<vmem>>, vector<16xi32>,
    tpu.vector_store %arg7[%swap3A_1424], %add3A_1423 {strides = array<i32>} : memref<3328xi32, #tpu.memory_space<vmem>>, vector<16xi32>,
    %get3A_1426 = arith.constant 23 : i32
    %get3A_1427 = arith.index_cast %get3A_1426 : i32 to index
    %get3A_1428 = arith.constant 80 : index
    %get3A_1429 = tpu.vector_load %arg5[%get3A_1427, %get3A_1428] {strides = array<i32>} : memref<26x128xi32, #tpu.memory_space<vmem>>, vector<16xi32>,
    %add3A_1430 = arith.addi %get3A_1429, %get3A_1390 : vector<16xi32>
    %swap3A_1431 = arith.constant 3024 : index
    %swap3A_1432 = tpu.vector_load %arg7[%swap3A_1431] {strides = array<i32>} : memref<3328xi32, #tpu.memory_space<vmem>>, vector<16xi32>,
    tpu.vector_store %arg7[%swap3A_1431], %add3A_1430 {strides = array<i32>} : memref<3328xi32, #tpu.memory_space<vmem>>, vector<16xi32>,
    %get3A_1433 = arith.constant 23 : i32
    %get3A_1434 = arith.index_cast %get3A_1433 : i32 to index
    %get3A_1435 = arith.constant 96 : index
    %get3A_1436 = tpu.vector_load %arg5[%get3A_1434, %get3A_1435] {strides = array<i32>} : memref<26x128xi32, #tpu.memory_space<vmem>>, vector<16xi32>,
    %add3A_1437 = arith.addi %get3A_1436, %get3A_1390 : vector<16xi32>
    %swap3A_1438 = arith.constant 3040 : index
    %swap3A_1439 = tpu.vector_load %arg7[%swap3A_1438] {strides = array<i32>} : memref<3328xi32, #tpu.memory_space<vmem>>, vector<16xi32>,
    tpu.vector_store %arg7[%swap3A_1438], %add3A_1437 {strides = array<i32>} : memref<3328xi32, #tpu.memory_space<vmem>>, vector<16xi32>,
    %get3A_1440 = arith.constant 23 : i32
    %get3A_1441 = arith.index_cast %get3A_1440 : i32 to index
    %get3A_1442 = arith.constant 112 : index
    %get3A_1443 = tpu.vector_load %arg5[%get3A_1441, %get3A_1442] {strides = array<i32>} : memref<26x128xi32, #tpu.memory_space<vmem>>, vector<16xi32>,
    %add3A_1444 = arith.addi %get3A_1443, %get3A_1390 : vector<16xi32>
    %swap3A_1445 = arith.constant 3056 : index
    %swap3A_1446 = tpu.vector_load %arg7[%swap3A_1445] {strides = array<i32>} : memref<3328xi32, #tpu.memory_space<vmem>>, vector<16xi32>,
    tpu.vector_store %arg7[%swap3A_1445], %add3A_1444 {strides = array<i32>} : memref<3328xi32, #tpu.memory_space<vmem>>, vector<16xi32>,
    %get3A_1447 = arith.constant 24 : i32
    %get3A_1448 = arith.index_cast %get3A_1447 : i32 to index
    %get3A_1449 = arith.constant 0 : index
    %get3A_1450 = tpu.vector_load %arg6[%get3A_1448, %get3A_1449] {strides = array<i32>} : memref<26x16xi32, #tpu.memory_space<vmem>>, vector<16xi32>,
    %get3A_1451 = arith.constant 24 : i32
    %get3A_1452 = arith.index_cast %get3A_1451 : i32 to index
    %get3A_1453 = arith.constant 0 : index
    %get3A_1454 = tpu.vector_load %arg5[%get3A_1452, %get3A_1453] {strides = array<i32>} : memref<26x128xi32, #tpu.memory_space<vmem>>, vector<16xi32>,
    %add3A_1455 = arith.addi %get3A_1454, %get3A_1450 : vector<16xi32>
    %swap3A_1456 = arith.constant 3072 : index
    %swap3A_1457 = tpu.vector_load %arg7[%swap3A_1456] {strides = array<i32>} : memref<3328xi32, #tpu.memory_space<vmem>>, vector<16xi32>,
    tpu.vector_store %arg7[%swap3A_1456], %add3A_1455 {strides = array<i32>} : memref<3328xi32, #tpu.memory_space<vmem>>, vector<16xi32>,
    %get3A_1458 = arith.constant 24 : i32
    %get3A_1459 = arith.index_cast %get3A_1458 : i32 to index
    %get3A_1460 = arith.constant 16 : index
    %get3A_1461 = tpu.vector_load %arg5[%get3A_1459, %get3A_1460] {strides = array<i32>} : memref<26x128xi32, #tpu.memory_space<vmem>>, vector<16xi32>,
    %add3A_1462 = arith.addi %get3A_1461, %get3A_1450 : vector<16xi32>
    %swap3A_1463 = arith.constant 3088 : index
    %swap3A_1464 = tpu.vector_load %arg7[%swap3A_1463] {strides = array<i32>} : memref<3328xi32, #tpu.memory_space<vmem>>, vector<16xi32>,
    tpu.vector_store %arg7[%swap3A_1463], %add3A_1462 {strides = array<i32>} : memref<3328xi32, #tpu.memory_space<vmem>>, vector<16xi32>,
    %get3A_1465 = arith.constant 24 : i32
    %get3A_1466 = arith.index_cast %get3A_1465 : i32 to index
    %get3A_1467 = arith.constant 32 : index
    %get3A_1468 = tpu.vector_load %arg5[%get3A_1466, %get3A_1467] {strides = array<i32>} : memref<26x128xi32, #tpu.memory_space<vmem>>, vector<16xi32>,
    %add3A_1469 = arith.addi %get3A_1468, %get3A_1450 : vector<16xi32>
    %swap3A_1470 = arith.constant 3104 : index
    %swap3A_1471 = tpu.vector_load %arg7[%swap3A_1470] {strides = array<i32>} : memref<3328xi32, #tpu.memory_space<vmem>>, vector<16xi32>,
    tpu.vector_store %arg7[%swap3A_1470], %add3A_1469 {strides = array<i32>} : memref<3328xi32, #tpu.memory_space<vmem>>, vector<16xi32>,
    %get3A_1472 = arith.constant 24 : i32
    %get3A_1473 = arith.index_cast %get3A_1472 : i32 to index
    %get3A_1474 = arith.constant 48 : index
    %get3A_1475 = tpu.vector_load %arg5[%get3A_1473, %get3A_1474] {strides = array<i32>} : memref<26x128xi32, #tpu.memory_space<vmem>>, vector<16xi32>,
    %add3A_1476 = arith.addi %get3A_1475, %get3A_1450 : vector<16xi32>
    %swap3A_1477 = arith.constant 3120 : index
    %swap3A_1478 = tpu.vector_load %arg7[%swap3A_1477] {strides = array<i32>} : memref<3328xi32, #tpu.memory_space<vmem>>, vector<16xi32>,
    tpu.vector_store %arg7[%swap3A_1477], %add3A_1476 {strides = array<i32>} : memref<3328xi32, #tpu.memory_space<vmem>>, vector<16xi32>,
    %get3A_1479 = arith.constant 24 : i32
    %get3A_1480 = arith.index_cast %get3A_1479 : i32 to index
    %get3A_1481 = arith.constant 64 : index
    %get3A_1482 = tpu.vector_load %arg5[%get3A_1480, %get3A_1481] {strides = array<i32>} : memref<26x128xi32, #tpu.memory_space<vmem>>, vector<16xi32>,
    %add3A_1483 = arith.addi %get3A_1482, %get3A_1450 : vector<16xi32>
    %swap3A_1484 = arith.constant 3136 : index
    %swap3A_1485 = tpu.vector_load %arg7[%swap3A_1484] {strides = array<i32>} : memref<3328xi32, #tpu.memory_space<vmem>>, vector<16xi32>,
    tpu.vector_store %arg7[%swap3A_1484], %add3A_1483 {strides = array<i32>} : memref<3328xi32, #tpu.memory_space<vmem>>, vector<16xi32>,
    %get3A_1486 = arith.constant 24 : i32
    %get3A_1487 = arith.index_cast %get3A_1486 : i32 to index
    %get3A_1488 = arith.constant 80 : index
    %get3A_1489 = tpu.vector_load %arg5[%get3A_1487, %get3A_1488] {strides = array<i32>} : memref<26x128xi32, #tpu.memory_space<vmem>>, vector<16xi32>,
    %add3A_1490 = arith.addi %get3A_1489, %get3A_1450 : vector<16xi32>
    %swap3A_1491 = arith.constant 3152 : index
    %swap3A_1492 = tpu.vector_load %arg7[%swap3A_1491] {strides = array<i32>} : memref<3328xi32, #tpu.memory_space<vmem>>, vector<16xi32>,
    tpu.vector_store %arg7[%swap3A_1491], %add3A_1490 {strides = array<i32>} : memref<3328xi32, #tpu.memory_space<vmem>>, vector<16xi32>,
    %get3A_1493 = arith.constant 24 : i32
    %get3A_1494 = arith.index_cast %get3A_1493 : i32 to index
    %get3A_1495 = arith.constant 96 : index
    %get3A_1496 = tpu.vector_load %arg5[%get3A_1494, %get3A_1495] {strides = array<i32>} : memref<26x128xi32, #tpu.memory_space<vmem>>, vector<16xi32>,
    %add3A_1497 = arith.addi %get3A_1496, %get3A_1450 : vector<16xi32>
    %swap3A_1498 = arith.constant 3168 : index
    %swap3A_1499 = tpu.vector_load %arg7[%swap3A_1498] {strides = array<i32>} : memref<3328xi32, #tpu.memory_space<vmem>>, vector<16xi32>,
    tpu.vector_store %arg7[%swap3A_1498], %add3A_1497 {strides = array<i32>} : memref<3328xi32, #tpu.memory_space<vmem>>, vector<16xi32>,
    %get3A_1500 = arith.constant 24 : i32
    %get3A_1501 = arith.index_cast %get3A_1500 : i32 to index
    %get3A_1502 = arith.constant 112 : index
    %get3A_1503 = tpu.vector_load %arg5[%get3A_1501, %get3A_1502] {strides = array<i32>} : memref<26x128xi32, #tpu.memory_space<vmem>>, vector<16xi32>,
    %add3A_1504 = arith.addi %get3A_1503, %get3A_1450 : vector<16xi32>
    %swap3A_1505 = arith.constant 3184 : index
    %swap3A_1506 = tpu.vector_load %arg7[%swap3A_1505] {strides = array<i32>} : memref<3328xi32, #tpu.memory_space<vmem>>, vector<16xi32>,
    tpu.vector_store %arg7[%swap3A_1505], %add3A_1504 {strides = array<i32>} : memref<3328xi32, #tpu.memory_space<vmem>>, vector<16xi32>,
    %get3A_1507 = arith.constant 25 : i32
    %get3A_1508 = arith.index_cast %get3A_1507 : i32 to index
    %get3A_1509 = arith.constant 0 : index
    %get3A_1510 = tpu.vector_load %arg6[%get3A_1508, %get3A_1509] {strides = array<i32>} : memref<26x16xi32, #tpu.memory_space<vmem>>, vector<16xi32>,
    %get3A_1511 = arith.constant 25 : i32
    %get3A_1512 = arith.index_cast %get3A_1511 : i32 to index
    %get3A_1513 = arith.constant 0 : index
    %get3A_1514 = tpu.vector_load %arg5[%get3A_1512, %get3A_1513] {strides = array<i32>} : memref<26x128xi32, #tpu.memory_space<vmem>>, vector<16xi32>,
    %add3A_1515 = arith.addi %get3A_1514, %get3A_1510 : vector<16xi32>
    %swap3A_1516 = arith.constant 3200 : index
    %swap3A_1517 = tpu.vector_load %arg7[%swap3A_1516] {strides = array<i32>} : memref<3328xi32, #tpu.memory_space<vmem>>, vector<16xi32>,
    tpu.vector_store %arg7[%swap3A_1516], %add3A_1515 {strides = array<i32>} : memref<3328xi32, #tpu.memory_space<vmem>>, vector<16xi32>,
    %get3A_1518 = arith.constant 25 : i32
    %get3A_1519 = arith.index_cast %get3A_1518 : i32 to index
    %get3A_1520 = arith.constant 16 : index
    %get3A_1521 = tpu.vector_load %arg5[%get3A_1519, %get3A_1520] {strides = array<i32>} : memref<26x128xi32, #tpu.memory_space<vmem>>, vector<16xi32>,
    %add3A_1522 = arith.addi %get3A_1521, %get3A_1510 : vector<16xi32>
    %swap3A_1523 = arith.constant 3216 : index
    %swap3A_1524 = tpu.vector_load %arg7[%swap3A_1523] {strides = array<i32>} : memref<3328xi32, #tpu.memory_space<vmem>>, vector<16xi32>,
    tpu.vector_store %arg7[%swap3A_1523], %add3A_1522 {strides = array<i32>} : memref<3328xi32, #tpu.memory_space<vmem>>, vector<16xi32>,
    %get3A_1525 = arith.constant 25 : i32
    %get3A_1526 = arith.index_cast %get3A_1525 : i32 to index
    %get3A_1527 = arith.constant 32 : index
    %get3A_1528 = tpu.vector_load %arg5[%get3A_1526, %get3A_1527] {strides = array<i32>} : memref<26x128xi32, #tpu.memory_space<vmem>>, vector<16xi32>,
    %add3A_1529 = arith.addi %get3A_1528, %get3A_1510 : vector<16xi32>
    %swap3A_1530 = arith.constant 3232 : index
    %swap3A_1531 = tpu.vector_load %arg7[%swap3A_1530] {strides = array<i32>} : memref<3328xi32, #tpu.memory_space<vmem>>, vector<16xi32>,
    tpu.vector_store %arg7[%swap3A_1530], %add3A_1529 {strides = array<i32>} : memref<3328xi32, #tpu.memory_space<vmem>>, vector<16xi32>,
    %get3A_1532 = arith.constant 25 : i32
    %get3A_1533 = arith.index_cast %get3A_1532 : i32 to index
    %get3A_1534 = arith.constant 48 : index
    %get3A_1535 = tpu.vector_load %arg5[%get3A_1533, %get3A_1534] {strides = array<i32>} : memref<26x128xi32, #tpu.memory_space<vmem>>, vector<16xi32>,
    %add3A_1536 = arith.addi %get3A_1535, %get3A_1510 : vector<16xi32>
    %swap3A_1537 = arith.constant 3248 : index
    %swap3A_1538 = tpu.vector_load %arg7[%swap3A_1537] {strides = array<i32>} : memref<3328xi32, #tpu.memory_space<vmem>>, vector<16xi32>,
    tpu.vector_store %arg7[%swap3A_1537], %add3A_1536 {strides = array<i32>} : memref<3328xi32, #tpu.memory_space<vmem>>, vector<16xi32>,
    %get3A_1539 = arith.constant 25 : i32
    %get3A_1540 = arith.index_cast %get3A_1539 : i32 to index
    %get3A_1541 = arith.constant 64 : index
    %get3A_1542 = tpu.vector_load %arg5[%get3A_1540, %get3A_1541] {strides = array<i32>} : memref<26x128xi32, #tpu.memory_space<vmem>>, vector<16xi32>,
    %add3A_1543 = arith.addi %get3A_1542, %get3A_1510 : vector<16xi32>
    %swap3A_1544 = arith.constant 3264 : index
    %swap3A_1545 = tpu.vector_load %arg7[%swap3A_1544] {strides = array<i32>} : memref<3328xi32, #tpu.memory_space<vmem>>, vector<16xi32>,
    tpu.vector_store %arg7[%swap3A_1544], %add3A_1543 {strides = array<i32>} : memref<3328xi32, #tpu.memory_space<vmem>>, vector<16xi32>,
    %get3A_1546 = arith.constant 25 : i32
    %get3A_1547 = arith.index_cast %get3A_1546 : i32 to index
    %get3A_1548 = arith.constant 80 : index
    %get3A_1549 = tpu.vector_load %arg5[%get3A_1547, %get3A_1548] {strides = array<i32>} : memref<26x128xi32, #tpu.memory_space<vmem>>, vector<16xi32>,
    %add3A_1550 = arith.addi %get3A_1549, %get3A_1510 : vector<16xi32>
    %swap3A_1551 = arith.constant 3280 : index
    %swap3A_1552 = tpu.vector_load %arg7[%swap3A_1551] {strides = array<i32>} : memref<3328xi32, #tpu.memory_space<vmem>>, vector<16xi32>,
    tpu.vector_store %arg7[%swap3A_1551], %add3A_1550 {strides = array<i32>} : memref<3328xi32, #tpu.memory_space<vmem>>, vector<16xi32>,
    %get3A_1553 = arith.constant 25 : i32
    %get3A_1554 = arith.index_cast %get3A_1553 : i32 to index
    %get3A_1555 = arith.constant 96 : index
    %get3A_1556 = tpu.vector_load %arg5[%get3A_1554, %get3A_1555] {strides = array<i32>} : memref<26x128xi32, #tpu.memory_space<vmem>>, vector<16xi32>,
    %add3A_1557 = arith.addi %get3A_1556, %get3A_1510 : vector<16xi32>
    %swap3A_1558 = arith.constant 3296 : index
    %swap3A_1559 = tpu.vector_load %arg7[%swap3A_1558] {strides = array<i32>} : memref<3328xi32, #tpu.memory_space<vmem>>, vector<16xi32>,
    tpu.vector_store %arg7[%swap3A_1558], %add3A_1557 {strides = array<i32>} : memref<3328xi32, #tpu.memory_space<vmem>>, vector<16xi32>,
    %get3A_1560 = arith.constant 25 : i32
    %get3A_1561 = arith.index_cast %get3A_1560 : i32 to index
    %get3A_1562 = arith.constant 112 : index
    %get3A_1563 = tpu.vector_load %arg5[%get3A_1561, %get3A_1562] {strides = array<i32>} : memref<26x128xi32, #tpu.memory_space<vmem>>, vector<16xi32>,
    %add3A_1564 = arith.addi %get3A_1563, %get3A_1510 : vector<16xi32>
    %swap3A_1565 = arith.constant 3312 : index
    %swap3A_1566 = tpu.vector_load %arg7[%swap3A_1565] {strides = array<i32>} : memref<3328xi32, #tpu.memory_space<vmem>>, vector<16xi32>,
    tpu.vector_store %arg7[%swap3A_1565], %add3A_1564 {strides = array<i32>} : memref<3328xi32, #tpu.memory_space<vmem>>, vector<16xi32>,
    "tpu.region"() ({
      %run_scoped3A = tpu.sem_alloc : memref<!tpu.dma_semaphore, #tpu.memory_space<semaphore_mem>>
      %dma_start3A_1567 = arith.constant 0 : i32
      %dma_start3A_1568 = tpu.memref_slice %arg4[%add3A, %dma_start3A_1567] : memref<32x3328xi32, #tpu.memory_space<hbm>> -> memref<1x3328xi32, #tpu.memory_space<hbm>>
      %dma_start3A_1569 = tpu.memref_squeeze %dma_start3A_1568 : memref<1x3328xi32, #tpu.memory_space<hbm>> -> memref<3328xi32, #tpu.memory_space<hbm>>
      %dma_start3A_1570 = arith.constant 0 : i32
      %dma_start3A_1571 = tpu.memref_slice %arg4[%add3A, %dma_start3A_1570] : memref<32x3328xi32, #tpu.memory_space<hbm>> -> memref<1x3328xi32, #tpu.memory_space<hbm>>
      %dma_start3A_1572 = tpu.memref_squeeze %dma_start3A_1571 : memref<1x3328xi32, #tpu.memory_space<hbm>> -> memref<3328xi32, #tpu.memory_space<hbm>>
      tpu.enqueue_dma source(%arg7 : memref<3328xi32, #tpu.memory_space<vmem>>) target(%dma_start3A_1572 : memref<3328xi32, #tpu.memory_space<hbm>>) target_semaphore(%run_scoped3A : memref<!tpu.dma_semaphore, #tpu.memory_space<semaphore_mem>>)
      %dma_wait3A_1573 = arith.constant 0 : i32
      %dma_wait3A_1574 = tpu.memref_slice %arg4[%add3A, %dma_wait3A_1573] : memref<32x3328xi32, #tpu.memory_space<hbm>> -> memref<1x3328xi32, #tpu.memory_space<hbm>>
      %dma_wait3A_1575 = tpu.memref_squeeze %dma_wait3A_1574 : memref<1x3328xi32, #tpu.memory_space<hbm>> -> memref<3328xi32, #tpu.memory_space<hbm>>
      %dma_wait3A_1576 = arith.constant 0 : i32
      %dma_wait3A_1577 = tpu.memref_slice %arg4[%add3A, %dma_wait3A_1576] : memref<32x3328xi32, #tpu.memory_space<hbm>> -> memref<1x3328xi32, #tpu.memory_space<hbm>>
      %dma_wait3A_1578 = tpu.memref_squeeze %dma_wait3A_1577 : memref<1x3328xi32, #tpu.memory_space<hbm>> -> memref<3328xi32, #tpu.memory_space<hbm>>
      tpu.wait_dma2 semaphore(%run_scoped3A : memref<!tpu.dma_semaphore, #tpu.memory_space<semaphore_mem>>) src(%arg7 : memref<3328xi32, #tpu.memory_space<vmem>>) dst(%dma_wait3A_1578 : memref<3328xi32, #tpu.memory_space<hbm>>)
      tpu.yield
    }) : () -> ()
    return
  }
}

</mosaic_0001>

<sc_bundles>
// kernel: kernel.4.cloned.1.call-start
scs
__scs_entry_jumppad:
0x0: {  	(pc) =	sbr.rel $0x88, $3  }
0x1: {  	(tag) =	ssettag $0x0;
	lr =	simm.s32 $0x1  }
0x2: {  	[smem:$0x3F9D] =	sst lr;
	_ =	strace $0xD0000000  }
0x3: {  	_ = 	snop  }
0x4: {  	_ = 	snop  }
0x5: {  	_ = 	snop  }
0x6: {  	_ = 	snop  }
0x7: {  	_ = 	snop  }
__scs_overlays_trampoline_lowered:
0x8: {  	[smem:$0x3FAC] =	sst s0  }
0x9: {  	[smem:$0x3FAD] =	sst s1  }
0xa: {  	[smem:$0x3FAE] =	sst s2  }
0xb: {  	[smem:$0x3FAF] =	sst s3  }
0xc: {  	[smem:$0x3FB0] =	sst s4  }
0xd: {  	[smem:$0x3FB1] =	sst s5  }
0xe: {  	[smem:$0x3FB2] =	sst s6  }
0xf: {  	[smem:$0x3FB3] =	sst s7  }
0x10: {  	[smem:$0x3FB4] =	sst s8  }
0x11: {  	[smem:$0x3FB5] =	sst s9;
	s0 =	simm.s32 @!p0 $0x0  }
0x12: {  	s1 =	sld [smem:$0x3F9B];
	s0 =	simm.s32 @p0 $0x1  }
0x13: {  	[smem:$0x3FB6] =	sst s0;
	s0 =	simm.s32 @!p1 $0x0  }
0x14: {  	s2 =	sld [smem:$0x3F9A];
	s0 =	simm.s32 @p1 $0x1  }
0x15: {  	[smem:$0x3FB7] =	sst s0;
	s0 =	simm.s32 @!p2 $0x0  }
0x16: {  	s3 =	sld [smem:$0x3FDB];
	s0 =	simm.s32 @p2 $0x1  }
0x17: {  	s4 =	simm.s32 $0x1BF5;
	[smem:$0x3FB9] =	sst s0  }
0x18: {  	s0 =	sld [smem:$0x3F9C];
	_ =	swait.ge [sflag:s4], $0x0  }
0x19: {  	s7 =	sld [smem:$0x3F9D]  }
0x1a: {  	s8 =	sadd.s32 $0xFFFFE003, lr  }
0x1b: {  	s9 =	sadd.s32 $0xFFFFFEF7, lr;
	s5 =	simm.s32 $0xFFFFFFFF;
	p2 =	slt.u32 s8, $0xFFFFF086  }
0x1c: {  	p1 =	slt.u32 s9, $0xF7A;
	s5 =	simm.s32 @!p2 $0x0  }
0x1d: {  	s5 =	simm.s32 @p1 $0x1;
	p0 =	seq.s32 s7, s2  }
0x1e: {  	s7 =	smul.u32 @!p0 $0xF7A, s2;
	p2 =	seq.s32 @!p0 s5, $0x0  }
0x1f: {  	s9 =	smul.u32 $0xF7A, s1;
	s8 =	simm.s32 @!p0 $0x1BF5;
	p2 =	por !p2, p0  }
0x20: {  	[sflag:s8] =	ssyncset.s32 @!p0 $0xFFFFF086;
	s6 =	sadd.s32 @!p0 s3, s7;
	s7 =	simm.s32 @!p0 $0x108  }
0x21: {  	s3 =	sadd.s32 s3, s9;
	s6 =	sadd.s32 @!p0 $0x88, s6;
	s7 =	simm.s32 @p2 $0x1082  }
0x22: {  	[simem:s7], [sflag:s8] =	dma.local @!p0 [hbm:s6], $0xF7A  }
0x23: {  	s9 =	sor.u32 $0xD0000000, s2;
	s6 =	simm.s32 $0x108;
	_ =	swait.ge @!p0 [sflag:s8], $0x0  }
0x24: {  	s3 =	sadd.s32 $0x88, s3;
	s6 =	simm.s32 @!p1 $0x1082;
	[sflag:s4] =	ssyncset.s32 $0xFFFFF086  }
0x25: {  	[simem:s6], [sflag:s4] =	dma.local [hbm:s3], $0xF7A  }
0x26: {  	[smem:$0x3F9D] =	sst s1;
	(tag) =	ssettag s2;
	_ =	strace s9  }
0x27: {  	s1 =	sld [smem:$0x3FAD]  }
0x28: {  	s2 =	sld [smem:$0x3FAE]  }
0x29: {  	s4 =	sld [smem:$0x3FB0]  }
0x2a: {  	p0 =	seq.s32 s5, $0x0;
	s5 =	sld [smem:$0x3FB1]  }
0x2b: {  	s6 =	sld [smem:$0x3FB2]  }
0x2c: {  	s7 =	sld [smem:$0x3FB3]  }
0x2d: {  	s3 =	simm.s32 $0x108;
	s8 =	sld [smem:$0x3FB4]  }
0x2e: {  	s3 =	simm.s32 @!p0 $0x1082;
	s9 =	sld [smem:$0x3FB5]  }
0x2f: {  	lr =	sadd.s32 s0, s3;
	s0 =	sld [smem:$0x3FAC]  }
0x30: {  	s3 =	sld [smem:$0x3FAF]  }
0x31: {  	[smem:$0x3FB8] =	sst s10  }
0x32: {  	s10 =	sld [smem:$0x3FB6];
	_ =	sdelay $0x3  }
0x33: {  	p0 =	seq.s32 s10, $0x1;
	s10 =	sld [smem:$0x3FB8];
	_ =	sdelay $0x3  }
0x34: {  	[smem:$0x3FB8] =	sst s10  }
0x35: {  	s10 =	sld [smem:$0x3FB7];
	_ =	sdelay $0x3  }
0x36: {  	p1 =	seq.s32 s10, $0x1;
	s10 =	sld [smem:$0x3FB8];
	_ =	sdelay $0x3  }
0x37: {  	[smem:$0x3FB8] =	sst s10  }
0x38: {  	s10 =	sld [smem:$0x3FB9]  }
0x39: {  	_ = 	snop;
	(pc) =	sbr.ind lr, $3  }
0x3a: {  	_ = 	snop  }
0x3b: {  	_ = 	snop  }
0x3c: {  	p2 =	seq.s32 s10, $0x1;
	s10 =	sld [smem:$0x3FB8]  }
0x3d: {  	_ =	shalt  }
0x3e: {  	_ =	shalt  }
0x3f: {  	_ =	shalt  }
0x40: {  	_ =	shalt  }
0x41: {  	_ =	shalt  }
0x42: {  	_ =	shalt  }
0x43: {  	_ =	shalt  }
0x44: {  	_ =	shalt  }
0x45: {  	_ =	shalt  }
0x46: {  	_ =	shalt  }
0x47: {  	_ =	shalt  }
0x48: {  	_ =	shalt  }
0x49: {  	_ =	shalt  }
0x4a: {  	_ =	shalt  }
0x4b: {  	_ =	shalt  }
0x4c: {  	_ =	shalt  }
0x4d: {  	_ =	shalt  }
0x4e: {  	_ =	shalt  }
0x4f: {  	_ =	shalt  }
0x50: {  	_ =	shalt  }
0x51: {  	_ =	shalt  }
0x52: {  	_ =	shalt  }
0x53: {  	_ =	shalt  }
0x54: {  	_ =	shalt  }
0x55: {  	_ =	shalt  }
0x56: {  	_ =	shalt  }
0x57: {  	_ =	shalt  }
0x58: {  	_ =	shalt  }
0x59: {  	_ =	shalt  }
0x5a: {  	_ =	shalt  }
0x5b: {  	_ =	shalt  }
0x5c: {  	_ =	shalt  }
0x5d: {  	_ =	shalt  }
0x5e: {  	_ =	shalt  }
0x5f: {  	_ =	shalt  }
0x60: {  	_ =	shalt  }
0x61: {  	_ =	shalt  }
0x62: {  	_ =	shalt  }
0x63: {  	_ =	shalt  }
0x64: {  	_ =	shalt  }
0x65: {  	_ =	shalt  }
0x66: {  	_ =	shalt  }
0x67: {  	_ =	shalt  }
0x68: {  	_ =	shalt  }
0x69: {  	_ =	shalt  }
0x6a: {  	_ =	shalt  }
0x6b: {  	_ =	shalt  }
0x6c: {  	_ =	shalt  }
0x6d: {  	_ =	shalt  }
0x6e: {  	_ =	shalt  }
0x6f: {  	_ =	shalt  }
0x70: {  	_ =	shalt  }
0x71: {  	_ =	shalt  }
0x72: {  	_ =	shalt  }
0x73: {  	_ =	shalt  }
0x74: {  	_ =	shalt  }
0x75: {  	_ =	shalt  }
0x76: {  	_ =	shalt  }
0x77: {  	_ =	shalt  }
0x78: {  	_ =	shalt  }
0x79: {  	_ =	shalt  }
0x7a: {  	_ =	shalt  }
0x7b: {  	_ =	shalt  }
0x7c: {  	_ =	shalt  }
0x7d: {  	_ =	shalt  }
0x7e: {  	_ =	shalt  }
0x7f: {  	_ =	shalt  }
0x80: {  	_ =	shalt  }
0x81: {  	_ =	shalt  }
0x82: {  	_ =	shalt  }
0x83: {  	_ =	shalt  }
0x84: {  	_ =	shalt  }
0x85: {  	_ =	shalt  }
0x86: {  	_ =	shalt  }
0x87: {  	_ =	shalt  }
.Lfunc_end0:
.L_simem_size_0:
called_computation_lowered:
.L_overlay_start_0:
0x88: {  	s2 =	sld [smem:$0x3FD9]  }
0x89: {  	s3 =	sld [smem:$0x3FFE];
	_ =	sdelay $0x1  }
0x8a: {  	s1 =	srdreg.scid  }
0x8b: {  	s0 =	sand.u32 $0x1, s1  }
0x8c: {  	s17 =	sshll.u32 s0, $0xA;
	s2 =	sadd.s32 s3, s2  }
0x8d: {  	s2 =	sadd.s32 s2, s17  }
0x8e: {  	[smem:$0x3FC4] =	sst s2  }
0x8f: {  	_ = 	snop  }
0x90: {  	s2 =	sld [smem:$0x3FC9]  }
0x91: {  	s18 =	sld [smem:$0x3FD0];
	(tm) =	ssettm $0x1  }
0x92: {  	s4 =	sld [smem:$0x3FFB];
	_ =	sdelay $0x3  }
0x93: {  	_ =	strace s4  }
0x94: {  	s4 =	sld [smem:$0x3FFC];
	_ =	sdelay $0x3  }
0x95: {  	_ =	strace s4  }
0x96: {  	s4 =	sld [smem:$0x3FFD];
	_ =	sdelay $0x3  }
0x97: {  	_ =	strace s4  }
0x98: {  	_ =	strace $0x8FFFFFFF  }
0x99: {  	s19 =	sld [smem:$0x3FDB];
	_ =	sdelay $0x1  }
0x9a: {  	s5 =	simm.s32 $_scs_section_size  }
0x9b: {  	s6 =	simm.s32 $_size__tile_overlayer_lowered;
	s7 =	simm.s32 $_tile_overlayer_lowered  }
0x9c: {  	s22 =	simm.s32 $0x1BFF;
	s21 =	sshll.u32 s7, $0x1;
	s4 =	sadd.s32 s5, s19  }
0x9d: {  	s8 =	simm.s32 $0x0;
	s20 =	sshll.u32 s6, $0x1;
	s6 =	sadd.s32 s21, s4  }
0x9e: {  	[timem:s8], [sflag:s22] =	dma.local [hbm:s6], s20  }
0x9f: {  	_ =	swait.ge [sflag:s22], s20  }
0xa0: {  	s5 =	ssub.s32 $0x0, s20;
	[sflag:s22] =	ssyncset.done $0x0  }
0xa1: {  	[sflag:s22] =	ssyncadd.s32 s5;
	_ =	sdelay $0x1  }
0xa2: {  	s23 =	simm.s32 $0x1B8B  }
0xa3: {  	_ =	swait.ge [sflag:s23], $0x1  }
0xa4: {  	[sflag:s23] =	ssyncset.done $0x0  }
0xa5: {  	s25 =	simm.s32 $0x1B8E;
	s24 =	sld [smem:$0x3FFE];
	[sflag:s23] =	ssyncadd.s32 $0xFFFFFFFF  }
0xa6: {  	s26 =	simm.s32 $execute0_lowered;
	[smem:$0x3FD2] =	sst s25  }
0xa7: {  	s6 =	sshll.u32 s26, $0x1;
	_ =	strace $0x80000046;
	[dreg:$0x1] =	wrdreg $0xFFFFFFFF  }
0xa8: {  	s28 =	simm.s32 $_size_execute0_lowered;
	s4 =	sadd.s32 s4, s6;
	[dreg:$0x0] =	wrdreg $0x0  }
0xa9: {  	s6 =	sshll.u32 s28, $0x1;
	[dreg:$0x2] =	wrdreg s4  }
0xaa: {  	[dreg:$0x3] =	wrdreg s6  }
0xab: {  	[dreg:$0x4] =	wrdreg $0xC0  }
0xac: {  	_ =	task [dreg:s8], $0x5FFFF  }
0xad: {  	[dreg:$0x1] =	wrdreg $0xFFFFFFFF  }
0xae: {  	[dreg:$0x0] =	wrdreg $0x60  }
0xaf: {  	[dreg:$0x2] =	wrdreg s2  }
0xb0: {  	[dreg:$0x3] =	wrdreg s18  }
0xb1: {  	[dreg:$0x4] =	wrdreg s24  }
0xb2: {  	[dreg:$0x5] =	wrdreg $0x9  }
0xb3: {  	_ =	task.clear_ibuf [dreg:s8], $0x6FFFF;
	_ =	strace $0x90000046  }
0xb4: {  	s29 =	simm.s32 $0x9;
	_ =	strace $0x80000048  }
0xb5: {  	_ =	swait.ge [sflag:s29], $0x1  }
0xb6: {  	[sflag:s29] =	ssyncadd.s32 $0xFFFFFFFF  }
0xb7: {  	_ =	strace $0x90000048  }
0xb8: {  	_ =	sfence  }
0xb9: {  	s30 =	sld [smem:$0x0];
	_ =	sdelay $0x2  }
0xba: {  	s31 =	sshll.u32 s1, $0xD;
	s1 =	sshrl.u32 s1, $0x2  }
0xbb: {  	s3 =	sand.u32 $0x4000, s31;
	s1 =	sadd.s32 s1, s30  }
0xbc: {  	s0 =	sor.u32 s3, s0;
	s1 =	sshll.u32 s1, $0x11  }
0xbd: {  	s0 =	sor.u32 s1, s0  }
0xbe: {  	s0 =	sadd.s32 $0x8F2B, s0  }
0xbf: {  	[sflag:s0] =	ssyncadd.remote.s32 $0x1  }
0xc0: {  	_ =	sfence.sel $0xFFFF  }
0xc1: {  	[dreg:$0x0] =	wrdreg $0xFFFFFFFF;
	(pc) =	sbr.abs _section_cstart, $3  }
0xc2: {  	[dreg:$0x1] =	wrdreg $0xFFFFFFFF  }
0xc3: {  	_ =	task.clear_ibuf [dreg:s8], $0x2FFFF;
	_ =	strace $0x9FFFFFFF  }
0xc4: {  	(tm) =	ssettm $0x7FFFFFFF  }
0xc5: {  	_ =	shalt  }
tec
execute0_lowered:
.L_overlay_start_1:
0x0: {  	(tag) =	ssettag $0x1  }
0x1: {  	s4 =	rddreg [dreg:$0x0];
	s2 =	srdreg.scid  }
0x2: {  	s1 =	rddreg [dreg:$0x1];
	s0 =	stileid.u32  }
0x3: {  	s7 =	rddreg [dreg:$0x2];
	s10 =	simm.s32 $0xC00;
	s11 =	simm.s32 $0x1000  }
0x4: {  	s12 =	simm.s32 $0x2;
	s13 =	simm.s32 $0x1;
	s14 =	simm.s32 $0x80  }
0x5: {  	s15 =	simm.s32 $0x2000;
	s5 =	sand.u32 $0x1, s2;
	s30 =	sshll.u32 s0, $0x8  }
0x6: {  	s6 =	sshrl.u32 s0, $0x2;
	s2 =	rddreg [dreg:$0x3];
	s3 =	sshll.u32 s5, $0x7  }
0x7: {  	s6 =	smul.u32 $0x6800, s6;
	s5 =	ssub.s32 $0x2, s5;
	s8 =	sor.u32 s3, s30  }
0x8: {  	s3 =	simm.s32 $0x0;
	s31 =	sshrl.u32 s5, $0x1;
	s9 =	sand.u32 $0x380, s8  }
0x9: {  	[smem:$0x7FF] =	sst s3;
	s4 =	sadd.s32 s4, s8;
	s6 =	sor.u32 s6, s9  }
0xa: {  	s8 =	simm.s32 $0x400;
	_ =	strace $0x80000047;
	s6 =	sshrl.u32 s6, $0x3  }
0xb: {  	s9 =	simm.s32 $0x8000;
	s6 =	sadd.s32 s6, s7;
	s7 =	ssub.s32 s5, s31  }
0xc: {  	s5 =	sadd.s32 $0x3000, s4;
	s6 =	sadd.s32 $0x400, s6;
	s7 =	smax.u32 s7, $0x1  }
.LBB2_1:
0xd: {  	[tilespmem:s3], [sflag:$0x1] =	stream.strided.gather [hbm4b:s4+s8], $0xC00, s9, s8, $0x38;
	[tilespmem:$0x2D00] =	vst v63  }
0xe: {  	_ = 	snop  }
0xf: {  	[tilespmem:s10], [sflag:$0x1] =	stream.linear.gather [hbm4b:s5+s3], $0x100, $0x38;
	[tilespmem:$0x2D00] =	vst v63  }
0x10: {  	_ = 	snop  }
0x11: {  	[tilespmem:s11], [sflag:$0x2] =	stream.linear.gather [hbm4b:s1+s3], $0xD00, $0x38;
	[tilespmem:$0x2D00] =	vst v63  }
0x12: {  	_ =	swait.ge [sflag:s12], $0xD00  }
0x13: {  	[sflag:s12] =	ssyncset.done $0x0  }
0x14: {  	[sflag:s12] =	ssyncadd.s32 $0xFFFFF300  }
0x15: {  	_ =	swait.ge [sflag:s13], $0xD00  }
0x16: {  	[sflag:s13] =	ssyncset.done $0x0  }
0x17: {  	[sflag:s13] =	ssyncadd.s32 $0xFFFFF300  }
0x18: {  	v0 =	vld [tilespmem:$0x1000]  }
0x19: {  	v1 =	vld [tilespmem:$0x0]  }
0x1a: {  	v2 =	vld [tilespmem:$0x10]  }
0x1b: {  	v3 =	vld [tilespmem:$0x20]  }
0x1c: {  	v4 =	vld [tilespmem:$0x30]  }
0x1d: {  	v5 =	vld [tilespmem:$0x40]  }
0x1e: {  	v6 =	vld [tilespmem:$0x50]  }
0x1f: {  	v7 =	vld [tilespmem:$0x60]  }
0x20: {  	v8 =	vld [tilespmem:$0x70]  }
0x21: {  	v9 =	vld [tilespmem:$0x1080]  }
0x22: {  	v10 =	vld [tilespmem:$0x80]  }
0x23: {  	v11 =	vld [tilespmem:$0x90]  }
0x24: {  	v12 =	vld [tilespmem:$0xA0]  }
0x25: {  	v13 =	vld [tilespmem:$0xB0]  }
0x26: {  	v14 =	vld [tilespmem:$0xC0]  }
0x27: {  	v15 =	vld [tilespmem:$0xD0]  }
0x28: {  	v16 =	vld [tilespmem:$0xE0]  }
0x29: {  	v17 =	vld [tilespmem:$0xF0]  }
0x2a: {  	v18 =	vld [tilespmem:$0x1100]  }
0x2b: {  	v19 =	vld [tilespmem:$0x100]  }
0x2c: {  	v20 =	vld [tilespmem:$0x110]  }
0x2d: {  	v21 =	vld [tilespmem:$0x120]  }
0x2e: {  	v22 =	vld [tilespmem:$0x130]  }
0x2f: {  	v23 =	vld [tilespmem:$0x140]  }
0x30: {  	v24 =	vld [tilespmem:$0x150]  }
0x31: {  	v25 =	vld [tilespmem:$0x160]  }
0x32: {  	v26 =	vld [tilespmem:$0x170]  }
0x33: {  	v27 =	vld [tilespmem:$0x1180]  }
0x34: {  	v28 =	vld [tilespmem:$0x180]  }
0x35: {  	v29 =	vld [tilespmem:$0x190]  }
0x36: {  	v30 =	vld [tilespmem:$0x1A0]  }
0x37: {  	v31 =	vld [tilespmem:$0x1B0];
	v1 =	vadd.s32 v0, v1  }
0x38: {  	v37 =	vld [tilespmem:$0x1C0];
	v36 =	vadd.s32 v0, v2;
	[tilespmem:$0x2000] =	vst v1  }
0x39: {  	v39 =	vld [tilespmem:$0x1D0];
	v38 =	vadd.s32 v0, v3;
	[tilespmem:$0x2010] =	vst v36  }
0x3a: {  	v44 =	vld [tilespmem:$0x200];
	v40 =	vadd.s32 v0, v4;
	[tilespmem:$0x2020] =	vst v38  }
0x3b: {  	v46 =	vld [tilespmem:$0x220];
	v41 =	vadd.s32 v0, v5;
	[tilespmem:$0x2030] =	vst v40  }
0x3c: {  	v48 =	vld [tilespmem:$0x230];
	v42 =	vadd.s32 v0, v6;
	[tilespmem:$0x2040] =	vst v41  }
0x3d: {  	v51 =	vld [tilespmem:$0x250];
	v43 =	vadd.s32 v0, v7;
	[tilespmem:$0x2050] =	vst v42  }
0x3e: {  	v53 =	vld [tilespmem:$0x260];
	v0 =	vadd.s32 v0, v8;
	[tilespmem:$0x2060] =	vst v43  }
0x3f: {  	v59 =	vld [tilespmem:$0x2A0];
	v45 =	vadd.s32 v9, v10;
	[tilespmem:$0x2070] =	vst v0  }
0x40: {  	v61 =	vld [tilespmem:$0x2B0];
	v47 =	vadd.s32 v9, v11;
	[tilespmem:$0x2080] =	vst v45  }
0x41: {  	v32 =	vld [tilespmem:$0x300];
	v49 =	vadd.s32 v9, v12;
	[tilespmem:$0x2090] =	vst v47  }
0x42: {  	v4 =	vld [tilespmem:$0x1E0];
	v50 =	vadd.s32 v9, v13;
	[tilespmem:$0x20A0] =	vst v49  }
0x43: {  	v5 =	vld [tilespmem:$0x1F0];
	v52 =	vadd.s32 v9, v14;
	[tilespmem:$0x20B0] =	vst v50  }
0x44: {  	v6 =	vld [tilespmem:$0x1200];
	v54 =	vadd.s32 v9, v15;
	[tilespmem:$0x20C0] =	vst v52  }
0x45: {  	v11 =	vld [tilespmem:$0x240];
	v55 =	vadd.s32 v9, v16;
	[tilespmem:$0x20D0] =	vst v54  }
0x46: {  	v14 =	vld [tilespmem:$0x270];
	v56 =	vadd.s32 v9, v17;
	[tilespmem:$0x20E0] =	vst v55  }
0x47: {  	v15 =	vld [tilespmem:$0x1280];
	v57 =	vadd.s32 v18, v19;
	[tilespmem:$0x20F0] =	vst v56  }
0x48: {  	v9 =	vld [tilespmem:$0x280];
	v58 =	vadd.s32 v18, v20;
	[tilespmem:$0x2100] =	vst v57  }
0x49: {  	v16 =	vld [tilespmem:$0x290];
	v60 =	vadd.s32 v18, v21;
	[tilespmem:$0x2110] =	vst v58  }
0x4a: {  	v62 =	vadd.s32 v18, v22;
	v20 =	vld [tilespmem:$0x2C0];
	[tilespmem:$0x2120] =	vst v60  }
0x4b: {  	v63 =	vadd.s32 v18, v23;
	v21 =	vld [tilespmem:$0x2D0];
	[tilespmem:$0x2130] =	vst v62  }
0x4c: {  	v24 =	vadd.s32 v18, v24;
	v22 =	vld [tilespmem:$0x2E0];
	[tilespmem:$0x2140] =	vst v63  }
0x4d: {  	v25 =	vadd.s32 v18, v25;
	v23 =	vld [tilespmem:$0x2F0];
	[tilespmem:$0x2150] =	vst v24  }
0x4e: {  	v26 =	vadd.s32 v18, v26;
	v18 =	vld [tilespmem:$0x1300];
	[tilespmem:$0x2160] =	vst v25  }
0x4f: {  	v28 =	vadd.s32 v27, v28;
	v7 =	vld [tilespmem:$0x1380];
	[tilespmem:$0x2170] =	vst v26  }
0x50: {  	v33 =	vadd.s32 v27, v29;
	v19 =	vld [tilespmem:$0x420];
	[tilespmem:$0x2180] =	vst v28  }
0x51: {  	v34 =	vadd.s32 v27, v30;
	v35 =	vadd.s32 v27, v31;
	v31 =	vld [tilespmem:$0x450];
	[tilespmem:$0x2190] =	vst v33  }
0x52: {  	v17 =	vld [tilespmem:$0x1680];
	[tilespmem:$0x21A0] =	vst v34  }
0x53: {  	v37 =	vadd.s32 v27, v37;
	v12 =	vld [tilespmem:$0xA30];
	[tilespmem:$0x21B0] =	vst v35  }
0x54: {  	v39 =	vadd.s32 v27, v39;
	v1 =	vld [tilespmem:$0x210];
	[tilespmem:$0x21C0] =	vst v37  }
0x55: {  	v25 =	vld [tilespmem:$0x310];
	[tilespmem:$0x21D0] =	vst v39;
	v41 =	vadd.s32 v27, v4  }
0x56: {  	v26 =	vld [tilespmem:$0x320];
	v43 =	vadd.s32 v27, v5;
	[tilespmem:$0x21E0] =	vst v41  }
0x57: {  	v36 =	vld [tilespmem:$0x330];
	v44 =	vadd.s32 v6, v44;
	[tilespmem:$0x21F0] =	vst v43  }
0x58: {  	v38 =	vld [tilespmem:$0x340];
	v46 =	vadd.s32 v6, v46;
	[tilespmem:$0x2200] =	vst v44  }
0x59: {  	v40 =	vld [tilespmem:$0x350];
	v48 =	vadd.s32 v6, v48;
	[tilespmem:$0x2220] =	vst v46  }
0x5a: {  	v42 =	vld [tilespmem:$0x360];
	v50 =	vadd.s32 v6, v11;
	[tilespmem:$0x2230] =	vst v48  }
0x5b: {  	v47 =	vld [tilespmem:$0x390];
	v51 =	vadd.s32 v6, v51;
	[tilespmem:$0x2240] =	vst v50  }
0x5c: {  	v49 =	vld [tilespmem:$0x3A0];
	v53 =	vadd.s32 v6, v53;
	[tilespmem:$0x2250] =	vst v51  }
0x5d: {  	v52 =	vld [tilespmem:$0x3C0];
	v55 =	vadd.s32 v6, v14;
	[tilespmem:$0x2260] =	vst v53  }
0x5e: {  	v54 =	vld [tilespmem:$0x3D0];
	v57 =	vadd.s32 v15, v9;
	[tilespmem:$0x2270] =	vst v55  }
0x5f: {  	v56 =	vld [tilespmem:$0x3E0];
	v58 =	vadd.s32 v15, v16;
	[tilespmem:$0x2280] =	vst v57  }
0x60: {  	v60 =	vld [tilespmem:$0x400];
	v59 =	vadd.s32 v15, v59;
	[tilespmem:$0x2290] =	vst v58  }
0x61: {  	v62 =	vld [tilespmem:$0x410];
	v61 =	vadd.s32 v15, v61;
	[tilespmem:$0x22A0] =	vst v59  }
0x62: {  	v33 =	vld [tilespmem:$0x460];
	v63 =	vadd.s32 v15, v20;
	[tilespmem:$0x22B0] =	vst v61  }
0x63: {  	v24 =	vld [tilespmem:$0x1480];
	v27 =	vadd.s32 v15, v21;
	[tilespmem:$0x22C0] =	vst v63  }
0x64: {  	v37 =	vld [tilespmem:$0x480];
	v29 =	vadd.s32 v15, v22;
	[tilespmem:$0x22D0] =	vst v27  }
0x65: {  	v39 =	vld [tilespmem:$0x490];
	v30 =	vadd.s32 v15, v23;
	[tilespmem:$0x22E0] =	vst v29  }
0x66: {  	v5 =	vld [tilespmem:$0x370];
	v32 =	vadd.s32 v18, v32;
	[tilespmem:$0x22F0] =	vst v30  }
0x67: {  	v11 =	vld [tilespmem:$0x3B0];
	v45 =	vadd.s32 v6, v1;
	[tilespmem:$0x2300] =	vst v32  }
0x68: {  	v9 =	vld [tilespmem:$0x3F0];
	v34 =	vadd.s32 v18, v25;
	[tilespmem:$0x2210] =	vst v45  }
0x69: {  	v14 =	vld [tilespmem:$0x1400];
	v35 =	vadd.s32 v18, v26;
	[tilespmem:$0x2310] =	vst v34  }
0x6a: {  	v20 =	vld [tilespmem:$0x430];
	v36 =	vadd.s32 v18, v36;
	[tilespmem:$0x2320] =	vst v35  }
0x6b: {  	v21 =	vld [tilespmem:$0x440];
	v38 =	vadd.s32 v18, v38;
	[tilespmem:$0x2330] =	vst v36  }
0x6c: {  	v23 =	vld [tilespmem:$0x470];
	v40 =	vadd.s32 v18, v40;
	[tilespmem:$0x2340] =	vst v38  }
0x6d: {  	v15 =	vld [tilespmem:$0xA40];
	v42 =	vadd.s32 v18, v42;
	[tilespmem:$0x2350] =	vst v40  }
0x6e: {  	v1 =	vld [tilespmem:$0x380];
	v47 =	vadd.s32 v7, v47;
	[tilespmem:$0x2360] =	vst v42  }
0x6f: {  	v41 =	vld [tilespmem:$0x4A0];
	v49 =	vadd.s32 v7, v49;
	[tilespmem:$0x2390] =	vst v47  }
0x70: {  	v43 =	vld [tilespmem:$0x4B0];
	v52 =	vadd.s32 v7, v52;
	[tilespmem:$0x23A0] =	vst v49  }
0x71: {  	v48 =	vld [tilespmem:$0x4E0];
	v54 =	vadd.s32 v7, v54;
	[tilespmem:$0x23C0] =	vst v52  }
0x72: {  	v50 =	vld [tilespmem:$0x4F0];
	v56 =	vadd.s32 v7, v56;
	[tilespmem:$0x23D0] =	vst v54  }
0x73: {  	v53 =	vld [tilespmem:$0x500];
	v37 =	vadd.s32 v24, v37;
	[tilespmem:$0x23E0] =	vst v56  }
0x74: {  	v55 =	vld [tilespmem:$0x510];
	v39 =	vadd.s32 v24, v39;
	[tilespmem:$0x2480] =	vst v37  }
0x75: {  	v57 =	vld [tilespmem:$0x520];
	[tilespmem:$0x2490] =	vst v39;
	v44 =	vadd.s32 v18, v5  }
0x76: {  	v59 =	vld [tilespmem:$0x530];
	v51 =	vadd.s32 v7, v11;
	[tilespmem:$0x2370] =	vst v44  }
0x77: {  	v61 =	vld [tilespmem:$0x540];
	v58 =	vadd.s32 v7, v9;
	[tilespmem:$0x23B0] =	vst v51  }
0x78: {  	v63 =	vld [tilespmem:$0x550];
	v60 =	vadd.s32 v14, v60;
	[tilespmem:$0x23F0] =	vst v58  }
0x79: {  	v27 =	vld [tilespmem:$0x560];
	v62 =	vadd.s32 v14, v62;
	[tilespmem:$0x2400] =	vst v60  }
0x7a: {  	v29 =	vld [tilespmem:$0x570];
	v26 =	vadd.s32 v14, v19;
	[tilespmem:$0x2410] =	vst v62  }
0x7b: {  	v32 =	vld [tilespmem:$0x580];
	v28 =	vadd.s32 v14, v20;
	[tilespmem:$0x2420] =	vst v26  }
0x7c: {  	v45 =	vld [tilespmem:$0x4C0];
	v30 =	vadd.s32 v14, v21;
	[tilespmem:$0x2430] =	vst v28  }
0x7d: {  	v34 =	vld [tilespmem:$0x590];
	v31 =	vadd.s32 v14, v31;
	[tilespmem:$0x2440] =	vst v30  }
0x7e: {  	v36 =	vld [tilespmem:$0x5A0];
	v33 =	vadd.s32 v14, v33;
	[tilespmem:$0x2450] =	vst v31  }
0x7f: {  	v38 =	vld [tilespmem:$0x5B0];
	v35 =	vadd.s32 v14, v23;
	[tilespmem:$0x2460] =	vst v33  }
0x80: {  	v40 =	vld [tilespmem:$0x5C0];
	v46 =	vadd.s32 v7, v1;
	[tilespmem:$0x2470] =	vst v35  }
0x81: {  	v11 =	vld [tilespmem:$0x1500];
	v41 =	vadd.s32 v24, v41;
	[tilespmem:$0x2380] =	vst v46  }
0x82: {  	v42 =	vld [tilespmem:$0x5D0];
	v43 =	vadd.s32 v24, v43;
	[tilespmem:$0x24A0] =	vst v41  }
0x83: {  	v49 =	vld [tilespmem:$0x600];
	v48 =	vadd.s32 v24, v48;
	[tilespmem:$0x24B0] =	vst v43  }
0x84: {  	v19 =	vld [tilespmem:$0x1580];
	v50 =	vadd.s32 v24, v50;
	[tilespmem:$0x24E0] =	vst v48  }
0x85: {  	v5 =	vld [tilespmem:$0x1700];
	v45 =	vadd.s32 v24, v45;
	[tilespmem:$0x24F0] =	vst v50  }
0x86: {  	v21 =	vld [tilespmem:$0x7B0];
	[tilespmem:$0x24C0] =	vst v45;
	v52 =	vadd.s32 v11, v53  }
0x87: {  	v18 =	vld [tilespmem:$0x8F0];
	v54 =	vadd.s32 v11, v55;
	[tilespmem:$0x2500] =	vst v52  }
0x88: {  	v20 =	vld [tilespmem:$0x1900];
	v56 =	vadd.s32 v11, v57;
	[tilespmem:$0x2510] =	vst v54  }
0x89: {  	v1 =	vld [tilespmem:$0x4D0];
	v58 =	vadd.s32 v11, v59;
	[tilespmem:$0x2520] =	vst v56  }
0x8a: {  	v44 =	vld [tilespmem:$0x5E0];
	v60 =	vadd.s32 v11, v61;
	[tilespmem:$0x2530] =	vst v58  }
0x8b: {  	v51 =	vld [tilespmem:$0x610];
	v62 =	vadd.s32 v11, v63;
	[tilespmem:$0x2540] =	vst v60  }
0x8c: {  	v26 =	vld [tilespmem:$0x690];
	v22 =	vadd.s32 v11, v27;
	[tilespmem:$0x2550] =	vst v62  }
0x8d: {  	v28 =	vld [tilespmem:$0x6A0];
	v23 =	vadd.s32 v11, v29;
	[tilespmem:$0x2560] =	vst v22  }
0x8e: {  	v30 =	vld [tilespmem:$0x6B0];
	v25 =	vadd.s32 v19, v32;
	[tilespmem:$0x2570] =	vst v23  }
0x8f: {  	v46 =	vld [tilespmem:$0x5F0];
	v27 =	vadd.s32 v19, v34;
	[tilespmem:$0x2580] =	vst v25  }
0x90: {  	v41 =	vld [tilespmem:$0x700];
	v29 =	vadd.s32 v19, v36;
	[tilespmem:$0x2590] =	vst v27  }
0x91: {  	v43 =	vld [tilespmem:$0x710];
	v31 =	vadd.s32 v19, v38;
	[tilespmem:$0x25A0] =	vst v29  }
0x92: {  	v33 =	vadd.s32 v19, v40;
	v34 =	vld [tilespmem:$0x6D0];
	[tilespmem:$0x25B0] =	vst v31  }
0x93: {  	v35 =	vadd.s32 v19, v42;
	v47 =	vadd.s32 v24, v1;
	v1 =	vld [tilespmem:$0x1600];
	[tilespmem:$0x25C0] =	vst v33  }
0x94: {  	v45 =	vld [tilespmem:$0x720];
	[tilespmem:$0x25D0] =	vst v35  }
0x95: {  	v53 =	vld [tilespmem:$0x620];
	v37 =	vadd.s32 v19, v44;
	[tilespmem:$0x24D0] =	vst v47  }
0x96: {  	v55 =	vld [tilespmem:$0x630];
	[tilespmem:$0x25E0] =	vst v37;
	v39 =	vadd.s32 v19, v46  }
0x97: {  	v57 =	vld [tilespmem:$0x640];
	[tilespmem:$0x25F0] =	vst v39;
	v22 =	vadd.s32 v17, v34  }
0x98: {  	v59 =	vld [tilespmem:$0x650];
	v40 =	vadd.s32 v1, v49;
	[tilespmem:$0x26D0] =	vst v22  }
0x99: {  	v61 =	vld [tilespmem:$0x660];
	v42 =	vadd.s32 v1, v51;
	[tilespmem:$0x2600] =	vst v40  }
0x9a: {  	v63 =	vld [tilespmem:$0x670];
	v44 =	vadd.s32 v1, v53;
	[tilespmem:$0x2610] =	vst v42  }
0x9b: {  	v24 =	vld [tilespmem:$0x680];
	v46 =	vadd.s32 v1, v55;
	[tilespmem:$0x2620] =	vst v44  }
0x9c: {  	v32 =	vld [tilespmem:$0x6C0];
	v48 =	vadd.s32 v1, v57;
	[tilespmem:$0x2630] =	vst v46  }
0x9d: {  	v36 =	vld [tilespmem:$0x6E0];
	v50 =	vadd.s32 v1, v59;
	[tilespmem:$0x2640] =	vst v48  }
0x9e: {  	v38 =	vld [tilespmem:$0x6F0];
	v52 =	vadd.s32 v1, v61;
	[tilespmem:$0x2650] =	vst v50  }
0x9f: {  	v11 =	vld [tilespmem:$0x1780];
	v54 =	vadd.s32 v1, v63;
	[tilespmem:$0x2660] =	vst v52  }
0xa0: {  	v58 =	vld [tilespmem:$0x780];
	v56 =	vadd.s32 v17, v24;
	[tilespmem:$0x2670] =	vst v54  }
0xa1: {  	v60 =	vld [tilespmem:$0x790];
	v57 =	vadd.s32 v17, v26;
	[tilespmem:$0x2680] =	vst v56  }
0xa2: {  	v62 =	vld [tilespmem:$0x7A0];
	v59 =	vadd.s32 v17, v28;
	[tilespmem:$0x2690] =	vst v57  }
0xa3: {  	v23 =	vld [tilespmem:$0x7C0];
	v61 =	vadd.s32 v17, v30;
	[tilespmem:$0x26A0] =	vst v59  }
0xa4: {  	v25 =	vld [tilespmem:$0x7D0];
	v63 =	vadd.s32 v17, v32;
	[tilespmem:$0x26B0] =	vst v61  }
0xa5: {  	v47 =	vld [tilespmem:$0x730];
	v24 =	vadd.s32 v17, v36;
	[tilespmem:$0x26C0] =	vst v63  }
0xa6: {  	v27 =	vld [tilespmem:$0x7E0];
	v26 =	vadd.s32 v17, v38;
	[tilespmem:$0x26E0] =	vst v24  }
0xa7: {  	v29 =	vld [tilespmem:$0x7F0];
	v28 =	vadd.s32 v5, v41;
	[tilespmem:$0x26F0] =	vst v26  }
0xa8: {  	v31 =	vld [tilespmem:$0x1800];
	v30 =	vadd.s32 v5, v43;
	[tilespmem:$0x2700] =	vst v28  }
0xa9: {  	v33 =	vld [tilespmem:$0x800];
	v32 =	vadd.s32 v5, v45;
	[tilespmem:$0x2710] =	vst v30  }
0xaa: {  	v35 =	vld [tilespmem:$0x810];
	[tilespmem:$0x2720] =	vst v32;
	v34 =	vadd.s32 v5, v47  }
0xab: {  	v37 =	vld [tilespmem:$0x820];
	v44 =	vadd.s32 v11, v58;
	[tilespmem:$0x2730] =	vst v34  }
0xac: {  	v39 =	vld [tilespmem:$0x830];
	v46 =	vadd.s32 v11, v60;
	[tilespmem:$0x2780] =	vst v44  }
0xad: {  	v49 =	vld [tilespmem:$0x740];
	v48 =	vadd.s32 v11, v62;
	[tilespmem:$0x2790] =	vst v46  }
0xae: {  	v51 =	vld [tilespmem:$0x750];
	v50 =	vadd.s32 v11, v21;
	[tilespmem:$0x27A0] =	vst v48  }
0xaf: {  	v53 =	vld [tilespmem:$0x760];
	v52 =	vadd.s32 v11, v23;
	[tilespmem:$0x27B0] =	vst v50  }
0xb0: {  	v55 =	vld [tilespmem:$0x770];
	v54 =	vadd.s32 v11, v25;
	[tilespmem:$0x27C0] =	vst v52  }
0xb1: {  	v41 =	vld [tilespmem:$0x840];
	v56 =	vadd.s32 v11, v27;
	[tilespmem:$0x27D0] =	vst v54  }
0xb2: {  	v43 =	vld [tilespmem:$0x850];
	v58 =	vadd.s32 v11, v29;
	[tilespmem:$0x27E0] =	vst v56  }
0xb3: {  	v45 =	vld [tilespmem:$0x860];
	v60 =	vadd.s32 v31, v33;
	[tilespmem:$0x27F0] =	vst v58  }
0xb4: {  	v22 =	vld [tilespmem:$0x900];
	v62 =	vadd.s32 v31, v35;
	[tilespmem:$0x2800] =	vst v60  }
0xb5: {  	v47 =	vld [tilespmem:$0x870];
	v17 =	vadd.s32 v31, v37;
	[tilespmem:$0x2810] =	vst v62  }
0xb6: {  	v57 =	vld [tilespmem:$0x8B0];
	[tilespmem:$0x2820] =	vst v17;
	v19 =	vadd.s32 v31, v39  }
0xb7: {  	v59 =	vld [tilespmem:$0x8C0];
	[tilespmem:$0x2830] =	vst v19;
	v36 =	vadd.s32 v5, v49  }
0xb8: {  	v61 =	vld [tilespmem:$0x8D0];
	v38 =	vadd.s32 v5, v51;
	[tilespmem:$0x2740] =	vst v36  }
0xb9: {  	v63 =	vld [tilespmem:$0x8E0];
	v40 =	vadd.s32 v5, v53;
	[tilespmem:$0x2750] =	vst v38  }
0xba: {  	v24 =	vld [tilespmem:$0x910];
	v42 =	vadd.s32 v5, v55;
	[tilespmem:$0x2760] =	vst v40  }
0xbb: {  	v49 =	vld [tilespmem:$0x1880];
	v21 =	vadd.s32 v31, v41;
	[tilespmem:$0x2770] =	vst v42  }
0xbc: {  	v51 =	vld [tilespmem:$0x880];
	v23 =	vadd.s32 v31, v43;
	[tilespmem:$0x2840] =	vst v21  }
0xbd: {  	v53 =	vld [tilespmem:$0x890];
	v25 =	vadd.s32 v31, v45;
	[tilespmem:$0x2850] =	vst v23  }
0xbe: {  	v55 =	vld [tilespmem:$0x8A0];
	v45 =	vadd.s32 v20, v22;
	[tilespmem:$0x2860] =	vst v25  }
0xbf: {  	v26 =	vld [tilespmem:$0x920];
	v27 =	vadd.s32 v31, v47;
	[tilespmem:$0x2900] =	vst v45  }
0xc0: {  	v28 =	vld [tilespmem:$0x930];
	v47 =	vadd.s32 v20, v24;
	[tilespmem:$0x2870] =	vst v27  }
0xc1: {  	v30 =	vld [tilespmem:$0x940];
	[tilespmem:$0x2910] =	vst v47;
	v29 =	vadd.s32 v49, v51  }
0xc2: {  	v32 =	vld [tilespmem:$0x950];
	v31 =	vadd.s32 v49, v53;
	[tilespmem:$0x2880] =	vst v29  }
0xc3: {  	v34 =	vld [tilespmem:$0x960];
	v33 =	vadd.s32 v49, v55;
	[tilespmem:$0x2890] =	vst v31  }
0xc4: {  	v44 =	vld [tilespmem:$0x9A0];
	v35 =	vadd.s32 v49, v57;
	[tilespmem:$0x28A0] =	vst v33  }
0xc5: {  	v46 =	vld [tilespmem:$0x9B0];
	v37 =	vadd.s32 v49, v59;
	[tilespmem:$0x28B0] =	vst v35  }
0xc6: {  	v48 =	vld [tilespmem:$0x9C0];
	v39 =	vadd.s32 v49, v61;
	[tilespmem:$0x28C0] =	vst v37  }
0xc7: {  	v50 =	vld [tilespmem:$0x9D0];
	v41 =	vadd.s32 v49, v63;
	[tilespmem:$0x28D0] =	vst v39  }
0xc8: {  	v56 =	vld [tilespmem:$0x1A00];
	v43 =	vadd.s32 v49, v18;
	[tilespmem:$0x28E0] =	vst v41  }
0xc9: {  	v58 =	vld [tilespmem:$0xA00];
	v49 =	vadd.s32 v20, v26;
	[tilespmem:$0x28F0] =	vst v43  }
0xca: {  	v60 =	vld [tilespmem:$0xA10];
	v51 =	vadd.s32 v20, v28;
	[tilespmem:$0x2920] =	vst v49  }
0xcb: {  	v62 =	vld [tilespmem:$0xA20];
	v53 =	vadd.s32 v20, v30;
	[tilespmem:$0x2930] =	vst v51  }
0xcc: {  	v52 =	vld [tilespmem:$0x9E0];
	v55 =	vadd.s32 v20, v32;
	[tilespmem:$0x2940] =	vst v53  }
0xcd: {  	v36 =	vld [tilespmem:$0x970];
	v57 =	vadd.s32 v20, v34;
	[tilespmem:$0x2950] =	vst v55  }
0xce: {  	v38 =	vld [tilespmem:$0x1980];
	v26 =	vadd.s32 v56, v58;
	[tilespmem:$0x2960] =	vst v57  }
0xcf: {  	v40 =	vld [tilespmem:$0x980];
	v28 =	vadd.s32 v56, v60;
	[tilespmem:$0x2A00] =	vst v26  }
0xd0: {  	v42 =	vld [tilespmem:$0x990];
	v30 =	vadd.s32 v56, v62;
	[tilespmem:$0x2A10] =	vst v28  }
0xd1: {  	v54 =	vld [tilespmem:$0x9F0];
	v32 =	vadd.s32 v56, v12;
	[tilespmem:$0x2A20] =	vst v30  }
0xd2: {  	v17 =	vld [tilespmem:$0xA50];
	v34 =	vadd.s32 v56, v15;
	[tilespmem:$0x2A30] =	vst v32  }
0xd3: {  	v19 =	vld [tilespmem:$0xA60];
	v59 =	vadd.s32 v20, v36;
	[tilespmem:$0x2A40] =	vst v34  }
0xd4: {  	v21 =	vld [tilespmem:$0xA70];
	v61 =	vadd.s32 v38, v40;
	[tilespmem:$0x2970] =	vst v59  }
0xd5: {  	v23 =	vld [tilespmem:$0x1A80];
	v63 =	vadd.s32 v38, v42;
	[tilespmem:$0x2980] =	vst v61  }
0xd6: {  	v25 =	vld [tilespmem:$0xA80];
	v14 =	vadd.s32 v38, v44;
	[tilespmem:$0x2990] =	vst v63  }
0xd7: {  	v45 =	vld [tilespmem:$0xB10];
	v16 =	vadd.s32 v38, v46;
	[tilespmem:$0x29A0] =	vst v14  }
0xd8: {  	v27 =	vld [tilespmem:$0xA90];
	v18 =	vadd.s32 v38, v48;
	[tilespmem:$0x29B0] =	vst v16  }
0xd9: {  	v47 =	vld [tilespmem:$0xB20];
	v20 =	vadd.s32 v38, v50;
	[tilespmem:$0x29C0] =	vst v18  }
0xda: {  	v12 =	vld [tilespmem:$0xBA0];
	v22 =	vadd.s32 v38, v52;
	[tilespmem:$0x29D0] =	vst v20  }
0xdb: {  	v24 =	vadd.s32 v38, v54;
	v29 =	vld [tilespmem:$0xAA0];
	[tilespmem:$0x29E0] =	vst v22  }
0xdc: {  	v31 =	vld [tilespmem:$0xAB0];
	v36 =	vadd.s32 v56, v17;
	[tilespmem:$0x29F0] =	vst v24  }
0xdd: {  	v33 =	vld [tilespmem:$0xAC0];
	v38 =	vadd.s32 v56, v19;
	[tilespmem:$0x2A50] =	vst v36  }
0xde: {  	v35 =	vld [tilespmem:$0xAD0];
	v40 =	vadd.s32 v56, v21;
	[tilespmem:$0x2A60] =	vst v38  }
0xdf: {  	v37 =	vld [tilespmem:$0xAE0];
	v42 =	vadd.s32 v23, v25;
	[tilespmem:$0x2A70] =	vst v40  }
0xe0: {  	v39 =	vld [tilespmem:$0xAF0];
	[tilespmem:$0x2A80] =	vst v42;
	v44 =	vadd.s32 v23, v27  }
0xe1: {  	v41 =	vld [tilespmem:$0x1B00];
	[tilespmem:$0x2A90] =	vst v44;
	v46 =	vadd.s32 v23, v29  }
0xe2: {  	v43 =	vld [tilespmem:$0xB00];
	v48 =	vadd.s32 v23, v31;
	[tilespmem:$0x2AA0] =	vst v46  }
0xe3: {  	v49 =	vld [tilespmem:$0xB30];
	v50 =	vadd.s32 v23, v33;
	[tilespmem:$0x2AB0] =	vst v48  }
0xe4: {  	v51 =	vld [tilespmem:$0xB40];
	v52 =	vadd.s32 v23, v35;
	[tilespmem:$0x2AC0] =	vst v50  }
0xe5: {  	v53 =	vld [tilespmem:$0xB50];
	v54 =	vadd.s32 v23, v37;
	[tilespmem:$0x2AD0] =	vst v52  }
0xe6: {  	v55 =	vld [tilespmem:$0xB60];
	v56 =	vadd.s32 v23, v39;
	[tilespmem:$0x2AE0] =	vst v54  }
0xe7: {  	v57 =	vld [tilespmem:$0xB70];
	v58 =	vadd.s32 v41, v43;
	[tilespmem:$0x2AF0] =	vst v56  }
0xe8: {  	v26 =	vld [tilespmem:$0xC00];
	v60 =	vadd.s32 v41, v45;
	[tilespmem:$0x2B00] =	vst v58  }
0xe9: {  	v59 =	vld [tilespmem:$0x1B80];
	v62 =	vadd.s32 v41, v47;
	[tilespmem:$0x2B10] =	vst v60  }
0xea: {  	v61 =	vld [tilespmem:$0xB80];
	v11 =	vadd.s32 v41, v49;
	[tilespmem:$0x2B20] =	vst v62  }
0xeb: {  	v63 =	vld [tilespmem:$0xB90];
	v13 =	vadd.s32 v41, v51;
	[tilespmem:$0x2B30] =	vst v11  }
0xec: {  	v28 =	vld [tilespmem:$0xC10];
	v15 =	vadd.s32 v41, v53;
	[tilespmem:$0x2B40] =	vst v13  }
0xed: {  	v14 =	vld [tilespmem:$0xBB0];
	v17 =	vadd.s32 v41, v55;
	[tilespmem:$0x2B50] =	vst v15  }
0xee: {  	v16 =	vld [tilespmem:$0xBC0];
	v19 =	vadd.s32 v41, v57;
	[tilespmem:$0x2B60] =	vst v17  }
0xef: {  	v18 =	vld [tilespmem:$0xBD0];
	[tilespmem:$0x2B70] =	vst v19;
	v21 =	vadd.s32 v59, v61  }
0xf0: {  	v20 =	vld [tilespmem:$0xBE0];
	v23 =	vadd.s32 v59, v63;
	[tilespmem:$0x2B80] =	vst v21  }
0xf1: {  	v22 =	vld [tilespmem:$0xBF0];
	v25 =	vadd.s32 v59, v12;
	[tilespmem:$0x2B90] =	vst v23  }
0xf2: {  	v24 =	vld [tilespmem:$0x1C00];
	v27 =	vadd.s32 v59, v14;
	[tilespmem:$0x2BA0] =	vst v25  }
0xf3: {  	v30 =	vld [tilespmem:$0xC20];
	v29 =	vadd.s32 v59, v16;
	[tilespmem:$0x2BB0] =	vst v27  }
0xf4: {  	v32 =	vld [tilespmem:$0xC30];
	v31 =	vadd.s32 v59, v18;
	[tilespmem:$0x2BC0] =	vst v29  }
0xf5: {  	v34 =	vld [tilespmem:$0xC40];
	v33 =	vadd.s32 v59, v20;
	[tilespmem:$0x2BD0] =	vst v31  }
0xf6: {  	v36 =	vld [tilespmem:$0xC50];
	v35 =	vadd.s32 v59, v22;
	[tilespmem:$0x2BE0] =	vst v33  }
0xf7: {  	v38 =	vld [tilespmem:$0xC60];
	v37 =	vadd.s32 v24, v26;
	[tilespmem:$0x2BF0] =	vst v35  }
0xf8: {  	v40 =	vld [tilespmem:$0xC70];
	v39 =	vadd.s32 v24, v28;
	[tilespmem:$0x2C00] =	vst v37  }
0xf9: {  	v42 =	vld [tilespmem:$0x1C80];
	v41 =	vadd.s32 v24, v30;
	[tilespmem:$0x2C10] =	vst v39  }
0xfa: {  	v44 =	vld [tilespmem:$0xC80];
	v43 =	vadd.s32 v24, v32;
	[tilespmem:$0x2C20] =	vst v41  }
0xfb: {  	v45 =	vadd.s32 v24, v34;
	v46 =	vld [tilespmem:$0xC90];
	[tilespmem:$0x2C30] =	vst v43  }
0xfc: {  	v47 =	vadd.s32 v24, v36;
	v48 =	vld [tilespmem:$0xCA0];
	[tilespmem:$0x2C40] =	vst v45  }
0xfd: {  	v49 =	vadd.s32 v24, v38;
	v50 =	vld [tilespmem:$0xCB0];
	[tilespmem:$0x2C50] =	vst v47  }
0xfe: {  	v51 =	vadd.s32 v24, v40;
	v52 =	vld [tilespmem:$0xCC0];
	[tilespmem:$0x2C60] =	vst v49  }
0xff: {  	v54 =	vld [tilespmem:$0xCD0];
	[tilespmem:$0x2C70] =	vst v51;
	v53 =	vadd.s32 v42, v44  }
0x100: {  	v56 =	vld [tilespmem:$0xCE0];
	[tilespmem:$0x2C80] =	vst v53;
	v55 =	vadd.s32 v42, v46  }
0x101: {  	v58 =	vld [tilespmem:$0xCF0];
	v57 =	vadd.s32 v42, v48;
	[tilespmem:$0x2C90] =	vst v55  }
0x102: {  	v59 =	vadd.s32 v42, v50;
	[tilespmem:$0x2CA0] =	vst v57  }
0x103: {  	v60 =	vadd.s32 v42, v52;
	[tilespmem:$0x2CB0] =	vst v59  }
0x104: {  	v61 =	vadd.s32 v42, v54;
	[tilespmem:$0x2CC0] =	vst v60  }
0x105: {  	v62 =	vadd.s32 v42, v56;
	[tilespmem:$0x2CD0] =	vst v61  }
0x106: {  	p0 =	sne.s32 s7, $0x1;
	v63 =	vadd.s32 v42, v58;
	[tilespmem:$0x2CE0] =	vst v62  }
.Ltmp0:
0x107: {  	[tilespmem:$0x2CF0] =	vst v63;
	(pc) =	sbr.rel @p0 .LBB2_1-.Ltmp0, $4  }
0x108: {  	[hbm4b:s6+s14] =	stream.strided.scatter [tilespmem:s15], [sflag:$0x2], $0xD00, s8, s14, $0x38;
	[tilespmem:$0x2D00] =	vst v63  }
0x109: {  	_ =	swait.ge [sflag:s12], $0xD00  }
0x10a: {  	[sflag:s12] =	ssyncset.done $0x0  }
0x10b: {  	s7 =	sadd.s32 $0xFFFFFFFF, s7;
	[sflag:s12] =	ssyncadd.s32 $0xFFFFF300  }
0x10c: {  	_ =	sfence.sel $0x180000  }
0x10d: {  	[bflag:$0x0] =	sbarrier.arrive $0xFFFF  }
0x10e: {  	p0 =	sne.s32 s0, $0x0;
	_ =	strace $0x90000047  }
0x10f: {  	s0 =	sadd.s32 @!p0 $0x100000, s2;
	[bflag:$0x2] =	sbarrier.arrive $0xFFFF  }
0x110: {  	[sflag:s0] =	ssyncadd.tile.s32 @!p0 $0x1;
	_ =	shalt  }
.Lfunc_end2:
_tile_overlayer_lowered:
.L_overlay_start_2:
0x111: {  	(tag) =	ssettag $0x2  }
0x112: {  	s0 =	rddreg [dreg:$0x0];
	s2 =	stileid.u32  }
0x113: {  	s1 =	rddreg [dreg:$0x1];
	p0 =	sne.s32 s2, $0x0  }
0x114: {  	s3 =	rddreg [dreg:$0x2];
	[bflag:$0x3] =	sbarrier.arrive $0xFFFF;
	s2 =	simm.s32 @!p0 $0x1C02  }
0x115: {  	[timem:s3], [sflag:s2] =	dma.local @!p0 [hbm:s0], s1  }
0x116: {  	s0 =	simm.s32 @!p0 $0x2  }
0x117: {  	_ =	swait.ge @!p0 [sflag:s0], s1  }
0x118: {  	s1 =	ssub.s32 @!p0 $0x0, s1;
	[sflag:s0] =	ssyncset.done @!p0 $0x0  }
0x119: {  	[sflag:s0] =	ssyncadd.s32 @!p0 s1  }
0x11a: {  	[bflag:$0x3] =	sbarrier.arrive $0xFFFF  }
0x11b: {  	_ =	shalt  }

// kernel: kernel.7.cloned.1.call-start
scs
__scs_entry_jumppad:
0x0: {  	(pc) =	sbr.rel $0x88, $3  }
0x1: {  	(tag) =	ssettag $0x0;
	lr =	simm.s32 $0x1  }
0x2: {  	[smem:$0x3F9D] =	sst lr;
	_ =	strace $0xD0000000  }
0x3: {  	_ = 	snop  }
0x4: {  	_ = 	snop  }
0x5: {  	_ = 	snop  }
0x6: {  	_ = 	snop  }
0x7: {  	_ = 	snop  }
__scs_overlays_trampoline_lowered:
0x8: {  	[smem:$0x3FAC] =	sst s0  }
0x9: {  	[smem:$0x3FAD] =	sst s1  }
0xa: {  	[smem:$0x3FAE] =	sst s2  }
0xb: {  	[smem:$0x3FAF] =	sst s3  }
0xc: {  	[smem:$0x3FB0] =	sst s4  }
0xd: {  	[smem:$0x3FB1] =	sst s5  }
0xe: {  	[smem:$0x3FB2] =	sst s6  }
0xf: {  	[smem:$0x3FB3] =	sst s7  }
0x10: {  	[smem:$0x3FB4] =	sst s8  }
0x11: {  	[smem:$0x3FB5] =	sst s9;
	s0 =	simm.s32 @!p0 $0x0  }
0x12: {  	s1 =	sld [smem:$0x3F9B];
	s0 =	simm.s32 @p0 $0x1  }
0x13: {  	[smem:$0x3FB6] =	sst s0;
	s0 =	simm.s32 @!p1 $0x0  }
0x14: {  	s2 =	sld [smem:$0x3F9A];
	s0 =	simm.s32 @p1 $0x1  }
0x15: {  	[smem:$0x3FB7] =	sst s0;
	s0 =	simm.s32 @!p2 $0x0  }
0x16: {  	s3 =	sld [smem:$0x3FDB];
	s0 =	simm.s32 @p2 $0x1  }
0x17: {  	s4 =	simm.s32 $0x1BF5;
	[smem:$0x3FB9] =	sst s0  }
0x18: {  	s0 =	sld [smem:$0x3F9C];
	_ =	swait.ge [sflag:s4], $0x0  }
0x19: {  	s7 =	sld [smem:$0x3F9D]  }
0x1a: {  	s8 =	sadd.s32 $0xFFFFE003, lr  }
0x1b: {  	s9 =	sadd.s32 $0xFFFFFEF7, lr;
	s5 =	simm.s32 $0xFFFFFFFF;
	p2 =	slt.u32 s8, $0xFFFFF086  }
0x1c: {  	p1 =	slt.u32 s9, $0xF7A;
	s5 =	simm.s32 @!p2 $0x0  }
0x1d: {  	s5 =	simm.s32 @p1 $0x1;
	p0 =	seq.s32 s7, s2  }
0x1e: {  	s7 =	smul.u32 @!p0 $0xF7A, s2;
	p2 =	seq.s32 @!p0 s5, $0x0  }
0x1f: {  	s9 =	smul.u32 $0xF7A, s1;
	s8 =	simm.s32 @!p0 $0x1BF5;
	p2 =	por !p2, p0  }
0x20: {  	[sflag:s8] =	ssyncset.s32 @!p0 $0xFFFFF086;
	s6 =	sadd.s32 @!p0 s3, s7;
	s7 =	simm.s32 @!p0 $0x108  }
0x21: {  	s3 =	sadd.s32 s3, s9;
	s6 =	sadd.s32 @!p0 $0x88, s6;
	s7 =	simm.s32 @p2 $0x1082  }
0x22: {  	[simem:s7], [sflag:s8] =	dma.local @!p0 [hbm:s6], $0xF7A  }
0x23: {  	s9 =	sor.u32 $0xD0000000, s2;
	s6 =	simm.s32 $0x108;
	_ =	swait.ge @!p0 [sflag:s8], $0x0  }
0x24: {  	s3 =	sadd.s32 $0x88, s3;
	s6 =	simm.s32 @!p1 $0x1082;
	[sflag:s4] =	ssyncset.s32 $0xFFFFF086  }
0x25: {  	[simem:s6], [sflag:s4] =	dma.local [hbm:s3], $0xF7A  }
0x26: {  	[smem:$0x3F9D] =	sst s1;
	(tag) =	ssettag s2;
	_ =	strace s9  }
0x27: {  	s1 =	sld [smem:$0x3FAD]  }
0x28: {  	s2 =	sld [smem:$0x3FAE]  }
0x29: {  	s4 =	sld [smem:$0x3FB0]  }
0x2a: {  	p0 =	seq.s32 s5, $0x0;
	s5 =	sld [smem:$0x3FB1]  }
0x2b: {  	s6 =	sld [smem:$0x3FB2]  }
0x2c: {  	s7 =	sld [smem:$0x3FB3]  }
0x2d: {  	s3 =	simm.s32 $0x108;
	s8 =	sld [smem:$0x3FB4]  }
0x2e: {  	s3 =	simm.s32 @!p0 $0x1082;
	s9 =	sld [smem:$0x3FB5]  }
0x2f: {  	lr =	sadd.s32 s0, s3;
	s0 =	sld [smem:$0x3FAC]  }
0x30: {  	s3 =	sld [smem:$0x3FAF]  }
0x31: {  	[smem:$0x3FB8] =	sst s10  }
0x32: {  	s10 =	sld [smem:$0x3FB6];
	_ =	sdelay $0x3  }
0x33: {  	p0 =	seq.s32 s10, $0x1;
	s10 =	sld [smem:$0x3FB8];
	_ =	sdelay $0x3  }
0x34: {  	[smem:$0x3FB8] =	sst s10  }
0x35: {  	s10 =	sld [smem:$0x3FB7];
	_ =	sdelay $0x3  }
0x36: {  	p1 =	seq.s32 s10, $0x1;
	s10 =	sld [smem:$0x3FB8];
	_ =	sdelay $0x3  }
0x37: {  	[smem:$0x3FB8] =	sst s10  }
0x38: {  	s10 =	sld [smem:$0x3FB9]  }
0x39: {  	_ = 	snop;
	(pc) =	sbr.ind lr, $3  }
0x3a: {  	_ = 	snop  }
0x3b: {  	_ = 	snop  }
0x3c: {  	p2 =	seq.s32 s10, $0x1;
	s10 =	sld [smem:$0x3FB8]  }
0x3d: {  	_ =	shalt  }
0x3e: {  	_ =	shalt  }
0x3f: {  	_ =	shalt  }
0x40: {  	_ =	shalt  }
0x41: {  	_ =	shalt  }
0x42: {  	_ =	shalt  }
0x43: {  	_ =	shalt  }
0x44: {  	_ =	shalt  }
0x45: {  	_ =	shalt  }
0x46: {  	_ =	shalt  }
0x47: {  	_ =	shalt  }
0x48: {  	_ =	shalt  }
0x49: {  	_ =	shalt  }
0x4a: {  	_ =	shalt  }
0x4b: {  	_ =	shalt  }
0x4c: {  	_ =	shalt  }
0x4d: {  	_ =	shalt  }
0x4e: {  	_ =	shalt  }
0x4f: {  	_ =	shalt  }
0x50: {  	_ =	shalt  }
0x51: {  	_ =	shalt  }
0x52: {  	_ =	shalt  }
0x53: {  	_ =	shalt  }
0x54: {  	_ =	shalt  }
0x55: {  	_ =	shalt  }
0x56: {  	_ =	shalt  }
0x57: {  	_ =	shalt  }
0x58: {  	_ =	shalt  }
0x59: {  	_ =	shalt  }
0x5a: {  	_ =	shalt  }
0x5b: {  	_ =	shalt  }
0x5c: {  	_ =	shalt  }
0x5d: {  	_ =	shalt  }
0x5e: {  	_ =	shalt  }
0x5f: {  	_ =	shalt  }
0x60: {  	_ =	shalt  }
0x61: {  	_ =	shalt  }
0x62: {  	_ =	shalt  }
0x63: {  	_ =	shalt  }
0x64: {  	_ =	shalt  }
0x65: {  	_ =	shalt  }
0x66: {  	_ =	shalt  }
0x67: {  	_ =	shalt  }
0x68: {  	_ =	shalt  }
0x69: {  	_ =	shalt  }
0x6a: {  	_ =	shalt  }
0x6b: {  	_ =	shalt  }
0x6c: {  	_ =	shalt  }
0x6d: {  	_ =	shalt  }
0x6e: {  	_ =	shalt  }
0x6f: {  	_ =	shalt  }
0x70: {  	_ =	shalt  }
0x71: {  	_ =	shalt  }
0x72: {  	_ =	shalt  }
0x73: {  	_ =	shalt  }
0x74: {  	_ =	shalt  }
0x75: {  	_ =	shalt  }
0x76: {  	_ =	shalt  }
0x77: {  	_ =	shalt  }
0x78: {  	_ =	shalt  }
0x79: {  	_ =	shalt  }
0x7a: {  	_ =	shalt  }
0x7b: {  	_ =	shalt  }
0x7c: {  	_ =	shalt  }
0x7d: {  	_ =	shalt  }
0x7e: {  	_ =	shalt  }
0x7f: {  	_ =	shalt  }
0x80: {  	_ =	shalt  }
0x81: {  	_ =	shalt  }
0x82: {  	_ =	shalt  }
0x83: {  	_ =	shalt  }
0x84: {  	_ =	shalt  }
0x85: {  	_ =	shalt  }
0x86: {  	_ =	shalt  }
0x87: {  	_ =	shalt  }
.Lfunc_end0:
.L_simem_size_0:
called_computation.1_lowered:
.L_overlay_start_0:
0x88: {  	s2 =	sld [smem:$0x3FD9]  }
0x89: {  	s3 =	sld [smem:$0x3FFE];
	_ =	sdelay $0x1  }
0x8a: {  	s1 =	srdreg.scid  }
0x8b: {  	s0 =	sand.u32 $0x1, s1  }
0x8c: {  	s17 =	sshll.u32 s0, $0xA;
	s2 =	sadd.s32 s3, s2  }
0x8d: {  	s2 =	sadd.s32 s2, s17  }
0x8e: {  	[smem:$0x3FC4] =	sst s2  }
0x8f: {  	_ = 	snop  }
0x90: {  	s2 =	sld [smem:$0x3FD0];
	(tm) =	ssettm $0x1  }
0x91: {  	s18 =	sld [smem:$0x3FFB];
	_ =	sdelay $0x3  }
0x92: {  	_ =	strace s18  }
0x93: {  	s3 =	sld [smem:$0x3FFC];
	_ =	sdelay $0x3  }
0x94: {  	_ =	strace s3  }
0x95: {  	s3 =	sld [smem:$0x3FFD];
	_ =	sdelay $0x3  }
0x96: {  	_ =	strace s3  }
0x97: {  	_ =	strace $0x8FFFFFFF  }
0x98: {  	s19 =	sld [smem:$0x3FDB];
	_ =	sdelay $0x1  }
0x99: {  	s4 =	simm.s32 $_scs_section_size  }
0x9a: {  	s5 =	simm.s32 $_size__tile_overlayer_lowered;
	s6 =	simm.s32 $_tile_overlayer_lowered  }
0x9b: {  	s22 =	simm.s32 $0x1BFF;
	s21 =	sshll.u32 s6, $0x1;
	s3 =	sadd.s32 s4, s19  }
0x9c: {  	s7 =	simm.s32 $0x0;
	s20 =	sshll.u32 s5, $0x1;
	s5 =	sadd.s32 s21, s3  }
0x9d: {  	[timem:s7], [sflag:s22] =	dma.local [hbm:s5], s20  }
0x9e: {  	_ =	swait.ge [sflag:s22], s20  }
0x9f: {  	s4 =	ssub.s32 $0x0, s20;
	[sflag:s22] =	ssyncset.done $0x0  }
0xa0: {  	[sflag:s22] =	ssyncadd.s32 s4;
	_ =	sdelay $0x1  }
0xa1: {  	s23 =	simm.s32 $0x1B8B  }
0xa2: {  	_ =	swait.ge [sflag:s23], $0x1  }
0xa3: {  	[sflag:s23] =	ssyncset.done $0x0  }
0xa4: {  	s25 =	simm.s32 $0x1B8E;
	s24 =	sld [smem:$0x3FFE];
	[sflag:s23] =	ssyncadd.s32 $0xFFFFFFFF  }
0xa5: {  	s26 =	simm.s32 $execute0_lowered;
	[smem:$0x3FD2] =	sst s25  }
0xa6: {  	s5 =	sshll.u32 s26, $0x1;
	_ =	strace $0x80000049;
	[dreg:$0x1] =	wrdreg $0xFFFFFFFF  }
0xa7: {  	s28 =	simm.s32 $_size_execute0_lowered;
	s3 =	sadd.s32 s3, s5;
	[dreg:$0x0] =	wrdreg $0x0  }
0xa8: {  	s5 =	sshll.u32 s28, $0x1;
	[dreg:$0x2] =	wrdreg s3  }
0xa9: {  	[dreg:$0x3] =	wrdreg s5  }
0xaa: {  	[dreg:$0x4] =	wrdreg $0xC0  }
0xab: {  	_ =	task [dreg:s7], $0x5FFFF  }
0xac: {  	[dreg:$0x1] =	wrdreg $0xFFFFFFFF  }
0xad: {  	[dreg:$0x0] =	wrdreg $0x60  }
0xae: {  	[dreg:$0x2] =	wrdreg s24  }
0xaf: {  	[dreg:$0x3] =	wrdreg s2  }
0xb0: {  	[dreg:$0x4] =	wrdreg $0x9  }
0xb1: {  	_ =	task.clear_ibuf [dreg:s7], $0x5FFFF;
	_ =	strace $0x90000049  }
0xb2: {  	s29 =	simm.s32 $0x9;
	_ =	strace $0x8000004B  }
0xb3: {  	_ =	swait.ge [sflag:s29], $0x1  }
0xb4: {  	[sflag:s29] =	ssyncadd.s32 $0xFFFFFFFF  }
0xb5: {  	_ =	strace $0x9000004B  }
0xb6: {  	_ =	sfence  }
0xb7: {  	s30 =	sld [smem:$0x0];
	_ =	sdelay $0x2  }
0xb8: {  	s31 =	sshll.u32 s1, $0xD;
	s1 =	sshrl.u32 s1, $0x2  }
0xb9: {  	s3 =	sand.u32 $0x4000, s31;
	s1 =	sadd.s32 s1, s30  }
0xba: {  	s0 =	sor.u32 s3, s0;
	s1 =	sshll.u32 s1, $0x11  }
0xbb: {  	s0 =	sor.u32 s1, s0  }
0xbc: {  	s0 =	sadd.s32 $0x8F2B, s0  }
0xbd: {  	[sflag:s0] =	ssyncadd.remote.s32 $0x1  }
0xbe: {  	_ =	sfence.sel $0xFFFF  }
0xbf: {  	[dreg:$0x0] =	wrdreg $0xFFFFFFFF;
	(pc) =	sbr.abs _section_cstart, $3  }
0xc0: {  	[dreg:$0x1] =	wrdreg $0xFFFFFFFF  }
0xc1: {  	_ =	task.clear_ibuf [dreg:s7], $0x2FFFF;
	_ =	strace $0x9FFFFFFF  }
0xc2: {  	(tm) =	ssettm $0x7FFFFFFF  }
0xc3: {  	_ =	shalt  }
tec
execute0_lowered:
.L_overlay_start_1:
0x0: {  	(tag) =	ssettag $0x1  }
0x1: {  	s1 =	srdreg.scid;
	s4 =	rddreg [dreg:$0x0]  }
0x2: {  	s0 =	stileid.u32;
	s7 =	rddreg [dreg:$0x1]  }
0x3: {  	s2 =	simm.s32 $0x0;
	s10 =	simm.s32 $0x2;
	s11 =	simm.s32 $0x1A00  }
0x4: {  	s12 =	simm.s32 $0xD00;
	s13 =	simm.s32 $0x1;
	s14 =	simm.s32 $0x1A80  }
0x5: {  	s3 =	sand.u32 $0x1, s1;
	s28 =	sshll.u32 s0, $0x1;
	s1 =	rddreg [dreg:$0x2]  }
0x6: {  	s29 =	sshrl.u32 s0, $0x2;
	[smem:$0x7FF] =	sst s2;
	s6 =	sor.u32 s3, s28  }
0x7: {  	s5 =	smul.u32 $0x6800, s29;
	_ =	strace $0x8000004A;
	s30 =	sshll.u32 s6, $0x7  }
0x8: {  	s31 =	ssub.s32 $0x2, s3;
	s3 =	sadd.s32 $0x53000, s4;
	s8 =	sand.u32 $0x380, s30  }
0x9: {  	s9 =	sshrl.u32 s31, $0x1;
	s6 =	sshll.u32 s6, $0x4;
	s5 =	sor.u32 s5, s8  }
0xa: {  	s6 =	sadd.s32 s7, s6;
	s8 =	ssub.s32 s31, s9;
	s5 =	sshrl.u32 s5, $0x3  }
0xb: {  	s9 =	simm.s32 $0x400;
	s7 =	smax.u32 s8, $0x1;
	s5 =	sadd.s32 s5, s4  }
0xc: {  	s8 =	simm.s32 $0x80;
	s4 =	sadd.s32 $0x3A00, s4;
	s5 =	sadd.s32 $0x400, s5  }
.LBB2_1:
0xd: {  	[tilespmem:s2], [sflag:$0x2] =	stream.strided.gather [hbm4b:s5+s8], $0xD00, s9, s8, $0x38;
	[tilespmem:$0x1B00] =	vst v63  }
0xe: {  	_ =	swait.ge [sflag:s10], $0xD00  }
0xf: {  	[sflag:s10] =	ssyncset.done $0x0  }
0x10: {  	[sflag:s10] =	ssyncadd.s32 $0xFFFFF300  }
0x11: {  	[tilespmem:s11], [sflag:$0x2] =	stream.linear.gather [hbm4b:s3+s2], $0x80, $0x38;
	[tilespmem:$0x1B00] =	vst v63  }
0x12: {  	_ =	swait.ge [sflag:s10], $0x80  }
0x13: {  	[sflag:s10] =	ssyncset.done $0x0  }
0x14: {  	[sflag:s10] =	ssyncadd.s32 $0xFFFFFF80  }
0x15: {  	[tilespmem:s12], [sflag:$0x1] =	stream.indirect.gather [hbm4b:s4+s12], $0x1, s2, s12, $0xb8;
	[tilespmem:$0x1B00] =	vst v63  }
0x16: {  	_ =	swait.ge [sflag:s13], $0xD00  }
0x17: {  	[sflag:s13] =	ssyncset.done $0x0  }
0x18: {  	[sflag:s13] =	ssyncadd.s32 $0xFFFFF300  }
0x19: {  	v0 =	vld [tilespmem:$0x10E0];
	_ =	sdelay $0x4  }
0x1a: {  	[tilespmem:$0x1FCD0] =	vst v0;
	v0 =	vld [tilespmem:$0x10F0];
	_ =	sdelay $0x4  }
0x1b: {  	[tilespmem:$0x1FCE0] =	vst v0;
	v0 =	vld [tilespmem:$0x1100];
	_ =	sdelay $0x4  }
0x1c: {  	[tilespmem:$0x1FCF0] =	vst v0;
	v0 =	vld [tilespmem:$0x1110];
	_ =	sdelay $0x4  }
0x1d: {  	[tilespmem:$0x1FD00] =	vst v0;
	v0 =	vld [tilespmem:$0x1120];
	_ =	sdelay $0x4  }
0x1e: {  	[tilespmem:$0x1FD10] =	vst v0;
	v0 =	vld [tilespmem:$0x1130];
	_ =	sdelay $0x4  }
0x1f: {  	[tilespmem:$0x1FD20] =	vst v0;
	v0 =	vld [tilespmem:$0x1140];
	_ =	sdelay $0x4  }
0x20: {  	[tilespmem:$0x1FD30] =	vst v0;
	v0 =	vld [tilespmem:$0x1150];
	_ =	sdelay $0x4  }
0x21: {  	[tilespmem:$0x1FD40] =	vst v0;
	v0 =	vld [tilespmem:$0x1160];
	_ =	sdelay $0x4  }
0x22: {  	[tilespmem:$0x1FD50] =	vst v0;
	v0 =	vld [tilespmem:$0x1170];
	_ =	sdelay $0x4  }
0x23: {  	[tilespmem:$0x1FD60] =	vst v0;
	v0 =	vld [tilespmem:$0x1180];
	_ =	sdelay $0x4  }
0x24: {  	[tilespmem:$0x1FD70] =	vst v0;
	v0 =	vld [tilespmem:$0x1190];
	_ =	sdelay $0x4  }
0x25: {  	[tilespmem:$0x1FD80] =	vst v0;
	v0 =	vld [tilespmem:$0x11A0];
	_ =	sdelay $0x4  }
0x26: {  	[tilespmem:$0x1FD90] =	vst v0;
	v0 =	vld [tilespmem:$0x11B0];
	_ =	sdelay $0x4  }
0x27: {  	[tilespmem:$0x1FDA0] =	vst v0;
	v0 =	vld [tilespmem:$0x11C0];
	_ =	sdelay $0x4  }
0x28: {  	[tilespmem:$0x1FDB0] =	vst v0;
	v0 =	vld [tilespmem:$0x11D0];
	_ =	sdelay $0x4  }
0x29: {  	[tilespmem:$0x1FDC0] =	vst v0;
	v0 =	vld [tilespmem:$0x11E0];
	_ =	sdelay $0x4  }
0x2a: {  	[tilespmem:$0x1FDD0] =	vst v0;
	v0 =	vld [tilespmem:$0x11F0];
	_ =	sdelay $0x4  }
0x2b: {  	[tilespmem:$0x1FDE0] =	vst v0;
	v0 =	vld [tilespmem:$0x1200];
	_ =	sdelay $0x4  }
0x2c: {  	[tilespmem:$0x1FDF0] =	vst v0;
	v0 =	vld [tilespmem:$0x1210];
	_ =	sdelay $0x4  }
0x2d: {  	[tilespmem:$0x1FE00] =	vst v0;
	v0 =	vld [tilespmem:$0x1220];
	_ =	sdelay $0x4  }
0x2e: {  	[tilespmem:$0x1FE10] =	vst v0;
	v0 =	vld [tilespmem:$0x1230];
	_ =	sdelay $0x4  }
0x2f: {  	[tilespmem:$0x1FE20] =	vst v0;
	v0 =	vld [tilespmem:$0x1240];
	_ =	sdelay $0x4  }
0x30: {  	[tilespmem:$0x1FE30] =	vst v0;
	v0 =	vld [tilespmem:$0x1250];
	_ =	sdelay $0x4  }
0x31: {  	[tilespmem:$0x1FE40] =	vst v0;
	v0 =	vld [tilespmem:$0x1260];
	_ =	sdelay $0x4  }
0x32: {  	[tilespmem:$0x1FE50] =	vst v0;
	v0 =	vld [tilespmem:$0x1270];
	_ =	sdelay $0x4  }
0x33: {  	[tilespmem:$0x1FE60] =	vst v0;
	v0 =	vld [tilespmem:$0x1280];
	_ =	sdelay $0x4  }
0x34: {  	[tilespmem:$0x1FE70] =	vst v0;
	v0 =	vld [tilespmem:$0x1290];
	_ =	sdelay $0x3  }
0x35: {  	v2 =	vld [tilespmem:$0x1A00]  }
0x36: {  	[tilespmem:$0x1FE80] =	vst v0;
	v0 =	vld [tilespmem:$0x12A0]  }
0x37: {  	v5 =	vld [tilespmem:$0xD00]  }
0x38: {  	v11 =	vld [tilespmem:$0xD10]  }
0x39: {  	v14 =	vld [tilespmem:$0xD20]  }
0x3a: {  	v20 =	vld [tilespmem:$0xD30]  }
0x3b: {  	[tilespmem:$0x1FE90] =	vst v0;
	v0 =	vld [tilespmem:$0x12B0]  }
0x3c: {  	v21 =	vld [tilespmem:$0xD40]  }
0x3d: {  	v25 =	vld [tilespmem:$0xD50]  }
0x3e: {  	v28 =	vld [tilespmem:$0xD60]  }
0x3f: {  	v33 =	vld [tilespmem:$0xD70]  }
0x40: {  	[tilespmem:$0x1FEA0] =	vst v0;
	v0 =	vld [tilespmem:$0x12C0]  }
0x41: {  	v36 =	vld [tilespmem:$0xD80]  }
0x42: {  	v41 =	vld [tilespmem:$0xD90]  }
0x43: {  	v44 =	vld [tilespmem:$0xDA0]  }
0x44: {  	v49 =	vld [tilespmem:$0xDB0]  }
0x45: {  	[tilespmem:$0x1FEB0] =	vst v0;
	v0 =	vld [tilespmem:$0x12D0]  }
0x46: {  	v52 =	vld [tilespmem:$0xDC0]  }
0x47: {  	v57 =	vld [tilespmem:$0xDD0]  }
0x48: {  	v60 =	vld [tilespmem:$0xDE0]  }
0x49: {  	v1 =	vld [tilespmem:$0xDF0]  }
0x4a: {  	[tilespmem:$0x1FEC0] =	vst v0;
	v0 =	vld [tilespmem:$0x12E0]  }
0x4b: {  	v4 =	vld [tilespmem:$0xE00]  }
0x4c: {  	v3 =	vld [tilespmem:$0xE10]  }
0x4d: {  	v7 =	vld [tilespmem:$0xE20]  }
0x4e: {  	v6 =	vld [tilespmem:$0xE30]  }
0x4f: {  	[tilespmem:$0x1FED0] =	vst v0;
	v0 =	vld [tilespmem:$0x12F0]  }
0x50: {  	v9 =	vld [tilespmem:$0xE40]  }
0x51: {  	v8 =	vld [tilespmem:$0xE50]  }
0x52: {  	v12 =	vld [tilespmem:$0xE60]  }
0x53: {  	v10 =	vld [tilespmem:$0xE70]  }
0x54: {  	[tilespmem:$0x1FEE0] =	vst v0;
	v0 =	vld [tilespmem:$0x1300]  }
0x55: {  	v15 =	vld [tilespmem:$0xE80]  }
0x56: {  	v13 =	vld [tilespmem:$0xE90]  }
0x57: {  	v17 =	vld [tilespmem:$0xEA0]  }
0x58: {  	v16 =	vld [tilespmem:$0xEB0]  }
0x59: {  	[tilespmem:$0x1FEF0] =	vst v0;
	v0 =	vld [tilespmem:$0x1310]  }
0x5a: {  	v19 =	vld [tilespmem:$0xEC0]  }
0x5b: {  	v18 =	vld [tilespmem:$0xED0]  }
0x5c: {  	v23 =	vld [tilespmem:$0xEE0]  }
0x5d: {  	v22 =	vld [tilespmem:$0xEF0]  }
0x5e: {  	[tilespmem:$0x1FF00] =	vst v0;
	v0 =	vld [tilespmem:$0x1320]  }
0x5f: {  	v26 =	vld [tilespmem:$0xF00]  }
0x60: {  	v24 =	vld [tilespmem:$0xF10]  }
0x61: {  	v29 =	vld [tilespmem:$0xF20]  }
0x62: {  	v27 =	vld [tilespmem:$0xF30]  }
0x63: {  	[tilespmem:$0x1FF10] =	vst v0;
	v0 =	vld [tilespmem:$0x1330]  }
0x64: {  	v31 =	vld [tilespmem:$0xF40]  }
0x65: {  	v30 =	vld [tilespmem:$0xF50]  }
0x66: {  	v34 =	vld [tilespmem:$0xF60]  }
0x67: {  	v32 =	vld [tilespmem:$0xF70]  }
0x68: {  	[tilespmem:$0x1FF20] =	vst v0;
	v0 =	vld [tilespmem:$0x1340]  }
0x69: {  	v37 =	vld [tilespmem:$0xF80]  }
0x6a: {  	v35 =	vld [tilespmem:$0xF90]  }
0x6b: {  	v38 =	vld [tilespmem:$0xFA0]  }
0x6c: {  	v39 =	vld [tilespmem:$0xFB0]  }
0x6d: {  	[tilespmem:$0x1FF30] =	vst v0;
	v0 =	vld [tilespmem:$0x1350]  }
0x6e: {  	v40 =	vld [tilespmem:$0xFC0]  }
0x6f: {  	v42 =	vld [tilespmem:$0xFD0]  }
0x70: {  	v43 =	vld [tilespmem:$0xFE0]  }
0x71: {  	v45 =	vld [tilespmem:$0xFF0]  }
0x72: {  	[tilespmem:$0x1FF40] =	vst v0;
	v0 =	vld [tilespmem:$0x1360]  }
0x73: {  	v46 =	vld [tilespmem:$0x1000]  }
0x74: {  	v47 =	vld [tilespmem:$0x1010]  }
0x75: {  	v50 =	vld [tilespmem:$0x1020]  }
0x76: {  	v48 =	vld [tilespmem:$0x1030]  }
0x77: {  	[tilespmem:$0x1FF50] =	vst v0;
	v0 =	vld [tilespmem:$0x1370]  }
0x78: {  	v53 =	vld [tilespmem:$0x1040]  }
0x79: {  	v51 =	vld [tilespmem:$0x1050]  }
0x7a: {  	v54 =	vld [tilespmem:$0x1060]  }
0x7b: {  	v55 =	vld [tilespmem:$0x1070]  }
0x7c: {  	[tilespmem:$0x1FF60] =	vst v0;
	v0 =	vld [tilespmem:$0x1380]  }
0x7d: {  	v56 =	vld [tilespmem:$0x1080]  }
0x7e: {  	v58 =	vld [tilespmem:$0x1090]  }
0x7f: {  	v63 =	vld [tilespmem:$0x10A0]  }
0x80: {  	v59 =	vld [tilespmem:$0x10B0]  }
0x81: {  	[tilespmem:$0x1FF70] =	vst v0;
	v0 =	vld [tilespmem:$0x1390]  }
0x82: {  	v61 =	vld [tilespmem:$0x10C0];
	v11 =	vadd.f32 v11, v2  }
0x83: {  	v62 =	vld [tilespmem:$0x10D0];
	v5 =	vadd.f32 v5, v2;
	v14 =	vadd.f32 v14, v2  }
0x84: {  	v20 =	vadd.f32 v20, v2;
	v11 =	vadd.f32 v41, v11;
	v41 =	vld [tilespmem:$0x1400]  }
0x85: {  	v21 =	vadd.f32 v21, v2;
	v5 =	vadd.f32 v36, v5;
	v36 =	vld [tilespmem:$0x1440]  }
0x86: {  	v28 =	vadd.f32 v28, v2;
	v14 =	vadd.f32 v44, v14;
	[tilespmem:$0x1FF80] =	vst v0;
	v0 =	vld [tilespmem:$0x13A0]  }
0x87: {  	v20 =	vadd.f32 v49, v20;
	v21 =	vadd.f32 v52, v21;
	v44 =	vld [tilespmem:$0x1460]  }
0x88: {  	v28 =	vadd.f32 v60, v28;
	v49 =	vld [tilespmem:$0x1470];
	v3 =	vadd.f32 v3, v11  }
0x89: {  	v60 =	vadd.f32 v7, v14;
	v14 =	vadd.f32 v6, v20;
	v11 =	vld [tilespmem:$0x14E0]  }
0x8a: {  	v20 =	vadd.f32 v9, v21;
	v28 =	vadd.f32 v12, v28;
	v12 =	vld [tilespmem:$0x1510]  }
0x8b: {  	v3 =	vadd.f32 v13, v3;
	[tilespmem:$0x1FF90] =	vst v0;
	v0 =	vld [tilespmem:$0x13B0]  }
0x8c: {  	v6 =	vadd.f32 v19, v20;
	v20 =	vld [tilespmem:$0x14C0]  }
0x8d: {  	v13 =	vld [tilespmem:$0x1520];
	v3 =	vadd.f32 v24, v3  }
0x8e: {  	v19 =	vld [tilespmem:$0x1570];
	v6 =	vadd.f32 v31, v6  }
0x8f: {  	[tilespmem:$0x1FFF0] =	vst v41;
	v41 =	vld [tilespmem:$0x1450];
	v3 =	vadd.f32 v35, v3  }
0x90: {  	v6 =	vadd.f32 v40, v6;
	[tilespmem:$0x1FFA0] =	vst v0;
	v0 =	vld [tilespmem:$0x13C0]  }
0x91: {  	v24 =	vld [tilespmem:$0x15A0];
	v3 =	vadd.f32 v47, v3  }
0x92: {  	v31 =	vld [tilespmem:$0x1600];
	v6 =	vadd.f32 v53, v6  }
0x93: {  	v3 =	vadd.f32 v58, v3;
	v58 =	vld [tilespmem:$0x1FCF0]  }
0x94: {  	v6 =	vadd.f32 v61, v6;
	v61 =	vld [tilespmem:$0x1FD10]  }
0x95: {  	[tilespmem:$0x1FFB0] =	vst v0;
	v0 =	vld [tilespmem:$0x13D0]  }
0x96: {  	v35 =	vld [tilespmem:$0x1FD60]  }
0x97: {  	v40 =	vld [tilespmem:$0x1FDA0]  }
0x98: {  	v47 =	vld [tilespmem:$0x1FDF0]  }
0x99: {  	v53 =	vld [tilespmem:$0x1FE30]  }
0x9a: {  	[tilespmem:$0x1FFC0] =	vst v0;
	v0 =	vadd.f32 v25, v2;
	v25 =	vld [tilespmem:$0x13E0]  }
0x9b: {  	v2 =	vadd.f32 v33, v2;
	v33 =	vld [tilespmem:$0x13F0]  }
0x9c: {  	v52 =	vadd.f32 v57, v0;
	v0 =	vld [tilespmem:$0x1420]  }
0x9d: {  	v57 =	vadd.f32 v4, v5;
	v4 =	vadd.f32 v17, v60;
	v60 =	vld [tilespmem:$0x14A0]  }
0x9e: {  	v5 =	vadd.f32 v16, v14;
	v14 =	vld [tilespmem:$0x14D0]  }
0x9f: {  	v16 =	vld [tilespmem:$0x1540]  }
0xa0: {  	v17 =	vld [tilespmem:$0x1550]  }
0xa1: {  	v21 =	vadd.f32 v8, v52;
	v52 =	vld [tilespmem:$0x1480]  }
0xa2: {  	v1 =	vadd.f32 v1, v2;
	v2 =	vadd.f32 v15, v57;
	v57 =	vld [tilespmem:$0x1490]  }
0xa3: {  	v4 =	vadd.f32 v29, v4;
	v29 =	vadd.f32 v27, v5;
	v5 =	vld [tilespmem:$0x14F0]  }
0xa4: {  	v15 =	vld [tilespmem:$0x1530]  }
0xa5: {  	v8 =	vadd.f32 v23, v28;
	v23 =	vld [tilespmem:$0x1590]  }
0xa6: {  	v27 =	vld [tilespmem:$0x15C0]  }
0xa7: {  	v28 =	vld [tilespmem:$0x15D0]  }
0xa8: {  	[tilespmem:$0x1FFD0] =	vst v25;
	v25 =	vld [tilespmem:$0x1410]  }
0xa9: {  	[tilespmem:$0x1FFE0] =	vst v33;
	v33 =	vld [tilespmem:$0x1430]  }
0xaa: {  	v1 =	vadd.f32 v10, v1;
	v7 =	vadd.f32 v18, v21;
	v21 =	vld [tilespmem:$0x14B0]  }
0xab: {  	v18 =	vld [tilespmem:$0x1560]  }
0xac: {  	v1 =	vadd.f32 v22, v1;
	v22 =	vld [tilespmem:$0x1580]  }
0xad: {  	v2 =	vadd.f32 v26, v2;
	v26 =	vld [tilespmem:$0x15B0]  }
0xae: {  	v9 =	vadd.f32 v39, v29;
	v29 =	vld [tilespmem:$0x15E0]  }
0xaf: {  	v8 =	vadd.f32 v34, v8;
	v34 =	vld [tilespmem:$0x1FD50]  }
0xb0: {  	v4 =	vadd.f32 v38, v4;
	v38 =	vld [tilespmem:$0x1FD80]  }
0xb1: {  	v39 =	vld [tilespmem:$0x1FD90]  }
0xb2: {  	v37 =	vadd.f32 v37, v2;
	v2 =	vld [tilespmem:$0x1500]  }
0xb3: {  	v1 =	vadd.f32 v32, v1;
	v32 =	vld [tilespmem:$0x1FD40]  }
0xb4: {  	v7 =	vadd.f32 v30, v7;
	v30 =	vld [tilespmem:$0x15F0]  }
0xb5: {  	v8 =	vadd.f32 v43, v8;
	v43 =	vld [tilespmem:$0x1FDC0]  }
0xb6: {  	v9 =	vadd.f32 v48, v9;
	v48 =	vld [tilespmem:$0x1FE00]  }
0xb7: {  	v4 =	vadd.f32 v50, v4;
	v50 =	vld [tilespmem:$0x1FE10]  }
0xb8: {  	v9 =	vadd.f32 v59, v9;
	v59 =	vld [tilespmem:$0x1FD00]  }
0xb9: {  	v4 =	vadd.f32 v63, v4;
	v63 =	vld [tilespmem:$0x1FD30]  }
0xba: {  	v10 =	vadd.f32 v46, v37;
	v37 =	vld [tilespmem:$0x1FD70]  }
0xbb: {  	v7 =	vadd.f32 v42, v7;
	v42 =	vld [tilespmem:$0x1FDB0]  }
0xbc: {  	v1 =	vadd.f32 v45, v1;
	v45 =	vld [tilespmem:$0x1FDD0]  }
0xbd: {  	v46 =	vld [tilespmem:$0x1FDE0]  }
0xbe: {  	v8 =	vadd.f32 v54, v8;
	v54 =	vld [tilespmem:$0x1FE40]  }
0xbf: {  	v1 =	vadd.f32 v55, v1;
	v55 =	vld [tilespmem:$0x1FCD0]  }
0xc0: {  	v10 =	vadd.f32 v56, v10;
	v56 =	vld [tilespmem:$0x1FCE0]  }
0xc1: {  	v7 =	vadd.f32 v51, v7;
	v51 =	vld [tilespmem:$0x1FE20]  }
0xc2: {  	v4 =	vadd.f32 v61, v4;
	v61 =	vld [tilespmem:$0x1FE90]  }
0xc3: {  	v7 =	vadd.f32 v62, v7;
	v62 =	vld [tilespmem:$0x1FD20]  }
0xc4: {  	v4 =	vadd.f32 v39, v4;
	v39 =	vld [tilespmem:$0x1660]  }
0xc5: {  	v10 =	vadd.f32 v58, v10;
	v58 =	vld [tilespmem:$0x1FE70]  }
0xc6: {  	v3 =	vadd.f32 v59, v3;
	v59 =	vld [tilespmem:$0x1FE80]  }
0xc7: {  	v6 =	vadd.f32 v63, v6;
	v63 =	vld [tilespmem:$0x1FEB0]  }
0xc8: {  	v7 =	vadd.f32 v32, v7;
	v32 =	vld [tilespmem:$0x1610]  }
0xc9: {  	v10 =	vadd.f32 v37, v10;
	v37 =	vld [tilespmem:$0x1640]  }
0xca: {  	v4 =	vadd.f32 v50, v4;
	v50 =	vld [tilespmem:$0x1FED0]  }
0xcb: {  	v3 =	vadd.f32 v38, v3;
	v38 =	vld [tilespmem:$0x1650]  }
0xcc: {  	v8 =	vadd.f32 v55, v8;
	v55 =	vld [tilespmem:$0x1FE50]  }
0xcd: {  	v1 =	vadd.f32 v56, v1;
	v56 =	vld [tilespmem:$0x1FE60]  }
0xce: {  	v6 =	vadd.f32 v42, v6;
	v42 =	vld [tilespmem:$0x1680]  }
0xcf: {  	v7 =	vadd.f32 v43, v7;
	v43 =	vld [tilespmem:$0x1690]  }
0xd0: {  	v10 =	vadd.f32 v47, v10;
	v47 =	vld [tilespmem:$0x16C0]  }
0xd1: {  	v4 =	vadd.f32 v61, v4;
	v61 =	vld [tilespmem:$0x1FF50]  }
0xd2: {  	v8 =	vadd.f32 v34, v8;
	v34 =	vld [tilespmem:$0x1620]  }
0xd3: {  	v1 =	vadd.f32 v35, v1;
	v35 =	vld [tilespmem:$0x1630]  }
0xd4: {  	v9 =	vadd.f32 v62, v9;
	v62 =	vld [tilespmem:$0x1FEA0]  }
0xd5: {  	v3 =	vadd.f32 v48, v3;
	v48 =	vld [tilespmem:$0x1FEC0]  }
0xd6: {  	v6 =	vadd.f32 v53, v6;
	v53 =	vld [tilespmem:$0x1FEF0]  }
0xd7: {  	v7 =	vadd.f32 v54, v7;
	v54 =	vld [tilespmem:$0x1FF00]  }
0xd8: {  	v10 =	vadd.f32 v58, v10;
	v58 =	vld [tilespmem:$0x1FF30]  }
0xd9: {  	v9 =	vadd.f32 v40, v9;
	v40 =	vld [tilespmem:$0x1670]  }
0xda: {  	v8 =	vadd.f32 v45, v8;
	v45 =	vld [tilespmem:$0x16A0]  }
0xdb: {  	v1 =	vadd.f32 v46, v1;
	v46 =	vld [tilespmem:$0x16B0]  }
0xdc: {  	v3 =	vadd.f32 v59, v3;
	v59 =	vld [tilespmem:$0x1FF40]  }
0xdd: {  	v6 =	vadd.f32 v63, v6;
	v63 =	vld [tilespmem:$0x1FF70]  }
0xde: {  	v9 =	vadd.f32 v51, v9;
	v51 =	vld [tilespmem:$0x1FEE0]  }
0xdf: {  	v8 =	vadd.f32 v55, v8;
	v55 =	vld [tilespmem:$0x1FF10]  }
0xe0: {  	v1 =	vadd.f32 v56, v1;
	v56 =	vld [tilespmem:$0x1FF20]  }
0xe1: {  	v7 =	vadd.f32 v48, v7;
	v48 =	vld [tilespmem:$0x16D0]  }
0xe2: {  	v10 =	vadd.f32 v53, v10;
	v53 =	vld [tilespmem:$0x1700]  }
0xe3: {  	v8 =	vadd.f32 v50, v8;
	v50 =	vld [tilespmem:$0x16E0]  }
0xe4: {  	v9 =	vadd.f32 v62, v9;
	v62 =	vld [tilespmem:$0x1FF60]  }
0xe5: {  	v6 =	vadd.f32 v58, v6;
	v58 =	vld [tilespmem:$0x1FF90]  }
0xe6: {  	v3 =	vadd.f32 v54, v3;
	v54 =	vld [tilespmem:$0x1710]  }
0xe7: {  	v7 =	vadd.f32 v59, v7;
	v59 =	vld [tilespmem:$0x1FFA0]  }
0xe8: {  	v10 =	vadd.f32 v63, v10;
	v63 =	vld [tilespmem:$0x1FFD0]  }
0xe9: {  	v8 =	vadd.f32 v61, v8;
	v61 =	vld [tilespmem:$0x1FFB0]  }
0xea: {  	v1 =	vadd.f32 v51, v1;
	v51 =	vld [tilespmem:$0x16F0]  }
0xeb: {  	v4 =	vadd.f32 v55, v4;
	v9 =	vadd.f32 v56, v9;
	v56 =	vld [tilespmem:$0x1FF80]  }
0xec: {  	v55 =	vld [tilespmem:$0x1720]  }
0xed: {  	v1 =	vadd.f32 v62, v1;
	v4 =	vadd.f32 v58, v4;
	v62 =	vld [tilespmem:$0x1FFC0]  }
0xee: {  	v58 =	vld [tilespmem:$0x1810];
	v9 =	vadd.f32 v59, v9;
	v8 =	vadd.f32 v63, v8  }
0xef: {  	v59 =	vld [tilespmem:$0x1820];
	v6 =	vadd.f32 v61, v6;
	v0 =	vadd.f32 v0, v4  }
0xf0: {  	v61 =	vld [tilespmem:$0x1FFE0];
	v3 =	vadd.f32 v56, v3;
	v63 =	vadd.f32 v33, v9  }
0xf1: {  	v56 =	vld [tilespmem:$0x1730];
	v8 =	vadd.f32 v44, v8;
	v6 =	vadd.f32 v36, v6  }
0xf2: {  	v9 =	vld [tilespmem:$0x1750];
	v0 =	vadd.f32 v60, v0;
	v7 =	vadd.f32 v62, v7  }
0xf3: {  	v33 =	vld [tilespmem:$0x1760];
	v3 =	vadd.f32 v25, v3;
	v4 =	vadd.f32 v21, v63  }
0xf4: {  	v44 =	vld [tilespmem:$0x1770];
	v8 =	vadd.f32 v11, v8;
	v6 =	vadd.f32 v20, v6  }
0xf5: {  	v60 =	vld [tilespmem:$0x1830];
	v0 =	vadd.f32 v13, v0;
	v1 =	vadd.f32 v61, v1  }
0xf6: {  	v62 =	vld [tilespmem:$0x1FFF0];
	v7 =	vadd.f32 v41, v7;
	v3 =	vadd.f32 v57, v3  }
0xf7: {  	v25 =	vld [tilespmem:$0x1740];
	v4 =	vadd.f32 v15, v4;
	v8 =	vadd.f32 v18, v8  }
0xf8: {  	v21 =	vld [tilespmem:$0x1790];
	v6 =	vadd.f32 v16, v6;
	v0 =	vadd.f32 v24, v0  }
0xf9: {  	v11 =	vld [tilespmem:$0x17D0];
	v1 =	vadd.f32 v49, v1;
	v7 =	vadd.f32 v14, v7  }
0xfa: {  	v63 =	vld [tilespmem:$0x1860];
	v3 =	vadd.f32 v12, v3;
	v4 =	vadd.f32 v26, v4  }
0xfb: {  	v41 =	vld [tilespmem:$0x1780];
	v8 =	vadd.f32 v29, v8;
	v10 =	vadd.f32 v62, v10  }
0xfc: {  	v57 =	vld [tilespmem:$0x1800];
	v6 =	vadd.f32 v27, v6;
	v0 =	vadd.f32 v34, v0  }
0xfd: {  	v61 =	vld [tilespmem:$0x1840];
	v1 =	vadd.f32 v5, v1;
	v7 =	vadd.f32 v17, v7  }
0xfe: {  	v14 =	vld [tilespmem:$0x17A0];
	v3 =	vadd.f32 v23, v3;
	v4 =	vadd.f32 v35, v4  }
0xff: {  	v49 =	vld [tilespmem:$0x17E0];
	v8 =	vadd.f32 v39, v8;
	v10 =	vadd.f32 v52, v10  }
0x100: {  	v62 =	vld [tilespmem:$0x1850];
	v6 =	vadd.f32 v37, v6;
	v0 =	vadd.f32 v45, v0  }
0x101: {  	v34 =	vld [tilespmem:$0x1870];
	v1 =	vadd.f32 v19, v1;
	v7 =	vadd.f32 v28, v7  }
0x102: {  	v5 =	vld [tilespmem:$0x17B0];
	v3 =	vadd.f32 v32, v3;
	v4 =	vadd.f32 v46, v4  }
0x103: {  	v35 =	vld [tilespmem:$0x1880];
	v8 =	vadd.f32 v50, v8;
	v2 =	vadd.f32 v2, v10  }
0x104: {  	v39 =	vld [tilespmem:$0x18B0];
	v6 =	vadd.f32 v47, v6;
	v0 =	vadd.f32 v55, v0  }
0x105: {  	v52 =	vld [tilespmem:$0x17F0];
	v1 =	vadd.f32 v30, v1;
	v7 =	vadd.f32 v38, v7  }
0x106: {  	v37 =	vld [tilespmem:$0x1890];
	v3 =	vadd.f32 v43, v3;
	v4 =	vadd.f32 v56, v4  }
0x107: {  	v45 =	vld [tilespmem:$0x1900];
	v8 =	vadd.f32 v33, v8;
	v2 =	vadd.f32 v22, v2  }
0x108: {  	v46 =	vld [tilespmem:$0x1910];
	v6 =	vadd.f32 v25, v6;
	v0 =	vadd.f32 v14, v0  }
0x109: {  	v10 =	vld [tilespmem:$0x17C0];
	v1 =	vadd.f32 v40, v1;
	v7 =	vadd.f32 v48, v7  }
0x10a: {  	v50 =	vld [tilespmem:$0x1950];
	v3 =	vadd.f32 v54, v3;
	v4 =	vadd.f32 v5, v4  }
0x10b: {  	v38 =	vld [tilespmem:$0x18A0];
	v8 =	vadd.f32 v49, v8;
	v2 =	vadd.f32 v31, v2  }
0x10c: {  	v47 =	vld [tilespmem:$0x1920];
	v0 =	vadd.f32 v59, v0;
	v1 =	vadd.f32 v51, v1  }
0x10d: {  	v55 =	vld [tilespmem:$0x19A0];
	v7 =	vadd.f32 v9, v7;
	v3 =	vadd.f32 v21, v3  }
0x10e: {  	v43 =	vld [tilespmem:$0x18E0];
	v6 =	vadd.f32 v10, v6;
	v4 =	vadd.f32 v60, v4  }
0x10f: {  	v56 =	vld [tilespmem:$0x19B0];
	v8 =	vadd.f32 v63, v8;
	v2 =	vadd.f32 v42, v2  }
0x110: {  	v40 =	vld [tilespmem:$0x18C0];
	v0 =	vadd.f32 v38, v0;
	v1 =	vadd.f32 v44, v1  }
0x111: {  	v48 =	vld [tilespmem:$0x1930];
	v7 =	vadd.f32 v11, v7;
	v3 =	vadd.f32 v58, v3  }
0x112: {  	v49 =	vld [tilespmem:$0x1940];
	v6 =	vadd.f32 v61, v6;
	v4 =	vadd.f32 v39, v4  }
0x113: {  	v51 =	vld [tilespmem:$0x1960];
	v8 =	vadd.f32 v43, v8;
	v2 =	vadd.f32 v53, v2  }
0x114: {  	v42 =	vld [tilespmem:$0x18D0];
	v0 =	vadd.f32 v47, v0;
	v1 =	vadd.f32 v52, v1  }
0x115: {  	v54 =	vld [tilespmem:$0x1990];
	v7 =	vadd.f32 v62, v7;
	v3 =	vadd.f32 v37, v3  }
0x116: {  	v59 =	vld [tilespmem:$0x19E0];
	v6 =	vadd.f32 v40, v6;
	v4 =	vadd.f32 v48, v4  }
0x117: {  	v44 =	vld [tilespmem:$0x18F0];
	v2 =	vadd.f32 v41, v2;
	v0 =	vadd.f32 v55, v0  }
0x118: {  	v58 =	vld [tilespmem:$0x19D0];
	v61 =	vadd.f32 v51, v8;
	v1 =	vadd.f32 v34, v1  }
0x119: {  	v52 =	vld [tilespmem:$0x1970];
	v7 =	vadd.f32 v42, v7;
	v3 =	vadd.f32 v46, v3  }
0x11a: {  	v6 =	vadd.f32 v49, v6;
	v2 =	vadd.f32 v57, v2;
	v57 =	vld [tilespmem:$0x19C0]  }
0x11b: {  	v60 =	vld [tilespmem:$0x19F0];
	v4 =	vadd.f32 v56, v4;
	v7 =	vadd.f32 v50, v7  }
0x11c: {  	v53 =	vld [tilespmem:$0x1980];
	[tilespmem:$0x1AA0] =	vst v0;
	v1 =	vadd.f32 v44, v1;
	v3 =	vadd.f32 v54, v3  }
0x11d: {  	[tilespmem:$0x1AB0] =	vst v4;
	v2 =	vadd.f32 v35, v2;
	v63 =	vadd.f32 v58, v7  }
0x11e: {  	[tilespmem:$0x1A90] =	vst v3;
	v62 =	vadd.f32 v52, v1;
	v3 =	vadd.f32 v59, v61  }
0x11f: {  	v2 =	vadd.f32 v45, v2;
	v5 =	vadd.f32 v57, v6;
	[tilespmem:$0x1AD0] =	vst v63  }
0x120: {  	v0 =	vadd.f32 v60, v62;
	[tilespmem:$0x1AE0] =	vst v3  }
0x121: {  	v2 =	vadd.f32 v53, v2;
	[tilespmem:$0x1AC0] =	vst v5  }
0x122: {  	p0 =	sne.s32 s7, $0x1;
	[tilespmem:$0x1AF0] =	vst v0  }
.Ltmp0:
0x123: {  	[tilespmem:$0x1A80] =	vst v2;
	(pc) =	sbr.rel @p0 .LBB2_1-.Ltmp0, $4  }
0x124: {  	[hbm4b:s6+s2] =	stream.linear.scatter [tilespmem:s14], [sflag:$0x2], $0x80, $0x38;
	[tilespmem:$0x1B00] =	vst v63  }
0x125: {  	_ =	swait.ge [sflag:s10], $0x80  }
0x126: {  	[sflag:s10] =	ssyncset.done $0x0  }
0x127: {  	s7 =	sadd.s32 $0xFFFFFFFF, s7;
	[sflag:s10] =	ssyncadd.s32 $0xFFFFFF80  }
0x128: {  	_ =	sfence.sel $0x180000  }
0x129: {  	[bflag:$0x0] =	sbarrier.arrive $0xFFFF  }
0x12a: {  	p0 =	sne.s32 s0, $0x0;
	_ =	strace $0x9000004A  }
0x12b: {  	s0 =	sadd.s32 @!p0 $0x100000, s1;
	[bflag:$0x2] =	sbarrier.arrive $0xFFFF  }
0x12c: {  	[sflag:s0] =	ssyncadd.tile.s32 @!p0 $0x1;
	_ =	shalt  }
.Lfunc_end2:
_tile_overlayer_lowered:
.L_overlay_start_2:
0x12d: {  	(tag) =	ssettag $0x2  }
0x12e: {  	s0 =	rddreg [dreg:$0x0];
	s2 =	stileid.u32  }
0x12f: {  	s1 =	rddreg [dreg:$0x1];
	p0 =	sne.s32 s2, $0x0  }
0x130: {  	s3 =	rddreg [dreg:$0x2];
	[bflag:$0x3] =	sbarrier.arrive $0xFFFF;
	s2 =	simm.s32 @!p0 $0x1C02  }
0x131: {  	[timem:s3], [sflag:s2] =	dma.local @!p0 [hbm:s0], s1  }
0x132: {  	s0 =	simm.s32 @!p0 $0x2  }
0x133: {  	_ =	swait.ge @!p0 [sflag:s0], s1  }
0x134: {  	s1 =	ssub.s32 @!p0 $0x0, s1;
	[sflag:s0] =	ssyncset.done @!p0 $0x0  }
0x135: {  	[sflag:s0] =	ssyncadd.s32 @!p0 s1  }
0x136: {  	[bflag:$0x3] =	sbarrier.arrive $0xFFFF  }
0x137: {  	_ =	shalt  }

</sc_bundles>
